<compile_context>
chip_gen: v7x
topology: tpu7x:2x2x1
jax: 0.10.2.dev20260603
libtpu: 0.0.44.dev20260713+nightly
codegen_flags: <defaults>
</compile_context>

<pallas_src>
import functools

import jax
import jax.numpy as jnp
from jax import lax
from jax.experimental import pallas as pl
from jax.experimental.pallas import tpu as pltpu
from jax.experimental.pallas import tpu_sc as plsc

N = 10000
E = 320000
D_IN = 128
D_OUT = 128
H = 32

NC = 2
NS = 16
NW = NC * NS

CHUNK = 128
NCHUNKS = 2560
EPAD = NCHUNKS * CHUNK
CH_PER_W = NCHUNKS // NW
NPAD = 10112
RPT = NPAD // NS
NBUF = 2
NHALF = 2
HCH = CH_PER_W // NHALF



def _sc_edge_segment_sum(P, src2d, dst2d):
    mesh = plsc.VectorSubcoreMesh(core_axis_name="c", subcore_axis_name="s")

    @functools.partial(
        pl.kernel,
        out_type=jax.ShapeDtypeStruct((NC, NPAD, 2 * H), jnp.float32),
        mesh=mesh,
        scratch_types=[
            pltpu.VMEM((HCH, CHUNK), jnp.int32),
            pltpu.VMEM((HCH, CHUNK), jnp.int32),
            pltpu.VMEM((NBUF, CHUNK, 2 * H), jnp.float32),
            pltpu.VMEM_SHARED((NPAD, 2 * H), jnp.float32),
            pltpu.VMEM_SHARED((NPAD, 2 * H), jnp.float32),
            pltpu.SemaphoreType.DMA((NBUF,)),
            pltpu.SemaphoreType.DMA((NBUF,)),
        ],
        compiler_params=pltpu.CompilerParams(use_tc_tiling_on_sc=False),
    )
    def k(p_hbm, src_hbm, dst_hbm, out_hbm, sidx, didx, bufs, shared,
          p_spmem, gsem, ssem):
        cid = lax.axis_index("c")
        sid = lax.axis_index("s")
        wid = cid * NS + sid

        pltpu.sync_copy(p_hbm.at[pl.ds(sid * RPT, RPT)],
                        p_spmem.at[pl.ds(sid * RPT, RPT)])

        @pl.loop(0, CHUNK * 4)
        def _zero(i):
            bufs[0, i // 4, pl.ds((i % 4) * 16, 16)] = jnp.zeros(
                (16,), jnp.float32)

        base = sid * RPT
        off = 0
        while off < RPT:
            cnt = min(CHUNK, RPT - off)
            pltpu.sync_copy(bufs.at[0, pl.ds(0, cnt)],
                            shared.at[pl.ds(base + off, cnt)])
            off += cnt
        plsc.subcore_barrier()

        def gather(j, b):
            pltpu.async_copy(p_spmem.at[sidx.at[j]], bufs.at[b], gsem.at[b])

        def wait_g(b):
            pltpu.make_async_copy(p_spmem.at[sidx.at[0]], bufs.at[b],
                                  gsem.at[b]).wait()

        def scatter(j, b):
            pltpu.async_copy(bufs.at[b], shared.at[didx.at[j]], ssem.at[b],
                             add=True)

        def wait_s(b):
            pltpu.make_async_copy(bufs.at[b], shared.at[didx.at[0]],
                                  ssem.at[b]).wait()

        for half in range(NHALF):
            hoff = wid * CH_PER_W + half * HCH
            pltpu.sync_copy(src_hbm.at[pl.ds(hoff, HCH)], sidx)
            pltpu.sync_copy(dst_hbm.at[pl.ds(hoff, HCH)], didx)

            for b in range(NBUF):
                gather(b, b)

            @pl.loop(0, HCH // NBUF)
            def _body(g):
                j0 = g * NBUF
                for b in range(NBUF):
                    wait_g(b)
                    scatter(j0 + b, b)
                for b in range(NBUF):
                    @pl.when(j0 + b + NBUF < HCH)
                    def _():
                        wait_s(b)
                        gather(j0 + b + NBUF, b)

            for b in range(NBUF):
                wait_s(b)
        plsc.subcore_barrier()
        pltpu.sync_copy(shared.at[pl.ds(base, RPT)],
                        out_hbm.at[cid, pl.ds(base, RPT)])

    return k(P, src2d, dst2d)



BN = 5000
GRID = N // BN


def _ln(u, g, b):
    mu = jnp.mean(u, axis=-1, keepdims=True)
    var = jnp.mean((u - mu) ** 2, axis=-1, keepdims=True)
    return (u - mu) / jnp.sqrt(var + 1e-5) * g + b


def _ptable(h, t):
    m = jnp.maximum(h, 0.0) + 1e-7
    ex = jnp.exp(m * t)
    return jnp.concatenate([ex, m * ex], axis=1)


def _tc1_body(t_ref, x_ref, w_ref, b_ref, h_ref, p_ref):
    h = jnp.dot(x_ref[...], w_ref[...],
                preferred_element_type=jnp.float32) + b_ref[...]
    h_ref[...] = h
    p_ref[...] = _ptable(h, t_ref[0])


def _tc1(x, W_enc, b_enc, t1):
    full = lambda s: pl.BlockSpec(s, lambda i: (0, 0))
    return pl.pallas_call(
        _tc1_body,
        grid=(GRID,),
        in_specs=[
            pl.BlockSpec(memory_space=pltpu.SMEM),
            pl.BlockSpec((BN, D_IN), lambda i: (i, 0)),
            full((D_IN, H)),
            full((1, H)),
        ],
        out_specs=[
            pl.BlockSpec((BN, H), lambda i: (i, 0)),
            pl.BlockSpec((BN, 2 * H), lambda i: (i, 0)),
        ],
        out_shape=[
            jax.ShapeDtypeStruct((N, H), jnp.float32),
            jax.ShapeDtypeStruct((NPAD, 2 * H), jnp.float32),
        ],
    )(jnp.reshape(t1, (1,)), x, W_enc, jnp.reshape(b_enc, (1, H)))


def _mix(acc0, acc1, hin):
    a = acc0 + acc1
    den = a[:, :H]
    num = a[:, H:]
    return hin + num / (den + 1e-16)


def _tc2_body(t_ref, h_ref, a0_ref, a1_ref, W1a_ref, b1a_ref, g1a_ref,
              be1a_ref, W1b_ref, b1b_ref, lng_ref, lnb_ref,
              h1_ref, z_ref, p_ref):
    hh = _mix(a0_ref[0], a1_ref[0], h_ref[...])
    u = jnp.dot(hh, W1a_ref[...], preferred_element_type=jnp.float32) + b1a_ref[...]
    u = jnp.maximum(_ln(u, g1a_ref[...], be1a_ref[...]), 0.0)
    h1 = jnp.dot(u, W1b_ref[...], preferred_element_type=jnp.float32) + b1b_ref[...]
    h1_ref[...] = h1
    z = jnp.maximum(_ln(h1, lng_ref[...], lnb_ref[...]), 0.0)
    z_ref[...] = z
    p_ref[...] = _ptable(z, t_ref[0])


def _tc2(h, acc, t2, W1a, b1a, g1a, be1a, W1b, b1b, ln1_g, ln1_b):
    full = lambda s: pl.BlockSpec(s, lambda i: (0, 0))
    row = lambda c: pl.BlockSpec((BN, c), lambda i: (i, 0))
    return pl.pallas_call(
        _tc2_body,
        grid=(GRID,),
        in_specs=[
            pl.BlockSpec(memory_space=pltpu.SMEM),
            row(H),
            pl.BlockSpec((1, BN, 2 * H), lambda i: (0, i, 0)),
            pl.BlockSpec((1, BN, 2 * H), lambda i: (1, i, 0)),
            full((H, 2 * H)), full((1, 2 * H)), full((1, 2 * H)),
            full((1, 2 * H)), full((2 * H, H)), full((1, H)),
            full((1, H)), full((1, H)),
        ],
        out_specs=[row(H), row(H), row(2 * H)],
        out_shape=[
            jax.ShapeDtypeStruct((N, H), jnp.float32),
            jax.ShapeDtypeStruct((N, H), jnp.float32),
            jax.ShapeDtypeStruct((NPAD, 2 * H), jnp.float32),
        ],
    )(jnp.reshape(t2, (1,)), h, acc, acc, W1a,
      jnp.reshape(b1a, (1, 2 * H)), jnp.reshape(g1a, (1, 2 * H)),
      jnp.reshape(be1a, (1, 2 * H)), W1b, jnp.reshape(b1b, (1, H)),
      jnp.reshape(ln1_g, (1, H)), jnp.reshape(ln1_b, (1, H)))


def _tc3_body(h1_ref, z_ref, a0_ref, a1_ref, W2a_ref, b2a_ref, g2a_ref,
              be2a_ref, W2b_ref, b2b_ref, lng_ref, lnb_ref, Wo_ref, bo_ref,
              o_ref):
    hh = _mix(a0_ref[0], a1_ref[0], z_ref[...])
    u = jnp.dot(hh, W2a_ref[...], preferred_element_type=jnp.float32) + b2a_ref[...]
    u = jnp.maximum(_ln(u, g2a_ref[...], be2a_ref[...]), 0.0)
    v = jnp.dot(u, W2b_ref[...], preferred_element_type=jnp.float32) + b2b_ref[...]
    h2 = h1_ref[...] + v
    h3 = jnp.maximum(_ln(h2, lng_ref[...], lnb_ref[...]), 0.0)
    o_ref[...] = jnp.dot(h3, Wo_ref[...],
                         preferred_element_type=jnp.float32) + bo_ref[...]


def _tc3(h1, z, acc, W2a, b2a, g2a, be2a, W2b, b2b, ln0_g, ln0_b,
         W_out, b_out):
    full = lambda s: pl.BlockSpec(s, lambda i: (0, 0))
    row = lambda c: pl.BlockSpec((BN, c), lambda i: (i, 0))
    return pl.pallas_call(
        _tc3_body,
        grid=(GRID,),
        in_specs=[
            row(H), row(H),
            pl.BlockSpec((1, BN, 2 * H), lambda i: (0, i, 0)),
            pl.BlockSpec((1, BN, 2 * H), lambda i: (1, i, 0)),
            full((H, 2 * H)), full((1, 2 * H)), full((1, 2 * H)),
            full((1, 2 * H)), full((2 * H, H)), full((1, H)),
            full((1, H)), full((1, H)),
            full((H, D_OUT)), full((1, D_OUT)),
        ],
        out_specs=row(D_OUT),
        out_shape=jax.ShapeDtypeStruct((N, D_OUT), jnp.float32),
    )(h1, z, acc, acc, W2a,
      jnp.reshape(b2a, (1, 2 * H)), jnp.reshape(g2a, (1, 2 * H)),
      jnp.reshape(be2a, (1, 2 * H)), W2b, jnp.reshape(b2b, (1, H)),
      jnp.reshape(ln0_g, (1, H)), jnp.reshape(ln0_b, (1, H)),
      W_out, jnp.reshape(b_out, (1, D_OUT)))


def kernel(x, edge_index, W_enc, b_enc, t1, W1a, b1a, g1a, be1a, W1b, b1b,
           ln0_g, ln0_b, t2, W2a, b2a, g2a, be2a, W2b, b2b, ln1_g, ln1_b,
           W_out, b_out):
    pad = EPAD - E
    src2d = jnp.concatenate(
        [edge_index[0], jnp.zeros((pad,), jnp.int32)]).reshape(NCHUNKS, CHUNK)
    dst2d = jnp.concatenate(
        [edge_index[1], jnp.full((pad,), N, jnp.int32)]).reshape(NCHUNKS, CHUNK)

    h, P1 = _tc1(x, W_enc, b_enc, t1)
    acc1 = _sc_edge_segment_sum(P1, src2d, dst2d)
    h1, z, P2 = _tc2(h, acc1, t2, W1a, b1a, g1a, be1a, W1b, b1b, ln1_g, ln1_b)
    acc2 = _sc_edge_segment_sum(P2, src2d, dst2d)
    return _tc3(h1, z, acc2, W2a, b2a, g2a, be2a, W2b, b2b, ln0_g, ln0_b,
                W_out, b_out)

# --- scband reference (transcript-rebuilt; emitter-appended) ---
"""Pipeline reference for scband-deep-gcn-74629351735929 (READ-ONLY COPY).

The authoritative reference and input builder live on the scoring server;
editing this copy changes nothing except your own understanding.
"""

import jax, jax.numpy as jnp
import numpy as np

N = 10000
E = 320000
D_IN = 128
D_OUT = 128
H = 32


def layer_norm(x, g, b, eps=1e-5):
    mu = jnp.mean(x, axis=-1, keepdims=True)
    var = jnp.var(x, axis=-1, keepdims=True)
    return (x - mu) / jnp.sqrt(var + eps) * g + b


def gen_conv(x, src, dst, n, t, W1, b1, g1, be1, W2, b2):
    # GENConv(32,32, aggr='softmax', learn_t=True, norm='layer'), eval mode
    msg = jax.nn.relu(jnp.take(x, src, axis=0)) + 1e-7
    logits = msg * t
    m = jax.ops.segment_max(logits, dst, num_segments=n)
    m = jax.lax.stop_gradient(jnp.where(jnp.isfinite(m), m, 0.0))
    e = jnp.exp(logits - jnp.take(m, dst, axis=0))
    s = jax.ops.segment_sum(e, dst, num_segments=n)
    alpha = e / (jnp.take(s, dst, axis=0) + 1e-16)
    aggr = jax.ops.segment_sum(msg * alpha, dst, num_segments=n)
    h = x + aggr
    # MLP([32, 64, 32]) with LayerNorm + ReLU between
    h = h @ W1 + b1
    h = layer_norm(h, g1, be1)
    h = jax.nn.relu(h)
    return h @ W2 + b2


def setup_inputs(seed: int = 0) -> dict:
    key = jax.random.key(seed)
    ks = jax.random.split(key, 32)

    def glorot(k, shape):
        lim = float(np.sqrt(6.0 / (shape[0] + shape[1])))
        return jax.random.uniform(k, shape, jnp.float32, -lim, lim)

    inp = {}
    inp["x"] = jax.random.normal(ks[0], (N, D_IN), jnp.float32)
    inp["edge_index"] = jax.random.randint(ks[1], (2, E), 0, N, jnp.int32)
    # node encoder Linear(128, 32)
    inp["W_enc"] = glorot(ks[2], (D_IN, H))
    inp["b_enc"] = jnp.zeros((H,), jnp.float32)
    # GENConv 1
    inp["t1"] = jnp.array(1.0, jnp.float32)
    inp["W1a"] = glorot(ks[3], (H, 2 * H))
    inp["b1a"] = jnp.zeros((2 * H,), jnp.float32)
    inp["g1a"] = jnp.ones((2 * H,), jnp.float32)
    inp["be1a"] = jnp.zeros((2 * H,), jnp.float32)
    inp["W1b"] = glorot(ks[4], (2 * H, H))
    inp["b1b"] = jnp.zeros((H,), jnp.float32)
    # layer 0 LayerNorm (applied at the end: act(norm(x)))
    inp["ln0_g"] = jnp.ones((H,), jnp.float32)
    inp["ln0_b"] = jnp.zeros((H,), jnp.float32)
    # GENConv 2
    inp["t2"] = jnp.array(1.0, jnp.float32)
    inp["W2a"] = glorot(ks[5], (H, 2 * H))
    inp["b2a"] = jnp.zeros((2 * H,), jnp.float32)
    inp["g2a"] = jnp.ones((2 * H,), jnp.float32)
    inp["be2a"] = jnp.zeros((2 * H,), jnp.float32)
    inp["W2b"] = glorot(ks[6], (2 * H, H))
    inp["b2b"] = jnp.zeros((H,), jnp.float32)
    # layer 1 LayerNorm (res+ pre-norm)
    inp["ln1_g"] = jnp.ones((H,), jnp.float32)
    inp["ln1_b"] = jnp.zeros((H,), jnp.float32)
    # out Linear(32, 128)
    inp["W_out"] = glorot(ks[7], (H, D_OUT))
    inp["b_out"] = jnp.zeros((D_OUT,), jnp.float32)
    return inp


def reference(x, edge_index, W_enc, b_enc, t1, W1a, b1a, g1a, be1a, W1b, b1b,
              ln0_g, ln0_b, t2, W2a, b2a, g2a, be2a, W2b, b2b, ln1_g, ln1_b,
              W_out, b_out):
    n = x.shape[0]
    src = edge_index[0]
    dst = edge_index[1]
    # node encoder
    h = x @ W_enc + b_enc
    # x = layers[0].conv(x, edge_index)
    h1 = gen_conv(h, src, dst, n, t1, W1a, b1a, g1a, be1a, W1b, b1b)
    # layers[1] res+ block: x + conv(dropout(act(norm(x))))  (dropout is identity in eval)
    z = jax.nn.relu(layer_norm(h1, ln1_g, ln1_b))
    z = gen_conv(z, src, dst, n, t2, W2a, b2a, g2a, be2a, W2b, b2b)
    h2 = h1 + z
    # x = layers[0].act(layers[0].norm(x)); dropout identity in eval
    h3 = jax.nn.relu(layer_norm(h2, ln0_g, ln0_b))
    return h3 @ W_out + b_out

if __name__ == "__main__":
    import jax
    _d = setup_inputs()
    print(jax.jit(kernel)(*tuple(_d.values())))

</pallas_src>

<mosaic_0001>
#map = affine_map<(d0, d1) -> (0, 0)>
#map1 = affine_map<(d0, d1) -> (0, 0, 0)>
module attributes {stable_mosaic.version = 14 : i64} {
  func.func @k(%arg0: i32, %arg1: i32, %arg2: memref<10112x64xf32, #tpu.memory_space<hbm>>, %arg3: memref<2560x128xi32, #tpu.memory_space<hbm>>, %arg4: memref<2560x128xi32, #tpu.memory_space<hbm>>, %arg5: memref<2x10112x64xf32, #tpu.memory_space<hbm>>, %arg6: memref<40x128xi32, #tpu.memory_space<vmem>>, %arg7: memref<40x128xi32, #tpu.memory_space<vmem>>, %arg8: memref<2x128x64xf32, #tpu.memory_space<vmem>>, %arg9: memref<10112x64xf32, #tpu.memory_space<vmem_shared>>, %arg10: memref<10112x64xf32, #tpu.memory_space<vmem_shared>>, %arg11: memref<2x!tpu.dma_semaphore, #tpu.memory_space<semaphore_mem>>, %arg12: memref<2x!tpu.dma_semaphore, #tpu.memory_space<semaphore_mem>>) attributes {dimension_semantics = [#tpu.dimension_semantics<core_parallel>, #tpu.dimension_semantics<subcore_parallel>], iteration_bounds = array<i64: 2, 16>, scalar_prefetch = 0 : i64, scratch_operands = 7 : i64, tpu.core_type = #tpu.core_type<sc_vector_subcore>, window_params = [{transform_indices = #map}, {transform_indices = #map}, {transform_indices = #map}, {transform_indices = #map1}]} {
    %mul3A = arith.constant 16 : i32
    %mul3A_0 = arith.muli %arg0, %mul3A : i32
    %add3A = arith.addi %mul3A_0, %arg1 : i32
    %mul3A_1 = arith.constant 632 : i32
    %mul3A_2 = arith.muli %arg1, %mul3A_1 : i32
    %mul3A_3 = arith.constant 632 : i32
    %mul3A_4 = arith.muli %arg1, %mul3A_3 : i32
    "tpu.region"() ({
      %run_scoped3A_162 = tpu.sem_alloc : memref<!tpu.dma_semaphore, #tpu.memory_space<semaphore_mem>>
      %dma_start3A_163 = arith.constant 0 : i32
      %dma_start3A_164 = tpu.memref_slice %arg10[%mul3A_4, %dma_start3A_163] : memref<10112x64xf32, #tpu.memory_space<vmem_shared>> -> memref<632x64xf32, #tpu.memory_space<vmem_shared>>
      %dma_start3A_165 = arith.constant 0 : i32
      %dma_start3A_166 = tpu.memref_slice %arg2[%mul3A_2, %dma_start3A_165] : memref<10112x64xf32, #tpu.memory_space<hbm>> -> memref<632x64xf32, #tpu.memory_space<hbm>>
      tpu.enqueue_dma source(%dma_start3A_166 : memref<632x64xf32, #tpu.memory_space<hbm>>) target(%dma_start3A_164 : memref<632x64xf32, #tpu.memory_space<vmem_shared>>) target_semaphore(%run_scoped3A_162 : memref<!tpu.dma_semaphore, #tpu.memory_space<semaphore_mem>>)
      %dma_wait3A_167 = arith.constant 0 : i32
      %dma_wait3A_168 = tpu.memref_slice %arg10[%mul3A_4, %dma_wait3A_167] : memref<10112x64xf32, #tpu.memory_space<vmem_shared>> -> memref<632x64xf32, #tpu.memory_space<vmem_shared>>
      %dma_wait3A_169 = arith.constant 0 : i32
      %dma_wait3A_170 = tpu.memref_slice %arg2[%mul3A_2, %dma_wait3A_169] : memref<10112x64xf32, #tpu.memory_space<hbm>> -> memref<632x64xf32, #tpu.memory_space<hbm>>
      tpu.wait_dma2 semaphore(%run_scoped3A_162 : memref<!tpu.dma_semaphore, #tpu.memory_space<semaphore_mem>>) src(%dma_wait3A_170 : memref<632x64xf32, #tpu.memory_space<hbm>>) dst(%dma_wait3A_168 : memref<632x64xf32, #tpu.memory_space<vmem_shared>>)
      tpu.yield
    }) : () -> ()
    %scan3A = arith.constant 0 : i32
    %scan3A_5 = arith.constant 512 : i32
    %scan3A_6 = arith.addi %scan3A, %scan3A_5 : i32
    %scan3A_7 = arith.constant 1 : i32
    scf.for %scan3A_162 = %scan3A to %scan3A_6 step %scan3A_7  : i32 {
      %mul3A_163 = arith.constant 1 : i32
      %mul3A_164 = arith.muli %scan3A_162, %mul3A_163 : i32
      %add3A_165 = arith.constant 0 : i32
      %add3A_166 = arith.addi %add3A_165, %mul3A_164 : i32
      %broadcast_in_dim3A = arith.constant 0.000000e+00 : f32
      %broadcast_in_dim3A_167 = vector.broadcast %broadcast_in_dim3A : f32 to vector<16xf32>
      %jit3A = arith.constant 4 : i32
      %div3A = arith.divsi %add3A_166, %jit3A : i32
      %sign3A = arith.constant 0 : i32
      %sign3A_168 = arith.cmpi sgt, %add3A_166, %sign3A : i32
      %sign3A_169 = arith.extui %sign3A_168 : i1 to i32
      %sign3A_170 = arith.constant 0 : i32
      %sign3A_171 = arith.cmpi slt, %add3A_166, %sign3A_170 : i32
      %sign3A_172 = arith.extui %sign3A_171 : i1 to i32
      %sign3A_173 = arith.subi %sign3A_169, %sign3A_172 : i32
      %sign3A_174 = arith.constant 0 : i32
      %sign3A_175 = arith.cmpi sgt, %jit3A, %sign3A_174 : i32
      %sign3A_176 = arith.extui %sign3A_175 : i1 to i32
      %sign3A_177 = arith.constant 0 : i32
      %sign3A_178 = arith.cmpi slt, %jit3A, %sign3A_177 : i32
      %sign3A_179 = arith.extui %sign3A_178 : i1 to i32
      %sign3A_180 = arith.subi %sign3A_176, %sign3A_179 : i32
      %ne3A = arith.cmpi ne, %sign3A_173, %sign3A_180 : i32
      %rem3A = arith.remsi %add3A_166, %jit3A : i32
      %ne3A_181 = arith.constant 0 : i32
      %ne3A_182 = arith.cmpi ne, %rem3A, %ne3A_181 : i32
      %and3A = arith.andi %ne3A, %ne3A_182 : i1
      %sub3A = arith.constant 1 : i32
      %sub3A_183 = arith.subi %div3A, %sub3A : i32
      %select_n3A = arith.select %and3A, %sub3A_183, %div3A : i32
      %jit3A_184 = arith.constant 4 : i32
      %eq3A = arith.constant 0 : i32
      %eq3A_185 = arith.cmpi eq, %jit3A_184, %eq3A : i32
      %jit3A_186 = arith.constant 1 : i32
      %select_n3A_187 = arith.select %eq3A_185, %jit3A_186, %jit3A_184 : i32
      %rem3A_188 = arith.remsi %add3A_166, %select_n3A_187 : i32
      %ne3A_189 = arith.constant 0 : i32
      %ne3A_190 = arith.cmpi ne, %rem3A_188, %ne3A_189 : i32
      %lt3A = arith.constant 0 : i32
      %lt3A_191 = arith.cmpi slt, %rem3A_188, %lt3A : i32
      %lt3A_192 = arith.constant 0 : i32
      %lt3A_193 = arith.cmpi slt, %select_n3A_187, %lt3A_192 : i32
      %ne3A_194 = arith.xori %lt3A_191, %lt3A_193 : i1
      %and3A_195 = arith.andi %ne3A_194, %ne3A_190 : i1
      %add3A_196 = arith.addi %rem3A_188, %select_n3A_187 : i32
      %select_n3A_197 = arith.select %and3A_195, %add3A_196, %rem3A_188 : i32
      %mul3A_198 = arith.constant 16 : i32
      %mul3A_199 = arith.muli %select_n3A_197, %mul3A_198 : i32
      %swap3A = arith.constant 0 : i32
      %swap3A_200 = arith.index_cast %swap3A : i32 to index
      %swap3A_201 = arith.index_cast %select_n3A : i32 to index
      %swap3A_202 = arith.index_cast %mul3A_199 : i32 to index
      %swap3A_203 = tpu.vector_load %arg8[%swap3A_200, %swap3A_201, %swap3A_202] {strides = array<i32>} : memref<2x128x64xf32, #tpu.memory_space<vmem>>, vector<1x1x16xf32>,
      %swap3A_204 = vector.shape_cast %swap3A_203 : vector<1x1x16xf32> to vector<16xf32>
      %swap3A_205 = vector.shape_cast %broadcast_in_dim3A_167 : vector<16xf32> to vector<1x1x16xf32>
      tpu.vector_store %arg8[%swap3A_200, %swap3A_201, %swap3A_202], %swap3A_205 {strides = array<i32>} : memref<2x128x64xf32, #tpu.memory_space<vmem>>, vector<1x1x16xf32>,
    }
    %scan3A_8 = arith.constant 512 : i32
    %mul3A_9 = arith.constant 632 : i32
    %mul3A_10 = arith.muli %arg1, %mul3A_9 : i32
    %add3A_11 = arith.constant 0 : i32
    %add3A_12 = arith.addi %mul3A_10, %add3A_11 : i32
    %run_scoped3A = arith.constant 0 : i32
    "tpu.region"() ({
      %run_scoped3A_162 = tpu.sem_alloc : memref<!tpu.dma_semaphore, #tpu.memory_space<semaphore_mem>>
      %dma_start3A_163 = arith.constant 0 : i32
      %dma_start3A_164 = arith.constant 0 : i32
      %dma_start3A_165 = tpu.memref_slice %arg8[%run_scoped3A, %dma_start3A_163, %dma_start3A_164] : memref<2x128x64xf32, #tpu.memory_space<vmem>> -> memref<1x128x64xf32, #tpu.memory_space<vmem>>
      %dma_start3A_166 = tpu.memref_squeeze %dma_start3A_165 : memref<1x128x64xf32, #tpu.memory_space<vmem>> -> memref<128x64xf32, #tpu.memory_space<vmem>>
      %dma_start3A_167 = arith.constant 0 : i32
      %dma_start3A_168 = tpu.memref_slice %arg9[%add3A_12, %dma_start3A_167] : memref<10112x64xf32, #tpu.memory_space<vmem_shared>> -> memref<128x64xf32, #tpu.memory_space<vmem_shared>>
      %dma_start3A_169 = arith.constant 0 : i32
      %dma_start3A_170 = tpu.memref_slice %arg9[%add3A_12, %dma_start3A_169] : memref<10112x64xf32, #tpu.memory_space<vmem_shared>> -> memref<128x64xf32, #tpu.memory_space<vmem_shared>>
      %dma_start3A_171 = arith.constant 0 : i32
      %dma_start3A_172 = arith.constant 0 : i32
      %dma_start3A_173 = tpu.memref_slice %arg8[%run_scoped3A, %dma_start3A_171, %dma_start3A_172] : memref<2x128x64xf32, #tpu.memory_space<vmem>> -> memref<1x128x64xf32, #tpu.memory_space<vmem>>
      %dma_start3A_174 = tpu.memref_squeeze %dma_start3A_173 : memref<1x128x64xf32, #tpu.memory_space<vmem>> -> memref<128x64xf32, #tpu.memory_space<vmem>>
      tpu.enqueue_dma source(%dma_start3A_174 : memref<128x64xf32, #tpu.memory_space<vmem>>) target(%dma_start3A_170 : memref<128x64xf32, #tpu.memory_space<vmem_shared>>) target_semaphore(%run_scoped3A_162 : memref<!tpu.dma_semaphore, #tpu.memory_space<semaphore_mem>>)
      %dma_wait3A_175 = arith.constant 0 : i32
      %dma_wait3A_176 = arith.constant 0 : i32
      %dma_wait3A_177 = tpu.memref_slice %arg8[%run_scoped3A, %dma_wait3A_175, %dma_wait3A_176] : memref<2x128x64xf32, #tpu.memory_space<vmem>> -> memref<1x128x64xf32, #tpu.memory_space<vmem>>
      %dma_wait3A_178 = tpu.memref_squeeze %dma_wait3A_177 : memref<1x128x64xf32, #tpu.memory_space<vmem>> -> memref<128x64xf32, #tpu.memory_space<vmem>>
      %dma_wait3A_179 = arith.constant 0 : i32
      %dma_wait3A_180 = tpu.memref_slice %arg9[%add3A_12, %dma_wait3A_179] : memref<10112x64xf32, #tpu.memory_space<vmem_shared>> -> memref<128x64xf32, #tpu.memory_space<vmem_shared>>
      %dma_wait3A_181 = arith.constant 0 : i32
      %dma_wait3A_182 = tpu.memref_slice %arg9[%add3A_12, %dma_wait3A_181] : memref<10112x64xf32, #tpu.memory_space<vmem_shared>> -> memref<128x64xf32, #tpu.memory_space<vmem_shared>>
      %dma_wait3A_183 = arith.constant 0 : i32
      %dma_wait3A_184 = arith.constant 0 : i32
      %dma_wait3A_185 = tpu.memref_slice %arg8[%run_scoped3A, %dma_wait3A_183, %dma_wait3A_184] : memref<2x128x64xf32, #tpu.memory_space<vmem>> -> memref<1x128x64xf32, #tpu.memory_space<vmem>>
      %dma_wait3A_186 = tpu.memref_squeeze %dma_wait3A_185 : memref<1x128x64xf32, #tpu.memory_space<vmem>> -> memref<128x64xf32, #tpu.memory_space<vmem>>
      tpu.wait_dma2 semaphore(%run_scoped3A_162 : memref<!tpu.dma_semaphore, #tpu.memory_space<semaphore_mem>>) src(%dma_wait3A_186 : memref<128x64xf32, #tpu.memory_space<vmem>>) dst(%dma_wait3A_182 : memref<128x64xf32, #tpu.memory_space<vmem_shared>>)
      tpu.yield
    }) : () -> ()
    %add3A_13 = arith.constant 128 : i32
    %add3A_14 = arith.addi %mul3A_10, %add3A_13 : i32
    %run_scoped3A_15 = arith.constant 0 : i32
    "tpu.region"() ({
      %run_scoped3A_162 = tpu.sem_alloc : memref<!tpu.dma_semaphore, #tpu.memory_space<semaphore_mem>>
      %dma_start3A_163 = arith.constant 0 : i32
      %dma_start3A_164 = arith.constant 0 : i32
      %dma_start3A_165 = tpu.memref_slice %arg8[%run_scoped3A_15, %dma_start3A_163, %dma_start3A_164] : memref<2x128x64xf32, #tpu.memory_space<vmem>> -> memref<1x128x64xf32, #tpu.memory_space<vmem>>
      %dma_start3A_166 = tpu.memref_squeeze %dma_start3A_165 : memref<1x128x64xf32, #tpu.memory_space<vmem>> -> memref<128x64xf32, #tpu.memory_space<vmem>>
      %dma_start3A_167 = arith.constant 0 : i32
      %dma_start3A_168 = tpu.memref_slice %arg9[%add3A_14, %dma_start3A_167] : memref<10112x64xf32, #tpu.memory_space<vmem_shared>> -> memref<128x64xf32, #tpu.memory_space<vmem_shared>>
      %dma_start3A_169 = arith.constant 0 : i32
      %dma_start3A_170 = tpu.memref_slice %arg9[%add3A_14, %dma_start3A_169] : memref<10112x64xf32, #tpu.memory_space<vmem_shared>> -> memref<128x64xf32, #tpu.memory_space<vmem_shared>>
      %dma_start3A_171 = arith.constant 0 : i32
      %dma_start3A_172 = arith.constant 0 : i32
      %dma_start3A_173 = tpu.memref_slice %arg8[%run_scoped3A_15, %dma_start3A_171, %dma_start3A_172] : memref<2x128x64xf32, #tpu.memory_space<vmem>> -> memref<1x128x64xf32, #tpu.memory_space<vmem>>
      %dma_start3A_174 = tpu.memref_squeeze %dma_start3A_173 : memref<1x128x64xf32, #tpu.memory_space<vmem>> -> memref<128x64xf32, #tpu.memory_space<vmem>>
      tpu.enqueue_dma source(%dma_start3A_174 : memref<128x64xf32, #tpu.memory_space<vmem>>) target(%dma_start3A_170 : memref<128x64xf32, #tpu.memory_space<vmem_shared>>) target_semaphore(%run_scoped3A_162 : memref<!tpu.dma_semaphore, #tpu.memory_space<semaphore_mem>>)
      %dma_wait3A_175 = arith.constant 0 : i32
      %dma_wait3A_176 = arith.constant 0 : i32
      %dma_wait3A_177 = tpu.memref_slice %arg8[%run_scoped3A_15, %dma_wait3A_175, %dma_wait3A_176] : memref<2x128x64xf32, #tpu.memory_space<vmem>> -> memref<1x128x64xf32, #tpu.memory_space<vmem>>
      %dma_wait3A_178 = tpu.memref_squeeze %dma_wait3A_177 : memref<1x128x64xf32, #tpu.memory_space<vmem>> -> memref<128x64xf32, #tpu.memory_space<vmem>>
      %dma_wait3A_179 = arith.constant 0 : i32
      %dma_wait3A_180 = tpu.memref_slice %arg9[%add3A_14, %dma_wait3A_179] : memref<10112x64xf32, #tpu.memory_space<vmem_shared>> -> memref<128x64xf32, #tpu.memory_space<vmem_shared>>
      %dma_wait3A_181 = arith.constant 0 : i32
      %dma_wait3A_182 = tpu.memref_slice %arg9[%add3A_14, %dma_wait3A_181] : memref<10112x64xf32, #tpu.memory_space<vmem_shared>> -> memref<128x64xf32, #tpu.memory_space<vmem_shared>>
      %dma_wait3A_183 = arith.constant 0 : i32
      %dma_wait3A_184 = arith.constant 0 : i32
      %dma_wait3A_185 = tpu.memref_slice %arg8[%run_scoped3A_15, %dma_wait3A_183, %dma_wait3A_184] : memref<2x128x64xf32, #tpu.memory_space<vmem>> -> memref<1x128x64xf32, #tpu.memory_space<vmem>>
      %dma_wait3A_186 = tpu.memref_squeeze %dma_wait3A_185 : memref<1x128x64xf32, #tpu.memory_space<vmem>> -> memref<128x64xf32, #tpu.memory_space<vmem>>
      tpu.wait_dma2 semaphore(%run_scoped3A_162 : memref<!tpu.dma_semaphore, #tpu.memory_space<semaphore_mem>>) src(%dma_wait3A_186 : memref<128x64xf32, #tpu.memory_space<vmem>>) dst(%dma_wait3A_182 : memref<128x64xf32, #tpu.memory_space<vmem_shared>>)
      tpu.yield
    }) : () -> ()
    %add3A_16 = arith.constant 256 : i32
    %add3A_17 = arith.addi %mul3A_10, %add3A_16 : i32
    %run_scoped3A_18 = arith.constant 0 : i32
    "tpu.region"() ({
      %run_scoped3A_162 = tpu.sem_alloc : memref<!tpu.dma_semaphore, #tpu.memory_space<semaphore_mem>>
      %dma_start3A_163 = arith.constant 0 : i32
      %dma_start3A_164 = arith.constant 0 : i32
      %dma_start3A_165 = tpu.memref_slice %arg8[%run_scoped3A_18, %dma_start3A_163, %dma_start3A_164] : memref<2x128x64xf32, #tpu.memory_space<vmem>> -> memref<1x128x64xf32, #tpu.memory_space<vmem>>
      %dma_start3A_166 = tpu.memref_squeeze %dma_start3A_165 : memref<1x128x64xf32, #tpu.memory_space<vmem>> -> memref<128x64xf32, #tpu.memory_space<vmem>>
      %dma_start3A_167 = arith.constant 0 : i32
      %dma_start3A_168 = tpu.memref_slice %arg9[%add3A_17, %dma_start3A_167] : memref<10112x64xf32, #tpu.memory_space<vmem_shared>> -> memref<128x64xf32, #tpu.memory_space<vmem_shared>>
      %dma_start3A_169 = arith.constant 0 : i32
      %dma_start3A_170 = tpu.memref_slice %arg9[%add3A_17, %dma_start3A_169] : memref<10112x64xf32, #tpu.memory_space<vmem_shared>> -> memref<128x64xf32, #tpu.memory_space<vmem_shared>>
      %dma_start3A_171 = arith.constant 0 : i32
      %dma_start3A_172 = arith.constant 0 : i32
      %dma_start3A_173 = tpu.memref_slice %arg8[%run_scoped3A_18, %dma_start3A_171, %dma_start3A_172] : memref<2x128x64xf32, #tpu.memory_space<vmem>> -> memref<1x128x64xf32, #tpu.memory_space<vmem>>
      %dma_start3A_174 = tpu.memref_squeeze %dma_start3A_173 : memref<1x128x64xf32, #tpu.memory_space<vmem>> -> memref<128x64xf32, #tpu.memory_space<vmem>>
      tpu.enqueue_dma source(%dma_start3A_174 : memref<128x64xf32, #tpu.memory_space<vmem>>) target(%dma_start3A_170 : memref<128x64xf32, #tpu.memory_space<vmem_shared>>) target_semaphore(%run_scoped3A_162 : memref<!tpu.dma_semaphore, #tpu.memory_space<semaphore_mem>>)
      %dma_wait3A_175 = arith.constant 0 : i32
      %dma_wait3A_176 = arith.constant 0 : i32
      %dma_wait3A_177 = tpu.memref_slice %arg8[%run_scoped3A_18, %dma_wait3A_175, %dma_wait3A_176] : memref<2x128x64xf32, #tpu.memory_space<vmem>> -> memref<1x128x64xf32, #tpu.memory_space<vmem>>
      %dma_wait3A_178 = tpu.memref_squeeze %dma_wait3A_177 : memref<1x128x64xf32, #tpu.memory_space<vmem>> -> memref<128x64xf32, #tpu.memory_space<vmem>>
      %dma_wait3A_179 = arith.constant 0 : i32
      %dma_wait3A_180 = tpu.memref_slice %arg9[%add3A_17, %dma_wait3A_179] : memref<10112x64xf32, #tpu.memory_space<vmem_shared>> -> memref<128x64xf32, #tpu.memory_space<vmem_shared>>
      %dma_wait3A_181 = arith.constant 0 : i32
      %dma_wait3A_182 = tpu.memref_slice %arg9[%add3A_17, %dma_wait3A_181] : memref<10112x64xf32, #tpu.memory_space<vmem_shared>> -> memref<128x64xf32, #tpu.memory_space<vmem_shared>>
      %dma_wait3A_183 = arith.constant 0 : i32
      %dma_wait3A_184 = arith.constant 0 : i32
      %dma_wait3A_185 = tpu.memref_slice %arg8[%run_scoped3A_18, %dma_wait3A_183, %dma_wait3A_184] : memref<2x128x64xf32, #tpu.memory_space<vmem>> -> memref<1x128x64xf32, #tpu.memory_space<vmem>>
      %dma_wait3A_186 = tpu.memref_squeeze %dma_wait3A_185 : memref<1x128x64xf32, #tpu.memory_space<vmem>> -> memref<128x64xf32, #tpu.memory_space<vmem>>
      tpu.wait_dma2 semaphore(%run_scoped3A_162 : memref<!tpu.dma_semaphore, #tpu.memory_space<semaphore_mem>>) src(%dma_wait3A_186 : memref<128x64xf32, #tpu.memory_space<vmem>>) dst(%dma_wait3A_182 : memref<128x64xf32, #tpu.memory_space<vmem_shared>>)
      tpu.yield
    }) : () -> ()
    %add3A_19 = arith.constant 384 : i32
    %add3A_20 = arith.addi %mul3A_10, %add3A_19 : i32
    %run_scoped3A_21 = arith.constant 0 : i32
    "tpu.region"() ({
      %run_scoped3A_162 = tpu.sem_alloc : memref<!tpu.dma_semaphore, #tpu.memory_space<semaphore_mem>>
      %dma_start3A_163 = arith.constant 0 : i32
      %dma_start3A_164 = arith.constant 0 : i32
      %dma_start3A_165 = tpu.memref_slice %arg8[%run_scoped3A_21, %dma_start3A_163, %dma_start3A_164] : memref<2x128x64xf32, #tpu.memory_space<vmem>> -> memref<1x128x64xf32, #tpu.memory_space<vmem>>
      %dma_start3A_166 = tpu.memref_squeeze %dma_start3A_165 : memref<1x128x64xf32, #tpu.memory_space<vmem>> -> memref<128x64xf32, #tpu.memory_space<vmem>>
      %dma_start3A_167 = arith.constant 0 : i32
      %dma_start3A_168 = tpu.memref_slice %arg9[%add3A_20, %dma_start3A_167] : memref<10112x64xf32, #tpu.memory_space<vmem_shared>> -> memref<128x64xf32, #tpu.memory_space<vmem_shared>>
      %dma_start3A_169 = arith.constant 0 : i32
      %dma_start3A_170 = tpu.memref_slice %arg9[%add3A_20, %dma_start3A_169] : memref<10112x64xf32, #tpu.memory_space<vmem_shared>> -> memref<128x64xf32, #tpu.memory_space<vmem_shared>>
      %dma_start3A_171 = arith.constant 0 : i32
      %dma_start3A_172 = arith.constant 0 : i32
      %dma_start3A_173 = tpu.memref_slice %arg8[%run_scoped3A_21, %dma_start3A_171, %dma_start3A_172] : memref<2x128x64xf32, #tpu.memory_space<vmem>> -> memref<1x128x64xf32, #tpu.memory_space<vmem>>
      %dma_start3A_174 = tpu.memref_squeeze %dma_start3A_173 : memref<1x128x64xf32, #tpu.memory_space<vmem>> -> memref<128x64xf32, #tpu.memory_space<vmem>>
      tpu.enqueue_dma source(%dma_start3A_174 : memref<128x64xf32, #tpu.memory_space<vmem>>) target(%dma_start3A_170 : memref<128x64xf32, #tpu.memory_space<vmem_shared>>) target_semaphore(%run_scoped3A_162 : memref<!tpu.dma_semaphore, #tpu.memory_space<semaphore_mem>>)
      %dma_wait3A_175 = arith.constant 0 : i32
      %dma_wait3A_176 = arith.constant 0 : i32
      %dma_wait3A_177 = tpu.memref_slice %arg8[%run_scoped3A_21, %dma_wait3A_175, %dma_wait3A_176] : memref<2x128x64xf32, #tpu.memory_space<vmem>> -> memref<1x128x64xf32, #tpu.memory_space<vmem>>
      %dma_wait3A_178 = tpu.memref_squeeze %dma_wait3A_177 : memref<1x128x64xf32, #tpu.memory_space<vmem>> -> memref<128x64xf32, #tpu.memory_space<vmem>>
      %dma_wait3A_179 = arith.constant 0 : i32
      %dma_wait3A_180 = tpu.memref_slice %arg9[%add3A_20, %dma_wait3A_179] : memref<10112x64xf32, #tpu.memory_space<vmem_shared>> -> memref<128x64xf32, #tpu.memory_space<vmem_shared>>
      %dma_wait3A_181 = arith.constant 0 : i32
      %dma_wait3A_182 = tpu.memref_slice %arg9[%add3A_20, %dma_wait3A_181] : memref<10112x64xf32, #tpu.memory_space<vmem_shared>> -> memref<128x64xf32, #tpu.memory_space<vmem_shared>>
      %dma_wait3A_183 = arith.constant 0 : i32
      %dma_wait3A_184 = arith.constant 0 : i32
      %dma_wait3A_185 = tpu.memref_slice %arg8[%run_scoped3A_21, %dma_wait3A_183, %dma_wait3A_184] : memref<2x128x64xf32, #tpu.memory_space<vmem>> -> memref<1x128x64xf32, #tpu.memory_space<vmem>>
      %dma_wait3A_186 = tpu.memref_squeeze %dma_wait3A_185 : memref<1x128x64xf32, #tpu.memory_space<vmem>> -> memref<128x64xf32, #tpu.memory_space<vmem>>
      tpu.wait_dma2 semaphore(%run_scoped3A_162 : memref<!tpu.dma_semaphore, #tpu.memory_space<semaphore_mem>>) src(%dma_wait3A_186 : memref<128x64xf32, #tpu.memory_space<vmem>>) dst(%dma_wait3A_182 : memref<128x64xf32, #tpu.memory_space<vmem_shared>>)
      tpu.yield
    }) : () -> ()
    %add3A_22 = arith.constant 512 : i32
    %add3A_23 = arith.addi %mul3A_10, %add3A_22 : i32
    %run_scoped3A_24 = arith.constant 0 : i32
    "tpu.region"() ({
      %run_scoped3A_162 = tpu.sem_alloc : memref<!tpu.dma_semaphore, #tpu.memory_space<semaphore_mem>>
      %dma_start3A_163 = arith.constant 0 : i32
      %dma_start3A_164 = arith.constant 0 : i32
      %dma_start3A_165 = tpu.memref_slice %arg8[%run_scoped3A_24, %dma_start3A_163, %dma_start3A_164] : memref<2x128x64xf32, #tpu.memory_space<vmem>> -> memref<1x120x64xf32, #tpu.memory_space<vmem>>
      %dma_start3A_166 = tpu.memref_squeeze %dma_start3A_165 : memref<1x120x64xf32, #tpu.memory_space<vmem>> -> memref<120x64xf32, #tpu.memory_space<vmem>>
      %dma_start3A_167 = arith.constant 0 : i32
      %dma_start3A_168 = tpu.memref_slice %arg9[%add3A_23, %dma_start3A_167] : memref<10112x64xf32, #tpu.memory_space<vmem_shared>> -> memref<120x64xf32, #tpu.memory_space<vmem_shared>>
      %dma_start3A_169 = arith.constant 0 : i32
      %dma_start3A_170 = tpu.memref_slice %arg9[%add3A_23, %dma_start3A_169] : memref<10112x64xf32, #tpu.memory_space<vmem_shared>> -> memref<120x64xf32, #tpu.memory_space<vmem_shared>>
      %dma_start3A_171 = arith.constant 0 : i32
      %dma_start3A_172 = arith.constant 0 : i32
      %dma_start3A_173 = tpu.memref_slice %arg8[%run_scoped3A_24, %dma_start3A_171, %dma_start3A_172] : memref<2x128x64xf32, #tpu.memory_space<vmem>> -> memref<1x120x64xf32, #tpu.memory_space<vmem>>
      %dma_start3A_174 = tpu.memref_squeeze %dma_start3A_173 : memref<1x120x64xf32, #tpu.memory_space<vmem>> -> memref<120x64xf32, #tpu.memory_space<vmem>>
      tpu.enqueue_dma source(%dma_start3A_174 : memref<120x64xf32, #tpu.memory_space<vmem>>) target(%dma_start3A_170 : memref<120x64xf32, #tpu.memory_space<vmem_shared>>) target_semaphore(%run_scoped3A_162 : memref<!tpu.dma_semaphore, #tpu.memory_space<semaphore_mem>>)
      %dma_wait3A_175 = arith.constant 0 : i32
      %dma_wait3A_176 = arith.constant 0 : i32
      %dma_wait3A_177 = tpu.memref_slice %arg8[%run_scoped3A_24, %dma_wait3A_175, %dma_wait3A_176] : memref<2x128x64xf32, #tpu.memory_space<vmem>> -> memref<1x120x64xf32, #tpu.memory_space<vmem>>
      %dma_wait3A_178 = tpu.memref_squeeze %dma_wait3A_177 : memref<1x120x64xf32, #tpu.memory_space<vmem>> -> memref<120x64xf32, #tpu.memory_space<vmem>>
      %dma_wait3A_179 = arith.constant 0 : i32
      %dma_wait3A_180 = tpu.memref_slice %arg9[%add3A_23, %dma_wait3A_179] : memref<10112x64xf32, #tpu.memory_space<vmem_shared>> -> memref<120x64xf32, #tpu.memory_space<vmem_shared>>
      %dma_wait3A_181 = arith.constant 0 : i32
      %dma_wait3A_182 = tpu.memref_slice %arg9[%add3A_23, %dma_wait3A_181] : memref<10112x64xf32, #tpu.memory_space<vmem_shared>> -> memref<120x64xf32, #tpu.memory_space<vmem_shared>>
      %dma_wait3A_183 = arith.constant 0 : i32
      %dma_wait3A_184 = arith.constant 0 : i32
      %dma_wait3A_185 = tpu.memref_slice %arg8[%run_scoped3A_24, %dma_wait3A_183, %dma_wait3A_184] : memref<2x128x64xf32, #tpu.memory_space<vmem>> -> memref<1x120x64xf32, #tpu.memory_space<vmem>>
      %dma_wait3A_186 = tpu.memref_squeeze %dma_wait3A_185 : memref<1x120x64xf32, #tpu.memory_space<vmem>> -> memref<120x64xf32, #tpu.memory_space<vmem>>
      tpu.wait_dma2 semaphore(%run_scoped3A_162 : memref<!tpu.dma_semaphore, #tpu.memory_space<semaphore_mem>>) src(%dma_wait3A_186 : memref<120x64xf32, #tpu.memory_space<vmem>>) dst(%dma_wait3A_182 : memref<120x64xf32, #tpu.memory_space<vmem_shared>>)
      tpu.yield
    }) : () -> ()
    %barrier3A = arith.constant 0 : index
    tpu.barrier barrier_id(%barrier3A)
    %mul3A_25 = arith.constant 80 : i32
    %mul3A_26 = arith.muli %add3A, %mul3A_25 : i32
    %add3A_27 = arith.constant 0 : i32
    %add3A_28 = arith.addi %mul3A_26, %add3A_27 : i32
    "tpu.region"() ({
      %run_scoped3A_162 = tpu.sem_alloc : memref<!tpu.dma_semaphore, #tpu.memory_space<semaphore_mem>>
      %dma_start3A_163 = arith.constant 0 : i32
      %dma_start3A_164 = tpu.memref_slice %arg3[%add3A_28, %dma_start3A_163] : memref<2560x128xi32, #tpu.memory_space<hbm>> -> memref<40x128xi32, #tpu.memory_space<hbm>>
      %dma_start3A_165 = arith.constant 0 : i32
      %dma_start3A_166 = tpu.memref_slice %arg3[%add3A_28, %dma_start3A_165] : memref<2560x128xi32, #tpu.memory_space<hbm>> -> memref<40x128xi32, #tpu.memory_space<hbm>>
      tpu.enqueue_dma source(%dma_start3A_166 : memref<40x128xi32, #tpu.memory_space<hbm>>) target(%arg6 : memref<40x128xi32, #tpu.memory_space<vmem>>) target_semaphore(%run_scoped3A_162 : memref<!tpu.dma_semaphore, #tpu.memory_space<semaphore_mem>>)
      %dma_wait3A_167 = arith.constant 0 : i32
      %dma_wait3A_168 = tpu.memref_slice %arg3[%add3A_28, %dma_wait3A_167] : memref<2560x128xi32, #tpu.memory_space<hbm>> -> memref<40x128xi32, #tpu.memory_space<hbm>>
      %dma_wait3A_169 = arith.constant 0 : i32
      %dma_wait3A_170 = tpu.memref_slice %arg3[%add3A_28, %dma_wait3A_169] : memref<2560x128xi32, #tpu.memory_space<hbm>> -> memref<40x128xi32, #tpu.memory_space<hbm>>
      tpu.wait_dma2 semaphore(%run_scoped3A_162 : memref<!tpu.dma_semaphore, #tpu.memory_space<semaphore_mem>>) src(%dma_wait3A_170 : memref<40x128xi32, #tpu.memory_space<hbm>>) dst(%arg6 : memref<40x128xi32, #tpu.memory_space<vmem>>)
      tpu.yield
    }) : () -> ()
    "tpu.region"() ({
      %run_scoped3A_162 = tpu.sem_alloc : memref<!tpu.dma_semaphore, #tpu.memory_space<semaphore_mem>>
      %dma_start3A_163 = arith.constant 0 : i32
      %dma_start3A_164 = tpu.memref_slice %arg4[%add3A_28, %dma_start3A_163] : memref<2560x128xi32, #tpu.memory_space<hbm>> -> memref<40x128xi32, #tpu.memory_space<hbm>>
      %dma_start3A_165 = arith.constant 0 : i32
      %dma_start3A_166 = tpu.memref_slice %arg4[%add3A_28, %dma_start3A_165] : memref<2560x128xi32, #tpu.memory_space<hbm>> -> memref<40x128xi32, #tpu.memory_space<hbm>>
      tpu.enqueue_dma source(%dma_start3A_166 : memref<40x128xi32, #tpu.memory_space<hbm>>) target(%arg7 : memref<40x128xi32, #tpu.memory_space<vmem>>) target_semaphore(%run_scoped3A_162 : memref<!tpu.dma_semaphore, #tpu.memory_space<semaphore_mem>>)
      %dma_wait3A_167 = arith.constant 0 : i32
      %dma_wait3A_168 = tpu.memref_slice %arg4[%add3A_28, %dma_wait3A_167] : memref<2560x128xi32, #tpu.memory_space<hbm>> -> memref<40x128xi32, #tpu.memory_space<hbm>>
      %dma_wait3A_169 = arith.constant 0 : i32
      %dma_wait3A_170 = tpu.memref_slice %arg4[%add3A_28, %dma_wait3A_169] : memref<2560x128xi32, #tpu.memory_space<hbm>> -> memref<40x128xi32, #tpu.memory_space<hbm>>
      tpu.wait_dma2 semaphore(%run_scoped3A_162 : memref<!tpu.dma_semaphore, #tpu.memory_space<semaphore_mem>>) src(%dma_wait3A_170 : memref<40x128xi32, #tpu.memory_space<hbm>>) dst(%arg7 : memref<40x128xi32, #tpu.memory_space<vmem>>)
      tpu.yield
    }) : () -> ()
    %dma_start3A = arith.constant 0 : i32
    %dma_start3A_29 = arith.constant 0 : i32
    %dma_start3A_30 = arith.constant 0 : i32
    %dma_start3A_31 = arith.constant 0 : i32
    %dma_start3A_32 = arith.constant 0 : i32
    %dma_start3A_33 = tpu.memref_slice %arg8[%dma_start3A_29, %dma_start3A_31, %dma_start3A_32] : memref<2x128x64xf32, #tpu.memory_space<vmem>> -> memref<1x128x64xf32, #tpu.memory_space<vmem>>
    %dma_start3A_34 = tpu.memref_squeeze %dma_start3A_33 : memref<1x128x64xf32, #tpu.memory_space<vmem>> -> memref<128x64xf32, #tpu.memory_space<vmem>>
    %dma_start3A_35 = arith.constant 0 : i32
    %dma_start3A_36 = tpu.memref_slice %arg6[%dma_start3A, %dma_start3A_35] : memref<40x128xi32, #tpu.memory_space<vmem>> -> memref<1x128xi32, #tpu.memory_space<vmem>>
    %dma_start3A_37 = tpu.memref_squeeze %dma_start3A_36 : memref<1x128xi32, #tpu.memory_space<vmem>> -> memref<128xi32, #tpu.memory_space<vmem>>
    %dma_start3A_38 = arith.constant 0 : i32
    %dma_start3A_39 = arith.constant 0 : i32
    %dma_start3A_40 = tpu.memref_slice %arg10[%dma_start3A_38, %dma_start3A_39] : memref<10112x64xf32, #tpu.memory_space<vmem_shared>> -> memref<10112x64xf32, #tpu.memory_space<vmem_shared>>
    %dma_start3A_41 = tpu.memref_slice %arg11[%dma_start3A_30] : memref<2x!tpu.dma_semaphore, #tpu.memory_space<semaphore_mem>> -> memref<1x!tpu.dma_semaphore, #tpu.memory_space<semaphore_mem>>
    %dma_start3A_42 = tpu.memref_squeeze %dma_start3A_41 : memref<1x!tpu.dma_semaphore, #tpu.memory_space<semaphore_mem>> -> memref<!tpu.dma_semaphore, #tpu.memory_space<semaphore_mem>>
    tpu.enqueue_indirect_dma source(%dma_start3A_40 : memref<10112x64xf32, #tpu.memory_space<vmem_shared>>) target(%dma_start3A_34 : memref<128x64xf32, #tpu.memory_space<vmem>>) offsets(%dma_start3A_37 : memref<128xi32, #tpu.memory_space<vmem>>) semaphore(%dma_start3A_42 : memref<!tpu.dma_semaphore, #tpu.memory_space<semaphore_mem>>)
    %dma_start3A_43 = arith.constant 1 : i32
    %dma_start3A_44 = arith.constant 1 : i32
    %dma_start3A_45 = arith.constant 1 : i32
    %dma_start3A_46 = arith.constant 0 : i32
    %dma_start3A_47 = arith.constant 0 : i32
    %dma_start3A_48 = tpu.memref_slice %arg8[%dma_start3A_44, %dma_start3A_46, %dma_start3A_47] : memref<2x128x64xf32, #tpu.memory_space<vmem>> -> memref<1x128x64xf32, #tpu.memory_space<vmem>>
    %dma_start3A_49 = tpu.memref_squeeze %dma_start3A_48 : memref<1x128x64xf32, #tpu.memory_space<vmem>> -> memref<128x64xf32, #tpu.memory_space<vmem>>
    %dma_start3A_50 = arith.constant 0 : i32
    %dma_start3A_51 = tpu.memref_slice %arg6[%dma_start3A_43, %dma_start3A_50] : memref<40x128xi32, #tpu.memory_space<vmem>> -> memref<1x128xi32, #tpu.memory_space<vmem>>
    %dma_start3A_52 = tpu.memref_squeeze %dma_start3A_51 : memref<1x128xi32, #tpu.memory_space<vmem>> -> memref<128xi32, #tpu.memory_space<vmem>>
    %dma_start3A_53 = arith.constant 0 : i32
    %dma_start3A_54 = arith.constant 0 : i32
    %dma_start3A_55 = tpu.memref_slice %arg10[%dma_start3A_53, %dma_start3A_54] : memref<10112x64xf32, #tpu.memory_space<vmem_shared>> -> memref<10112x64xf32, #tpu.memory_space<vmem_shared>>
    %dma_start3A_56 = tpu.memref_slice %arg11[%dma_start3A_45] : memref<2x!tpu.dma_semaphore, #tpu.memory_space<semaphore_mem>> -> memref<1x!tpu.dma_semaphore, #tpu.memory_space<semaphore_mem>>
    %dma_start3A_57 = tpu.memref_squeeze %dma_start3A_56 : memref<1x!tpu.dma_semaphore, #tpu.memory_space<semaphore_mem>> -> memref<!tpu.dma_semaphore, #tpu.memory_space<semaphore_mem>>
    tpu.enqueue_indirect_dma source(%dma_start3A_55 : memref<10112x64xf32, #tpu.memory_space<vmem_shared>>) target(%dma_start3A_49 : memref<128x64xf32, #tpu.memory_space<vmem>>) offsets(%dma_start3A_52 : memref<128xi32, #tpu.memory_space<vmem>>) semaphore(%dma_start3A_57 : memref<!tpu.dma_semaphore, #tpu.memory_space<semaphore_mem>>)
    %scan3A_58 = arith.constant 0 : i32
    %scan3A_59 = arith.constant 20 : i32
    %scan3A_60 = arith.addi %scan3A_58, %scan3A_59 : i32
    %scan3A_61 = arith.constant 1 : i32
    scf.for %scan3A_162 = %scan3A_58 to %scan3A_60 step %scan3A_61  : i32 {
      %mul3A_163 = arith.constant 1 : i32
      %mul3A_164 = arith.muli %scan3A_162, %mul3A_163 : i32
      %add3A_165 = arith.constant 0 : i32
      %add3A_166 = arith.addi %add3A_165, %mul3A_164 : i32
      %mul3A_167 = arith.constant 2 : i32
      %mul3A_168 = arith.muli %add3A_166, %mul3A_167 : i32
      %dma_wait3A_169 = arith.constant 0 : i32
      %dma_wait3A_170 = arith.constant 0 : i32
      %dma_wait3A_171 = arith.constant 0 : i32
      %dma_wait3A_172 = arith.constant 0 : i32
      %dma_wait3A_173 = arith.constant 0 : i32
      %dma_wait3A_174 = tpu.memref_slice %arg8[%dma_wait3A_170, %dma_wait3A_172, %dma_wait3A_173] : memref<2x128x64xf32, #tpu.memory_space<vmem>> -> memref<1x128x64xf32, #tpu.memory_space<vmem>>
      %dma_wait3A_175 = tpu.memref_squeeze %dma_wait3A_174 : memref<1x128x64xf32, #tpu.memory_space<vmem>> -> memref<128x64xf32, #tpu.memory_space<vmem>>
      %dma_wait3A_176 = arith.constant 0 : i32
      %dma_wait3A_177 = tpu.memref_slice %arg6[%dma_wait3A_169, %dma_wait3A_176] : memref<40x128xi32, #tpu.memory_space<vmem>> -> memref<1x128xi32, #tpu.memory_space<vmem>>
      %dma_wait3A_178 = tpu.memref_squeeze %dma_wait3A_177 : memref<1x128xi32, #tpu.memory_space<vmem>> -> memref<128xi32, #tpu.memory_space<vmem>>
      %dma_wait3A_179 = arith.constant 0 : i32
      %dma_wait3A_180 = arith.constant 0 : i32
      %dma_wait3A_181 = tpu.memref_slice %arg10[%dma_wait3A_179, %dma_wait3A_180] : memref<10112x64xf32, #tpu.memory_space<vmem_shared>> -> memref<10112x64xf32, #tpu.memory_space<vmem_shared>>
      %dma_wait3A_182 = tpu.memref_slice %arg11[%dma_wait3A_171] : memref<2x!tpu.dma_semaphore, #tpu.memory_space<semaphore_mem>> -> memref<1x!tpu.dma_semaphore, #tpu.memory_space<semaphore_mem>>
      %dma_wait3A_183 = tpu.memref_squeeze %dma_wait3A_182 : memref<1x!tpu.dma_semaphore, #tpu.memory_space<semaphore_mem>> -> memref<!tpu.dma_semaphore, #tpu.memory_space<semaphore_mem>>
      tpu.wait_indirect_dma semaphore(%dma_wait3A_183 : memref<!tpu.dma_semaphore, #tpu.memory_space<semaphore_mem>>) src(%dma_wait3A_181 : memref<10112x64xf32, #tpu.memory_space<vmem_shared>>) dst(%dma_wait3A_175 : memref<128x64xf32, #tpu.memory_space<vmem>>)
      %add3A_184 = arith.constant 0 : i32
      %add3A_185 = arith.addi %mul3A_168, %add3A_184 : i32
      %dma_start3A_186 = arith.constant 0 : i32
      %dma_start3A_187 = arith.constant 0 : i32
      %dma_start3A_188 = arith.constant 0 : i32
      %dma_start3A_189 = arith.constant 0 : i32
      %dma_start3A_190 = tpu.memref_slice %arg8[%dma_start3A_186, %dma_start3A_188, %dma_start3A_189] : memref<2x128x64xf32, #tpu.memory_space<vmem>> -> memref<1x128x64xf32, #tpu.memory_space<vmem>>
      %dma_start3A_191 = tpu.memref_squeeze %dma_start3A_190 : memref<1x128x64xf32, #tpu.memory_space<vmem>> -> memref<128x64xf32, #tpu.memory_space<vmem>>
      %dma_start3A_192 = arith.constant 0 : i32
      %dma_start3A_193 = tpu.memref_slice %arg7[%add3A_185, %dma_start3A_192] : memref<40x128xi32, #tpu.memory_space<vmem>> -> memref<1x128xi32, #tpu.memory_space<vmem>>
      %dma_start3A_194 = tpu.memref_squeeze %dma_start3A_193 : memref<1x128xi32, #tpu.memory_space<vmem>> -> memref<128xi32, #tpu.memory_space<vmem>>
      %dma_start3A_195 = arith.constant 0 : i32
      %dma_start3A_196 = arith.constant 0 : i32
      %dma_start3A_197 = tpu.memref_slice %arg9[%dma_start3A_195, %dma_start3A_196] : memref<10112x64xf32, #tpu.memory_space<vmem_shared>> -> memref<10112x64xf32, #tpu.memory_space<vmem_shared>>
      %dma_start3A_198 = tpu.memref_slice %arg12[%dma_start3A_187] : memref<2x!tpu.dma_semaphore, #tpu.memory_space<semaphore_mem>> -> memref<1x!tpu.dma_semaphore, #tpu.memory_space<semaphore_mem>>
      %dma_start3A_199 = tpu.memref_squeeze %dma_start3A_198 : memref<1x!tpu.dma_semaphore, #tpu.memory_space<semaphore_mem>> -> memref<!tpu.dma_semaphore, #tpu.memory_space<semaphore_mem>>
      tpu.enqueue_indirect_dma source(%dma_start3A_191 : memref<128x64xf32, #tpu.memory_space<vmem>>) target(%dma_start3A_197 : memref<10112x64xf32, #tpu.memory_space<vmem_shared>>) offsets(%dma_start3A_194 : memref<128xi32, #tpu.memory_space<vmem>>) semaphore(%dma_start3A_199 : memref<!tpu.dma_semaphore, #tpu.memory_space<semaphore_mem>>) {add = true}
      %dma_wait3A_200 = arith.constant 0 : i32
      %dma_wait3A_201 = arith.constant 1 : i32
      %dma_wait3A_202 = arith.constant 1 : i32
      %dma_wait3A_203 = arith.constant 0 : i32
      %dma_wait3A_204 = arith.constant 0 : i32
      %dma_wait3A_205 = tpu.memref_slice %arg8[%dma_wait3A_201, %dma_wait3A_203, %dma_wait3A_204] : memref<2x128x64xf32, #tpu.memory_space<vmem>> -> memref<1x128x64xf32, #tpu.memory_space<vmem>>
      %dma_wait3A_206 = tpu.memref_squeeze %dma_wait3A_205 : memref<1x128x64xf32, #tpu.memory_space<vmem>> -> memref<128x64xf32, #tpu.memory_space<vmem>>
      %dma_wait3A_207 = arith.constant 0 : i32
      %dma_wait3A_208 = tpu.memref_slice %arg6[%dma_wait3A_200, %dma_wait3A_207] : memref<40x128xi32, #tpu.memory_space<vmem>> -> memref<1x128xi32, #tpu.memory_space<vmem>>
      %dma_wait3A_209 = tpu.memref_squeeze %dma_wait3A_208 : memref<1x128xi32, #tpu.memory_space<vmem>> -> memref<128xi32, #tpu.memory_space<vmem>>
      %dma_wait3A_210 = arith.constant 0 : i32
      %dma_wait3A_211 = arith.constant 0 : i32
      %dma_wait3A_212 = tpu.memref_slice %arg10[%dma_wait3A_210, %dma_wait3A_211] : memref<10112x64xf32, #tpu.memory_space<vmem_shared>> -> memref<10112x64xf32, #tpu.memory_space<vmem_shared>>
      %dma_wait3A_213 = tpu.memref_slice %arg11[%dma_wait3A_202] : memref<2x!tpu.dma_semaphore, #tpu.memory_space<semaphore_mem>> -> memref<1x!tpu.dma_semaphore, #tpu.memory_space<semaphore_mem>>
      %dma_wait3A_214 = tpu.memref_squeeze %dma_wait3A_213 : memref<1x!tpu.dma_semaphore, #tpu.memory_space<semaphore_mem>> -> memref<!tpu.dma_semaphore, #tpu.memory_space<semaphore_mem>>
      tpu.wait_indirect_dma semaphore(%dma_wait3A_214 : memref<!tpu.dma_semaphore, #tpu.memory_space<semaphore_mem>>) src(%dma_wait3A_212 : memref<10112x64xf32, #tpu.memory_space<vmem_shared>>) dst(%dma_wait3A_206 : memref<128x64xf32, #tpu.memory_space<vmem>>)
      %add3A_215 = arith.constant 1 : i32
      %add3A_216 = arith.addi %mul3A_168, %add3A_215 : i32
      %dma_start3A_217 = arith.constant 1 : i32
      %dma_start3A_218 = arith.constant 1 : i32
      %dma_start3A_219 = arith.constant 0 : i32
      %dma_start3A_220 = arith.constant 0 : i32
      %dma_start3A_221 = tpu.memref_slice %arg8[%dma_start3A_217, %dma_start3A_219, %dma_start3A_220] : memref<2x128x64xf32, #tpu.memory_space<vmem>> -> memref<1x128x64xf32, #tpu.memory_space<vmem>>
      %dma_start3A_222 = tpu.memref_squeeze %dma_start3A_221 : memref<1x128x64xf32, #tpu.memory_space<vmem>> -> memref<128x64xf32, #tpu.memory_space<vmem>>
      %dma_start3A_223 = arith.constant 0 : i32
      %dma_start3A_224 = tpu.memref_slice %arg7[%add3A_216, %dma_start3A_223] : memref<40x128xi32, #tpu.memory_space<vmem>> -> memref<1x128xi32, #tpu.memory_space<vmem>>
      %dma_start3A_225 = tpu.memref_squeeze %dma_start3A_224 : memref<1x128xi32, #tpu.memory_space<vmem>> -> memref<128xi32, #tpu.memory_space<vmem>>
      %dma_start3A_226 = arith.constant 0 : i32
      %dma_start3A_227 = arith.constant 0 : i32
      %dma_start3A_228 = tpu.memref_slice %arg9[%dma_start3A_226, %dma_start3A_227] : memref<10112x64xf32, #tpu.memory_space<vmem_shared>> -> memref<10112x64xf32, #tpu.memory_space<vmem_shared>>
      %dma_start3A_229 = tpu.memref_slice %arg12[%dma_start3A_218] : memref<2x!tpu.dma_semaphore, #tpu.memory_space<semaphore_mem>> -> memref<1x!tpu.dma_semaphore, #tpu.memory_space<semaphore_mem>>
      %dma_start3A_230 = tpu.memref_squeeze %dma_start3A_229 : memref<1x!tpu.dma_semaphore, #tpu.memory_space<semaphore_mem>> -> memref<!tpu.dma_semaphore, #tpu.memory_space<semaphore_mem>>
      tpu.enqueue_indirect_dma source(%dma_start3A_222 : memref<128x64xf32, #tpu.memory_space<vmem>>) target(%dma_start3A_228 : memref<10112x64xf32, #tpu.memory_space<vmem_shared>>) offsets(%dma_start3A_225 : memref<128xi32, #tpu.memory_space<vmem>>) semaphore(%dma_start3A_230 : memref<!tpu.dma_semaphore, #tpu.memory_space<semaphore_mem>>) {add = true}
      %add3A_231 = arith.constant 0 : i32
      %add3A_232 = arith.addi %mul3A_168, %add3A_231 : i32
      %add3A_233 = arith.constant 2 : i32
      %add3A_234 = arith.addi %add3A_232, %add3A_233 : i32
      %lt3A = arith.constant 40 : i32
      %lt3A_235 = arith.cmpi slt, %add3A_234, %lt3A : i32
      %convert_element_type3A = arith.extui %lt3A_235 : i1 to i32
      %cond3A = arith.constant 0 : i32
      %cond3A_236 = arith.cmpi ne, %convert_element_type3A, %cond3A : i32
      scf.if %cond3A_236 {
        %dma_wait3A_246 = arith.constant 0 : i32
        %dma_wait3A_247 = arith.constant 0 : i32
        %dma_wait3A_248 = arith.constant 0 : i32
        %dma_wait3A_249 = arith.constant 0 : i32
        %dma_wait3A_250 = arith.constant 0 : i32
        %dma_wait3A_251 = tpu.memref_slice %arg8[%dma_wait3A_246, %dma_wait3A_249, %dma_wait3A_250] : memref<2x128x64xf32, #tpu.memory_space<vmem>> -> memref<1x128x64xf32, #tpu.memory_space<vmem>>
        %dma_wait3A_252 = tpu.memref_squeeze %dma_wait3A_251 : memref<1x128x64xf32, #tpu.memory_space<vmem>> -> memref<128x64xf32, #tpu.memory_space<vmem>>
        %dma_wait3A_253 = arith.constant 0 : i32
        %dma_wait3A_254 = tpu.memref_slice %arg7[%dma_wait3A_247, %dma_wait3A_253] : memref<40x128xi32, #tpu.memory_space<vmem>> -> memref<1x128xi32, #tpu.memory_space<vmem>>
        %dma_wait3A_255 = tpu.memref_squeeze %dma_wait3A_254 : memref<1x128xi32, #tpu.memory_space<vmem>> -> memref<128xi32, #tpu.memory_space<vmem>>
        %dma_wait3A_256 = arith.constant 0 : i32
        %dma_wait3A_257 = arith.constant 0 : i32
        %dma_wait3A_258 = tpu.memref_slice %arg9[%dma_wait3A_256, %dma_wait3A_257] : memref<10112x64xf32, #tpu.memory_space<vmem_shared>> -> memref<10112x64xf32, #tpu.memory_space<vmem_shared>>
        %dma_wait3A_259 = tpu.memref_slice %arg12[%dma_wait3A_248] : memref<2x!tpu.dma_semaphore, #tpu.memory_space<semaphore_mem>> -> memref<1x!tpu.dma_semaphore, #tpu.memory_space<semaphore_mem>>
        %dma_wait3A_260 = tpu.memref_squeeze %dma_wait3A_259 : memref<1x!tpu.dma_semaphore, #tpu.memory_space<semaphore_mem>> -> memref<!tpu.dma_semaphore, #tpu.memory_space<semaphore_mem>>
        tpu.wait_indirect_dma semaphore(%dma_wait3A_260 : memref<!tpu.dma_semaphore, #tpu.memory_space<semaphore_mem>>) src(%dma_wait3A_252 : memref<128x64xf32, #tpu.memory_space<vmem>>) dst(%dma_wait3A_258 : memref<10112x64xf32, #tpu.memory_space<vmem_shared>>)
        %add3A_261 = arith.constant 0 : i32
        %add3A_262 = arith.addi %mul3A_168, %add3A_261 : i32
        %add3A_263 = arith.constant 2 : i32
        %add3A_264 = arith.addi %add3A_262, %add3A_263 : i32
        %dma_start3A_265 = arith.constant 0 : i32
        %dma_start3A_266 = arith.constant 0 : i32
        %dma_start3A_267 = arith.constant 0 : i32
        %dma_start3A_268 = arith.constant 0 : i32
        %dma_start3A_269 = tpu.memref_slice %arg8[%dma_start3A_265, %dma_start3A_267, %dma_start3A_268] : memref<2x128x64xf32, #tpu.memory_space<vmem>> -> memref<1x128x64xf32, #tpu.memory_space<vmem>>
        %dma_start3A_270 = tpu.memref_squeeze %dma_start3A_269 : memref<1x128x64xf32, #tpu.memory_space<vmem>> -> memref<128x64xf32, #tpu.memory_space<vmem>>
        %dma_start3A_271 = arith.constant 0 : i32
        %dma_start3A_272 = tpu.memref_slice %arg6[%add3A_264, %dma_start3A_271] : memref<40x128xi32, #tpu.memory_space<vmem>> -> memref<1x128xi32, #tpu.memory_space<vmem>>
        %dma_start3A_273 = tpu.memref_squeeze %dma_start3A_272 : memref<1x128xi32, #tpu.memory_space<vmem>> -> memref<128xi32, #tpu.memory_space<vmem>>
        %dma_start3A_274 = arith.constant 0 : i32
        %dma_start3A_275 = arith.constant 0 : i32
        %dma_start3A_276 = tpu.memref_slice %arg10[%dma_start3A_274, %dma_start3A_275] : memref<10112x64xf32, #tpu.memory_space<vmem_shared>> -> memref<10112x64xf32, #tpu.memory_space<vmem_shared>>
        %dma_start3A_277 = tpu.memref_slice %arg11[%dma_start3A_266] : memref<2x!tpu.dma_semaphore, #tpu.memory_space<semaphore_mem>> -> memref<1x!tpu.dma_semaphore, #tpu.memory_space<semaphore_mem>>
        %dma_start3A_278 = tpu.memref_squeeze %dma_start3A_277 : memref<1x!tpu.dma_semaphore, #tpu.memory_space<semaphore_mem>> -> memref<!tpu.dma_semaphore, #tpu.memory_space<semaphore_mem>>
        tpu.enqueue_indirect_dma source(%dma_start3A_276 : memref<10112x64xf32, #tpu.memory_space<vmem_shared>>) target(%dma_start3A_270 : memref<128x64xf32, #tpu.memory_space<vmem>>) offsets(%dma_start3A_273 : memref<128xi32, #tpu.memory_space<vmem>>) semaphore(%dma_start3A_278 : memref<!tpu.dma_semaphore, #tpu.memory_space<semaphore_mem>>)
      } else {
      }
      %add3A_237 = arith.constant 1 : i32
      %add3A_238 = arith.addi %mul3A_168, %add3A_237 : i32
      %add3A_239 = arith.constant 2 : i32
      %add3A_240 = arith.addi %add3A_238, %add3A_239 : i32
      %lt3A_241 = arith.constant 40 : i32
      %lt3A_242 = arith.cmpi slt, %add3A_240, %lt3A_241 : i32
      %convert_element_type3A_243 = arith.extui %lt3A_242 : i1 to i32
      %cond3A_244 = arith.constant 0 : i32
      %cond3A_245 = arith.cmpi ne, %convert_element_type3A_243, %cond3A_244 : i32
      scf.if %cond3A_245 {
        %dma_wait3A_246 = arith.constant 1 : i32
        %dma_wait3A_247 = arith.constant 0 : i32
        %dma_wait3A_248 = arith.constant 1 : i32
        %dma_wait3A_249 = arith.constant 0 : i32
        %dma_wait3A_250 = arith.constant 0 : i32
        %dma_wait3A_251 = tpu.memref_slice %arg8[%dma_wait3A_246, %dma_wait3A_249, %dma_wait3A_250] : memref<2x128x64xf32, #tpu.memory_space<vmem>> -> memref<1x128x64xf32, #tpu.memory_space<vmem>>
        %dma_wait3A_252 = tpu.memref_squeeze %dma_wait3A_251 : memref<1x128x64xf32, #tpu.memory_space<vmem>> -> memref<128x64xf32, #tpu.memory_space<vmem>>
        %dma_wait3A_253 = arith.constant 0 : i32
        %dma_wait3A_254 = tpu.memref_slice %arg7[%dma_wait3A_247, %dma_wait3A_253] : memref<40x128xi32, #tpu.memory_space<vmem>> -> memref<1x128xi32, #tpu.memory_space<vmem>>
        %dma_wait3A_255 = tpu.memref_squeeze %dma_wait3A_254 : memref<1x128xi32, #tpu.memory_space<vmem>> -> memref<128xi32, #tpu.memory_space<vmem>>
        %dma_wait3A_256 = arith.constant 0 : i32
        %dma_wait3A_257 = arith.constant 0 : i32
        %dma_wait3A_258 = tpu.memref_slice %arg9[%dma_wait3A_256, %dma_wait3A_257] : memref<10112x64xf32, #tpu.memory_space<vmem_shared>> -> memref<10112x64xf32, #tpu.memory_space<vmem_shared>>
        %dma_wait3A_259 = tpu.memref_slice %arg12[%dma_wait3A_248] : memref<2x!tpu.dma_semaphore, #tpu.memory_space<semaphore_mem>> -> memref<1x!tpu.dma_semaphore, #tpu.memory_space<semaphore_mem>>
        %dma_wait3A_260 = tpu.memref_squeeze %dma_wait3A_259 : memref<1x!tpu.dma_semaphore, #tpu.memory_space<semaphore_mem>> -> memref<!tpu.dma_semaphore, #tpu.memory_space<semaphore_mem>>
        tpu.wait_indirect_dma semaphore(%dma_wait3A_260 : memref<!tpu.dma_semaphore, #tpu.memory_space<semaphore_mem>>) src(%dma_wait3A_252 : memref<128x64xf32, #tpu.memory_space<vmem>>) dst(%dma_wait3A_258 : memref<10112x64xf32, #tpu.memory_space<vmem_shared>>)
        %add3A_261 = arith.constant 1 : i32
        %add3A_262 = arith.addi %mul3A_168, %add3A_261 : i32
        %add3A_263 = arith.constant 2 : i32
        %add3A_264 = arith.addi %add3A_262, %add3A_263 : i32
        %dma_start3A_265 = arith.constant 1 : i32
        %dma_start3A_266 = arith.constant 1 : i32
        %dma_start3A_267 = arith.constant 0 : i32
        %dma_start3A_268 = arith.constant 0 : i32
        %dma_start3A_269 = tpu.memref_slice %arg8[%dma_start3A_265, %dma_start3A_267, %dma_start3A_268] : memref<2x128x64xf32, #tpu.memory_space<vmem>> -> memref<1x128x64xf32, #tpu.memory_space<vmem>>
        %dma_start3A_270 = tpu.memref_squeeze %dma_start3A_269 : memref<1x128x64xf32, #tpu.memory_space<vmem>> -> memref<128x64xf32, #tpu.memory_space<vmem>>
        %dma_start3A_271 = arith.constant 0 : i32
        %dma_start3A_272 = tpu.memref_slice %arg6[%add3A_264, %dma_start3A_271] : memref<40x128xi32, #tpu.memory_space<vmem>> -> memref<1x128xi32, #tpu.memory_space<vmem>>
        %dma_start3A_273 = tpu.memref_squeeze %dma_start3A_272 : memref<1x128xi32, #tpu.memory_space<vmem>> -> memref<128xi32, #tpu.memory_space<vmem>>
        %dma_start3A_274 = arith.constant 0 : i32
        %dma_start3A_275 = arith.constant 0 : i32
        %dma_start3A_276 = tpu.memref_slice %arg10[%dma_start3A_274, %dma_start3A_275] : memref<10112x64xf32, #tpu.memory_space<vmem_shared>> -> memref<10112x64xf32, #tpu.memory_space<vmem_shared>>
        %dma_start3A_277 = tpu.memref_slice %arg11[%dma_start3A_266] : memref<2x!tpu.dma_semaphore, #tpu.memory_space<semaphore_mem>> -> memref<1x!tpu.dma_semaphore, #tpu.memory_space<semaphore_mem>>
        %dma_start3A_278 = tpu.memref_squeeze %dma_start3A_277 : memref<1x!tpu.dma_semaphore, #tpu.memory_space<semaphore_mem>> -> memref<!tpu.dma_semaphore, #tpu.memory_space<semaphore_mem>>
        tpu.enqueue_indirect_dma source(%dma_start3A_276 : memref<10112x64xf32, #tpu.memory_space<vmem_shared>>) target(%dma_start3A_270 : memref<128x64xf32, #tpu.memory_space<vmem>>) offsets(%dma_start3A_273 : memref<128xi32, #tpu.memory_space<vmem>>) semaphore(%dma_start3A_278 : memref<!tpu.dma_semaphore, #tpu.memory_space<semaphore_mem>>)
      } else {
      }
    }
    %scan3A_62 = arith.constant 20 : i32
    %dma_wait3A = arith.constant 0 : i32
    %dma_wait3A_63 = arith.constant 0 : i32
    %dma_wait3A_64 = arith.constant 0 : i32
    %dma_wait3A_65 = arith.constant 0 : i32
    %dma_wait3A_66 = arith.constant 0 : i32
    %dma_wait3A_67 = tpu.memref_slice %arg8[%dma_wait3A, %dma_wait3A_65, %dma_wait3A_66] : memref<2x128x64xf32, #tpu.memory_space<vmem>> -> memref<1x128x64xf32, #tpu.memory_space<vmem>>
    %dma_wait3A_68 = tpu.memref_squeeze %dma_wait3A_67 : memref<1x128x64xf32, #tpu.memory_space<vmem>> -> memref<128x64xf32, #tpu.memory_space<vmem>>
    %dma_wait3A_69 = arith.constant 0 : i32
    %dma_wait3A_70 = tpu.memref_slice %arg7[%dma_wait3A_63, %dma_wait3A_69] : memref<40x128xi32, #tpu.memory_space<vmem>> -> memref<1x128xi32, #tpu.memory_space<vmem>>
    %dma_wait3A_71 = tpu.memref_squeeze %dma_wait3A_70 : memref<1x128xi32, #tpu.memory_space<vmem>> -> memref<128xi32, #tpu.memory_space<vmem>>
    %dma_wait3A_72 = arith.constant 0 : i32
    %dma_wait3A_73 = arith.constant 0 : i32
    %dma_wait3A_74 = tpu.memref_slice %arg9[%dma_wait3A_72, %dma_wait3A_73] : memref<10112x64xf32, #tpu.memory_space<vmem_shared>> -> memref<10112x64xf32, #tpu.memory_space<vmem_shared>>
    %dma_wait3A_75 = tpu.memref_slice %arg12[%dma_wait3A_64] : memref<2x!tpu.dma_semaphore, #tpu.memory_space<semaphore_mem>> -> memref<1x!tpu.dma_semaphore, #tpu.memory_space<semaphore_mem>>
    %dma_wait3A_76 = tpu.memref_squeeze %dma_wait3A_75 : memref<1x!tpu.dma_semaphore, #tpu.memory_space<semaphore_mem>> -> memref<!tpu.dma_semaphore, #tpu.memory_space<semaphore_mem>>
    tpu.wait_indirect_dma semaphore(%dma_wait3A_76 : memref<!tpu.dma_semaphore, #tpu.memory_space<semaphore_mem>>) src(%dma_wait3A_68 : memref<128x64xf32, #tpu.memory_space<vmem>>) dst(%dma_wait3A_74 : memref<10112x64xf32, #tpu.memory_space<vmem_shared>>)
    %dma_wait3A_77 = arith.constant 1 : i32
    %dma_wait3A_78 = arith.constant 0 : i32
    %dma_wait3A_79 = arith.constant 1 : i32
    %dma_wait3A_80 = arith.constant 0 : i32
    %dma_wait3A_81 = arith.constant 0 : i32
    %dma_wait3A_82 = tpu.memref_slice %arg8[%dma_wait3A_77, %dma_wait3A_80, %dma_wait3A_81] : memref<2x128x64xf32, #tpu.memory_space<vmem>> -> memref<1x128x64xf32, #tpu.memory_space<vmem>>
    %dma_wait3A_83 = tpu.memref_squeeze %dma_wait3A_82 : memref<1x128x64xf32, #tpu.memory_space<vmem>> -> memref<128x64xf32, #tpu.memory_space<vmem>>
    %dma_wait3A_84 = arith.constant 0 : i32
    %dma_wait3A_85 = tpu.memref_slice %arg7[%dma_wait3A_78, %dma_wait3A_84] : memref<40x128xi32, #tpu.memory_space<vmem>> -> memref<1x128xi32, #tpu.memory_space<vmem>>
    %dma_wait3A_86 = tpu.memref_squeeze %dma_wait3A_85 : memref<1x128xi32, #tpu.memory_space<vmem>> -> memref<128xi32, #tpu.memory_space<vmem>>
    %dma_wait3A_87 = arith.constant 0 : i32
    %dma_wait3A_88 = arith.constant 0 : i32
    %dma_wait3A_89 = tpu.memref_slice %arg9[%dma_wait3A_87, %dma_wait3A_88] : memref<10112x64xf32, #tpu.memory_space<vmem_shared>> -> memref<10112x64xf32, #tpu.memory_space<vmem_shared>>
    %dma_wait3A_90 = tpu.memref_slice %arg12[%dma_wait3A_79] : memref<2x!tpu.dma_semaphore, #tpu.memory_space<semaphore_mem>> -> memref<1x!tpu.dma_semaphore, #tpu.memory_space<semaphore_mem>>
    %dma_wait3A_91 = tpu.memref_squeeze %dma_wait3A_90 : memref<1x!tpu.dma_semaphore, #tpu.memory_space<semaphore_mem>> -> memref<!tpu.dma_semaphore, #tpu.memory_space<semaphore_mem>>
    tpu.wait_indirect_dma semaphore(%dma_wait3A_91 : memref<!tpu.dma_semaphore, #tpu.memory_space<semaphore_mem>>) src(%dma_wait3A_83 : memref<128x64xf32, #tpu.memory_space<vmem>>) dst(%dma_wait3A_89 : memref<10112x64xf32, #tpu.memory_space<vmem_shared>>)
    %mul3A_92 = arith.constant 80 : i32
    %mul3A_93 = arith.muli %add3A, %mul3A_92 : i32
    %add3A_94 = arith.constant 40 : i32
    %add3A_95 = arith.addi %mul3A_93, %add3A_94 : i32
    "tpu.region"() ({
      %run_scoped3A_162 = tpu.sem_alloc : memref<!tpu.dma_semaphore, #tpu.memory_space<semaphore_mem>>
      %dma_start3A_163 = arith.constant 0 : i32
      %dma_start3A_164 = tpu.memref_slice %arg3[%add3A_95, %dma_start3A_163] : memref<2560x128xi32, #tpu.memory_space<hbm>> -> memref<40x128xi32, #tpu.memory_space<hbm>>
      %dma_start3A_165 = arith.constant 0 : i32
      %dma_start3A_166 = tpu.memref_slice %arg3[%add3A_95, %dma_start3A_165] : memref<2560x128xi32, #tpu.memory_space<hbm>> -> memref<40x128xi32, #tpu.memory_space<hbm>>
      tpu.enqueue_dma source(%dma_start3A_166 : memref<40x128xi32, #tpu.memory_space<hbm>>) target(%arg6 : memref<40x128xi32, #tpu.memory_space<vmem>>) target_semaphore(%run_scoped3A_162 : memref<!tpu.dma_semaphore, #tpu.memory_space<semaphore_mem>>)
      %dma_wait3A_167 = arith.constant 0 : i32
      %dma_wait3A_168 = tpu.memref_slice %arg3[%add3A_95, %dma_wait3A_167] : memref<2560x128xi32, #tpu.memory_space<hbm>> -> memref<40x128xi32, #tpu.memory_space<hbm>>
      %dma_wait3A_169 = arith.constant 0 : i32
      %dma_wait3A_170 = tpu.memref_slice %arg3[%add3A_95, %dma_wait3A_169] : memref<2560x128xi32, #tpu.memory_space<hbm>> -> memref<40x128xi32, #tpu.memory_space<hbm>>
      tpu.wait_dma2 semaphore(%run_scoped3A_162 : memref<!tpu.dma_semaphore, #tpu.memory_space<semaphore_mem>>) src(%dma_wait3A_170 : memref<40x128xi32, #tpu.memory_space<hbm>>) dst(%arg6 : memref<40x128xi32, #tpu.memory_space<vmem>>)
      tpu.yield
    }) : () -> ()
    "tpu.region"() ({
      %run_scoped3A_162 = tpu.sem_alloc : memref<!tpu.dma_semaphore, #tpu.memory_space<semaphore_mem>>
      %dma_start3A_163 = arith.constant 0 : i32
      %dma_start3A_164 = tpu.memref_slice %arg4[%add3A_95, %dma_start3A_163] : memref<2560x128xi32, #tpu.memory_space<hbm>> -> memref<40x128xi32, #tpu.memory_space<hbm>>
      %dma_start3A_165 = arith.constant 0 : i32
      %dma_start3A_166 = tpu.memref_slice %arg4[%add3A_95, %dma_start3A_165] : memref<2560x128xi32, #tpu.memory_space<hbm>> -> memref<40x128xi32, #tpu.memory_space<hbm>>
      tpu.enqueue_dma source(%dma_start3A_166 : memref<40x128xi32, #tpu.memory_space<hbm>>) target(%arg7 : memref<40x128xi32, #tpu.memory_space<vmem>>) target_semaphore(%run_scoped3A_162 : memref<!tpu.dma_semaphore, #tpu.memory_space<semaphore_mem>>)
      %dma_wait3A_167 = arith.constant 0 : i32
      %dma_wait3A_168 = tpu.memref_slice %arg4[%add3A_95, %dma_wait3A_167] : memref<2560x128xi32, #tpu.memory_space<hbm>> -> memref<40x128xi32, #tpu.memory_space<hbm>>
      %dma_wait3A_169 = arith.constant 0 : i32
      %dma_wait3A_170 = tpu.memref_slice %arg4[%add3A_95, %dma_wait3A_169] : memref<2560x128xi32, #tpu.memory_space<hbm>> -> memref<40x128xi32, #tpu.memory_space<hbm>>
      tpu.wait_dma2 semaphore(%run_scoped3A_162 : memref<!tpu.dma_semaphore, #tpu.memory_space<semaphore_mem>>) src(%dma_wait3A_170 : memref<40x128xi32, #tpu.memory_space<hbm>>) dst(%arg7 : memref<40x128xi32, #tpu.memory_space<vmem>>)
      tpu.yield
    }) : () -> ()
    %dma_start3A_96 = arith.constant 0 : i32
    %dma_start3A_97 = arith.constant 0 : i32
    %dma_start3A_98 = arith.constant 0 : i32
    %dma_start3A_99 = arith.constant 0 : i32
    %dma_start3A_100 = arith.constant 0 : i32
    %dma_start3A_101 = tpu.memref_slice %arg8[%dma_start3A_97, %dma_start3A_99, %dma_start3A_100] : memref<2x128x64xf32, #tpu.memory_space<vmem>> -> memref<1x128x64xf32, #tpu.memory_space<vmem>>
    %dma_start3A_102 = tpu.memref_squeeze %dma_start3A_101 : memref<1x128x64xf32, #tpu.memory_space<vmem>> -> memref<128x64xf32, #tpu.memory_space<vmem>>
    %dma_start3A_103 = arith.constant 0 : i32
    %dma_start3A_104 = tpu.memref_slice %arg6[%dma_start3A_96, %dma_start3A_103] : memref<40x128xi32, #tpu.memory_space<vmem>> -> memref<1x128xi32, #tpu.memory_space<vmem>>
    %dma_start3A_105 = tpu.memref_squeeze %dma_start3A_104 : memref<1x128xi32, #tpu.memory_space<vmem>> -> memref<128xi32, #tpu.memory_space<vmem>>
    %dma_start3A_106 = arith.constant 0 : i32
    %dma_start3A_107 = arith.constant 0 : i32
    %dma_start3A_108 = tpu.memref_slice %arg10[%dma_start3A_106, %dma_start3A_107] : memref<10112x64xf32, #tpu.memory_space<vmem_shared>> -> memref<10112x64xf32, #tpu.memory_space<vmem_shared>>
    %dma_start3A_109 = tpu.memref_slice %arg11[%dma_start3A_98] : memref<2x!tpu.dma_semaphore, #tpu.memory_space<semaphore_mem>> -> memref<1x!tpu.dma_semaphore, #tpu.memory_space<semaphore_mem>>
    %dma_start3A_110 = tpu.memref_squeeze %dma_start3A_109 : memref<1x!tpu.dma_semaphore, #tpu.memory_space<semaphore_mem>> -> memref<!tpu.dma_semaphore, #tpu.memory_space<semaphore_mem>>
    tpu.enqueue_indirect_dma source(%dma_start3A_108 : memref<10112x64xf32, #tpu.memory_space<vmem_shared>>) target(%dma_start3A_102 : memref<128x64xf32, #tpu.memory_space<vmem>>) offsets(%dma_start3A_105 : memref<128xi32, #tpu.memory_space<vmem>>) semaphore(%dma_start3A_110 : memref<!tpu.dma_semaphore, #tpu.memory_space<semaphore_mem>>)
    %dma_start3A_111 = arith.constant 1 : i32
    %dma_start3A_112 = arith.constant 1 : i32
    %dma_start3A_113 = arith.constant 1 : i32
    %dma_start3A_114 = arith.constant 0 : i32
    %dma_start3A_115 = arith.constant 0 : i32
    %dma_start3A_116 = tpu.memref_slice %arg8[%dma_start3A_112, %dma_start3A_114, %dma_start3A_115] : memref<2x128x64xf32, #tpu.memory_space<vmem>> -> memref<1x128x64xf32, #tpu.memory_space<vmem>>
    %dma_start3A_117 = tpu.memref_squeeze %dma_start3A_116 : memref<1x128x64xf32, #tpu.memory_space<vmem>> -> memref<128x64xf32, #tpu.memory_space<vmem>>
    %dma_start3A_118 = arith.constant 0 : i32
    %dma_start3A_119 = tpu.memref_slice %arg6[%dma_start3A_111, %dma_start3A_118] : memref<40x128xi32, #tpu.memory_space<vmem>> -> memref<1x128xi32, #tpu.memory_space<vmem>>
    %dma_start3A_120 = tpu.memref_squeeze %dma_start3A_119 : memref<1x128xi32, #tpu.memory_space<vmem>> -> memref<128xi32, #tpu.memory_space<vmem>>
    %dma_start3A_121 = arith.constant 0 : i32
    %dma_start3A_122 = arith.constant 0 : i32
    %dma_start3A_123 = tpu.memref_slice %arg10[%dma_start3A_121, %dma_start3A_122] : memref<10112x64xf32, #tpu.memory_space<vmem_shared>> -> memref<10112x64xf32, #tpu.memory_space<vmem_shared>>
    %dma_start3A_124 = tpu.memref_slice %arg11[%dma_start3A_113] : memref<2x!tpu.dma_semaphore, #tpu.memory_space<semaphore_mem>> -> memref<1x!tpu.dma_semaphore, #tpu.memory_space<semaphore_mem>>
    %dma_start3A_125 = tpu.memref_squeeze %dma_start3A_124 : memref<1x!tpu.dma_semaphore, #tpu.memory_space<semaphore_mem>> -> memref<!tpu.dma_semaphore, #tpu.memory_space<semaphore_mem>>
    tpu.enqueue_indirect_dma source(%dma_start3A_123 : memref<10112x64xf32, #tpu.memory_space<vmem_shared>>) target(%dma_start3A_117 : memref<128x64xf32, #tpu.memory_space<vmem>>) offsets(%dma_start3A_120 : memref<128xi32, #tpu.memory_space<vmem>>) semaphore(%dma_start3A_125 : memref<!tpu.dma_semaphore, #tpu.memory_space<semaphore_mem>>)
    %scan3A_126 = arith.constant 0 : i32
    %scan3A_127 = arith.constant 20 : i32
    %scan3A_128 = arith.addi %scan3A_126, %scan3A_127 : i32
    %scan3A_129 = arith.constant 1 : i32
    scf.for %scan3A_162 = %scan3A_126 to %scan3A_128 step %scan3A_129  : i32 {
      %mul3A_163 = arith.constant 1 : i32
      %mul3A_164 = arith.muli %scan3A_162, %mul3A_163 : i32
      %add3A_165 = arith.constant 0 : i32
      %add3A_166 = arith.addi %add3A_165, %mul3A_164 : i32
      %mul3A_167 = arith.constant 2 : i32
      %mul3A_168 = arith.muli %add3A_166, %mul3A_167 : i32
      %dma_wait3A_169 = arith.constant 0 : i32
      %dma_wait3A_170 = arith.constant 0 : i32
      %dma_wait3A_171 = arith.constant 0 : i32
      %dma_wait3A_172 = arith.constant 0 : i32
      %dma_wait3A_173 = arith.constant 0 : i32
      %dma_wait3A_174 = tpu.memref_slice %arg8[%dma_wait3A_170, %dma_wait3A_172, %dma_wait3A_173] : memref<2x128x64xf32, #tpu.memory_space<vmem>> -> memref<1x128x64xf32, #tpu.memory_space<vmem>>
      %dma_wait3A_175 = tpu.memref_squeeze %dma_wait3A_174 : memref<1x128x64xf32, #tpu.memory_space<vmem>> -> memref<128x64xf32, #tpu.memory_space<vmem>>
      %dma_wait3A_176 = arith.constant 0 : i32
      %dma_wait3A_177 = tpu.memref_slice %arg6[%dma_wait3A_169, %dma_wait3A_176] : memref<40x128xi32, #tpu.memory_space<vmem>> -> memref<1x128xi32, #tpu.memory_space<vmem>>
      %dma_wait3A_178 = tpu.memref_squeeze %dma_wait3A_177 : memref<1x128xi32, #tpu.memory_space<vmem>> -> memref<128xi32, #tpu.memory_space<vmem>>
      %dma_wait3A_179 = arith.constant 0 : i32
      %dma_wait3A_180 = arith.constant 0 : i32
      %dma_wait3A_181 = tpu.memref_slice %arg10[%dma_wait3A_179, %dma_wait3A_180] : memref<10112x64xf32, #tpu.memory_space<vmem_shared>> -> memref<10112x64xf32, #tpu.memory_space<vmem_shared>>
      %dma_wait3A_182 = tpu.memref_slice %arg11[%dma_wait3A_171] : memref<2x!tpu.dma_semaphore, #tpu.memory_space<semaphore_mem>> -> memref<1x!tpu.dma_semaphore, #tpu.memory_space<semaphore_mem>>
      %dma_wait3A_183 = tpu.memref_squeeze %dma_wait3A_182 : memref<1x!tpu.dma_semaphore, #tpu.memory_space<semaphore_mem>> -> memref<!tpu.dma_semaphore, #tpu.memory_space<semaphore_mem>>
      tpu.wait_indirect_dma semaphore(%dma_wait3A_183 : memref<!tpu.dma_semaphore, #tpu.memory_space<semaphore_mem>>) src(%dma_wait3A_181 : memref<10112x64xf32, #tpu.memory_space<vmem_shared>>) dst(%dma_wait3A_175 : memref<128x64xf32, #tpu.memory_space<vmem>>)
      %add3A_184 = arith.constant 0 : i32
      %add3A_185 = arith.addi %mul3A_168, %add3A_184 : i32
      %dma_start3A_186 = arith.constant 0 : i32
      %dma_start3A_187 = arith.constant 0 : i32
      %dma_start3A_188 = arith.constant 0 : i32
      %dma_start3A_189 = arith.constant 0 : i32
      %dma_start3A_190 = tpu.memref_slice %arg8[%dma_start3A_186, %dma_start3A_188, %dma_start3A_189] : memref<2x128x64xf32, #tpu.memory_space<vmem>> -> memref<1x128x64xf32, #tpu.memory_space<vmem>>
      %dma_start3A_191 = tpu.memref_squeeze %dma_start3A_190 : memref<1x128x64xf32, #tpu.memory_space<vmem>> -> memref<128x64xf32, #tpu.memory_space<vmem>>
      %dma_start3A_192 = arith.constant 0 : i32
      %dma_start3A_193 = tpu.memref_slice %arg7[%add3A_185, %dma_start3A_192] : memref<40x128xi32, #tpu.memory_space<vmem>> -> memref<1x128xi32, #tpu.memory_space<vmem>>
      %dma_start3A_194 = tpu.memref_squeeze %dma_start3A_193 : memref<1x128xi32, #tpu.memory_space<vmem>> -> memref<128xi32, #tpu.memory_space<vmem>>
      %dma_start3A_195 = arith.constant 0 : i32
      %dma_start3A_196 = arith.constant 0 : i32
      %dma_start3A_197 = tpu.memref_slice %arg9[%dma_start3A_195, %dma_start3A_196] : memref<10112x64xf32, #tpu.memory_space<vmem_shared>> -> memref<10112x64xf32, #tpu.memory_space<vmem_shared>>
      %dma_start3A_198 = tpu.memref_slice %arg12[%dma_start3A_187] : memref<2x!tpu.dma_semaphore, #tpu.memory_space<semaphore_mem>> -> memref<1x!tpu.dma_semaphore, #tpu.memory_space<semaphore_mem>>
      %dma_start3A_199 = tpu.memref_squeeze %dma_start3A_198 : memref<1x!tpu.dma_semaphore, #tpu.memory_space<semaphore_mem>> -> memref<!tpu.dma_semaphore, #tpu.memory_space<semaphore_mem>>
      tpu.enqueue_indirect_dma source(%dma_start3A_191 : memref<128x64xf32, #tpu.memory_space<vmem>>) target(%dma_start3A_197 : memref<10112x64xf32, #tpu.memory_space<vmem_shared>>) offsets(%dma_start3A_194 : memref<128xi32, #tpu.memory_space<vmem>>) semaphore(%dma_start3A_199 : memref<!tpu.dma_semaphore, #tpu.memory_space<semaphore_mem>>) {add = true}
      %dma_wait3A_200 = arith.constant 0 : i32
      %dma_wait3A_201 = arith.constant 1 : i32
      %dma_wait3A_202 = arith.constant 1 : i32
      %dma_wait3A_203 = arith.constant 0 : i32
      %dma_wait3A_204 = arith.constant 0 : i32
      %dma_wait3A_205 = tpu.memref_slice %arg8[%dma_wait3A_201, %dma_wait3A_203, %dma_wait3A_204] : memref<2x128x64xf32, #tpu.memory_space<vmem>> -> memref<1x128x64xf32, #tpu.memory_space<vmem>>
      %dma_wait3A_206 = tpu.memref_squeeze %dma_wait3A_205 : memref<1x128x64xf32, #tpu.memory_space<vmem>> -> memref<128x64xf32, #tpu.memory_space<vmem>>
      %dma_wait3A_207 = arith.constant 0 : i32
      %dma_wait3A_208 = tpu.memref_slice %arg6[%dma_wait3A_200, %dma_wait3A_207] : memref<40x128xi32, #tpu.memory_space<vmem>> -> memref<1x128xi32, #tpu.memory_space<vmem>>
      %dma_wait3A_209 = tpu.memref_squeeze %dma_wait3A_208 : memref<1x128xi32, #tpu.memory_space<vmem>> -> memref<128xi32, #tpu.memory_space<vmem>>
      %dma_wait3A_210 = arith.constant 0 : i32
      %dma_wait3A_211 = arith.constant 0 : i32
      %dma_wait3A_212 = tpu.memref_slice %arg10[%dma_wait3A_210, %dma_wait3A_211] : memref<10112x64xf32, #tpu.memory_space<vmem_shared>> -> memref<10112x64xf32, #tpu.memory_space<vmem_shared>>
      %dma_wait3A_213 = tpu.memref_slice %arg11[%dma_wait3A_202] : memref<2x!tpu.dma_semaphore, #tpu.memory_space<semaphore_mem>> -> memref<1x!tpu.dma_semaphore, #tpu.memory_space<semaphore_mem>>
      %dma_wait3A_214 = tpu.memref_squeeze %dma_wait3A_213 : memref<1x!tpu.dma_semaphore, #tpu.memory_space<semaphore_mem>> -> memref<!tpu.dma_semaphore, #tpu.memory_space<semaphore_mem>>
      tpu.wait_indirect_dma semaphore(%dma_wait3A_214 : memref<!tpu.dma_semaphore, #tpu.memory_space<semaphore_mem>>) src(%dma_wait3A_212 : memref<10112x64xf32, #tpu.memory_space<vmem_shared>>) dst(%dma_wait3A_206 : memref<128x64xf32, #tpu.memory_space<vmem>>)
      %add3A_215 = arith.constant 1 : i32
      %add3A_216 = arith.addi %mul3A_168, %add3A_215 : i32
      %dma_start3A_217 = arith.constant 1 : i32
      %dma_start3A_218 = arith.constant 1 : i32
      %dma_start3A_219 = arith.constant 0 : i32
      %dma_start3A_220 = arith.constant 0 : i32
      %dma_start3A_221 = tpu.memref_slice %arg8[%dma_start3A_217, %dma_start3A_219, %dma_start3A_220] : memref<2x128x64xf32, #tpu.memory_space<vmem>> -> memref<1x128x64xf32, #tpu.memory_space<vmem>>
      %dma_start3A_222 = tpu.memref_squeeze %dma_start3A_221 : memref<1x128x64xf32, #tpu.memory_space<vmem>> -> memref<128x64xf32, #tpu.memory_space<vmem>>
      %dma_start3A_223 = arith.constant 0 : i32
      %dma_start3A_224 = tpu.memref_slice %arg7[%add3A_216, %dma_start3A_223] : memref<40x128xi32, #tpu.memory_space<vmem>> -> memref<1x128xi32, #tpu.memory_space<vmem>>
      %dma_start3A_225 = tpu.memref_squeeze %dma_start3A_224 : memref<1x128xi32, #tpu.memory_space<vmem>> -> memref<128xi32, #tpu.memory_space<vmem>>
      %dma_start3A_226 = arith.constant 0 : i32
      %dma_start3A_227 = arith.constant 0 : i32
      %dma_start3A_228 = tpu.memref_slice %arg9[%dma_start3A_226, %dma_start3A_227] : memref<10112x64xf32, #tpu.memory_space<vmem_shared>> -> memref<10112x64xf32, #tpu.memory_space<vmem_shared>>
      %dma_start3A_229 = tpu.memref_slice %arg12[%dma_start3A_218] : memref<2x!tpu.dma_semaphore, #tpu.memory_space<semaphore_mem>> -> memref<1x!tpu.dma_semaphore, #tpu.memory_space<semaphore_mem>>
      %dma_start3A_230 = tpu.memref_squeeze %dma_start3A_229 : memref<1x!tpu.dma_semaphore, #tpu.memory_space<semaphore_mem>> -> memref<!tpu.dma_semaphore, #tpu.memory_space<semaphore_mem>>
      tpu.enqueue_indirect_dma source(%dma_start3A_222 : memref<128x64xf32, #tpu.memory_space<vmem>>) target(%dma_start3A_228 : memref<10112x64xf32, #tpu.memory_space<vmem_shared>>) offsets(%dma_start3A_225 : memref<128xi32, #tpu.memory_space<vmem>>) semaphore(%dma_start3A_230 : memref<!tpu.dma_semaphore, #tpu.memory_space<semaphore_mem>>) {add = true}
      %add3A_231 = arith.constant 0 : i32
      %add3A_232 = arith.addi %mul3A_168, %add3A_231 : i32
      %add3A_233 = arith.constant 2 : i32
      %add3A_234 = arith.addi %add3A_232, %add3A_233 : i32
      %lt3A = arith.constant 40 : i32
      %lt3A_235 = arith.cmpi slt, %add3A_234, %lt3A : i32
      %convert_element_type3A = arith.extui %lt3A_235 : i1 to i32
      %cond3A = arith.constant 0 : i32
      %cond3A_236 = arith.cmpi ne, %convert_element_type3A, %cond3A : i32
      scf.if %cond3A_236 {
        %dma_wait3A_246 = arith.constant 0 : i32
        %dma_wait3A_247 = arith.constant 0 : i32
        %dma_wait3A_248 = arith.constant 0 : i32
        %dma_wait3A_249 = arith.constant 0 : i32
        %dma_wait3A_250 = arith.constant 0 : i32
        %dma_wait3A_251 = tpu.memref_slice %arg8[%dma_wait3A_246, %dma_wait3A_249, %dma_wait3A_250] : memref<2x128x64xf32, #tpu.memory_space<vmem>> -> memref<1x128x64xf32, #tpu.memory_space<vmem>>
        %dma_wait3A_252 = tpu.memref_squeeze %dma_wait3A_251 : memref<1x128x64xf32, #tpu.memory_space<vmem>> -> memref<128x64xf32, #tpu.memory_space<vmem>>
        %dma_wait3A_253 = arith.constant 0 : i32
        %dma_wait3A_254 = tpu.memref_slice %arg7[%dma_wait3A_247, %dma_wait3A_253] : memref<40x128xi32, #tpu.memory_space<vmem>> -> memref<1x128xi32, #tpu.memory_space<vmem>>
        %dma_wait3A_255 = tpu.memref_squeeze %dma_wait3A_254 : memref<1x128xi32, #tpu.memory_space<vmem>> -> memref<128xi32, #tpu.memory_space<vmem>>
        %dma_wait3A_256 = arith.constant 0 : i32
        %dma_wait3A_257 = arith.constant 0 : i32
        %dma_wait3A_258 = tpu.memref_slice %arg9[%dma_wait3A_256, %dma_wait3A_257] : memref<10112x64xf32, #tpu.memory_space<vmem_shared>> -> memref<10112x64xf32, #tpu.memory_space<vmem_shared>>
        %dma_wait3A_259 = tpu.memref_slice %arg12[%dma_wait3A_248] : memref<2x!tpu.dma_semaphore, #tpu.memory_space<semaphore_mem>> -> memref<1x!tpu.dma_semaphore, #tpu.memory_space<semaphore_mem>>
        %dma_wait3A_260 = tpu.memref_squeeze %dma_wait3A_259 : memref<1x!tpu.dma_semaphore, #tpu.memory_space<semaphore_mem>> -> memref<!tpu.dma_semaphore, #tpu.memory_space<semaphore_mem>>
        tpu.wait_indirect_dma semaphore(%dma_wait3A_260 : memref<!tpu.dma_semaphore, #tpu.memory_space<semaphore_mem>>) src(%dma_wait3A_252 : memref<128x64xf32, #tpu.memory_space<vmem>>) dst(%dma_wait3A_258 : memref<10112x64xf32, #tpu.memory_space<vmem_shared>>)
        %add3A_261 = arith.constant 0 : i32
        %add3A_262 = arith.addi %mul3A_168, %add3A_261 : i32
        %add3A_263 = arith.constant 2 : i32
        %add3A_264 = arith.addi %add3A_262, %add3A_263 : i32
        %dma_start3A_265 = arith.constant 0 : i32
        %dma_start3A_266 = arith.constant 0 : i32
        %dma_start3A_267 = arith.constant 0 : i32
        %dma_start3A_268 = arith.constant 0 : i32
        %dma_start3A_269 = tpu.memref_slice %arg8[%dma_start3A_265, %dma_start3A_267, %dma_start3A_268] : memref<2x128x64xf32, #tpu.memory_space<vmem>> -> memref<1x128x64xf32, #tpu.memory_space<vmem>>
        %dma_start3A_270 = tpu.memref_squeeze %dma_start3A_269 : memref<1x128x64xf32, #tpu.memory_space<vmem>> -> memref<128x64xf32, #tpu.memory_space<vmem>>
        %dma_start3A_271 = arith.constant 0 : i32
        %dma_start3A_272 = tpu.memref_slice %arg6[%add3A_264, %dma_start3A_271] : memref<40x128xi32, #tpu.memory_space<vmem>> -> memref<1x128xi32, #tpu.memory_space<vmem>>
        %dma_start3A_273 = tpu.memref_squeeze %dma_start3A_272 : memref<1x128xi32, #tpu.memory_space<vmem>> -> memref<128xi32, #tpu.memory_space<vmem>>
        %dma_start3A_274 = arith.constant 0 : i32
        %dma_start3A_275 = arith.constant 0 : i32
        %dma_start3A_276 = tpu.memref_slice %arg10[%dma_start3A_274, %dma_start3A_275] : memref<10112x64xf32, #tpu.memory_space<vmem_shared>> -> memref<10112x64xf32, #tpu.memory_space<vmem_shared>>
        %dma_start3A_277 = tpu.memref_slice %arg11[%dma_start3A_266] : memref<2x!tpu.dma_semaphore, #tpu.memory_space<semaphore_mem>> -> memref<1x!tpu.dma_semaphore, #tpu.memory_space<semaphore_mem>>
        %dma_start3A_278 = tpu.memref_squeeze %dma_start3A_277 : memref<1x!tpu.dma_semaphore, #tpu.memory_space<semaphore_mem>> -> memref<!tpu.dma_semaphore, #tpu.memory_space<semaphore_mem>>
        tpu.enqueue_indirect_dma source(%dma_start3A_276 : memref<10112x64xf32, #tpu.memory_space<vmem_shared>>) target(%dma_start3A_270 : memref<128x64xf32, #tpu.memory_space<vmem>>) offsets(%dma_start3A_273 : memref<128xi32, #tpu.memory_space<vmem>>) semaphore(%dma_start3A_278 : memref<!tpu.dma_semaphore, #tpu.memory_space<semaphore_mem>>)
      } else {
      }
      %add3A_237 = arith.constant 1 : i32
      %add3A_238 = arith.addi %mul3A_168, %add3A_237 : i32
      %add3A_239 = arith.constant 2 : i32
      %add3A_240 = arith.addi %add3A_238, %add3A_239 : i32
      %lt3A_241 = arith.constant 40 : i32
      %lt3A_242 = arith.cmpi slt, %add3A_240, %lt3A_241 : i32
      %convert_element_type3A_243 = arith.extui %lt3A_242 : i1 to i32
      %cond3A_244 = arith.constant 0 : i32
      %cond3A_245 = arith.cmpi ne, %convert_element_type3A_243, %cond3A_244 : i32
      scf.if %cond3A_245 {
        %dma_wait3A_246 = arith.constant 1 : i32
        %dma_wait3A_247 = arith.constant 0 : i32
        %dma_wait3A_248 = arith.constant 1 : i32
        %dma_wait3A_249 = arith.constant 0 : i32
        %dma_wait3A_250 = arith.constant 0 : i32
        %dma_wait3A_251 = tpu.memref_slice %arg8[%dma_wait3A_246, %dma_wait3A_249, %dma_wait3A_250] : memref<2x128x64xf32, #tpu.memory_space<vmem>> -> memref<1x128x64xf32, #tpu.memory_space<vmem>>
        %dma_wait3A_252 = tpu.memref_squeeze %dma_wait3A_251 : memref<1x128x64xf32, #tpu.memory_space<vmem>> -> memref<128x64xf32, #tpu.memory_space<vmem>>
        %dma_wait3A_253 = arith.constant 0 : i32
        %dma_wait3A_254 = tpu.memref_slice %arg7[%dma_wait3A_247, %dma_wait3A_253] : memref<40x128xi32, #tpu.memory_space<vmem>> -> memref<1x128xi32, #tpu.memory_space<vmem>>
        %dma_wait3A_255 = tpu.memref_squeeze %dma_wait3A_254 : memref<1x128xi32, #tpu.memory_space<vmem>> -> memref<128xi32, #tpu.memory_space<vmem>>
        %dma_wait3A_256 = arith.constant 0 : i32
        %dma_wait3A_257 = arith.constant 0 : i32
        %dma_wait3A_258 = tpu.memref_slice %arg9[%dma_wait3A_256, %dma_wait3A_257] : memref<10112x64xf32, #tpu.memory_space<vmem_shared>> -> memref<10112x64xf32, #tpu.memory_space<vmem_shared>>
        %dma_wait3A_259 = tpu.memref_slice %arg12[%dma_wait3A_248] : memref<2x!tpu.dma_semaphore, #tpu.memory_space<semaphore_mem>> -> memref<1x!tpu.dma_semaphore, #tpu.memory_space<semaphore_mem>>
        %dma_wait3A_260 = tpu.memref_squeeze %dma_wait3A_259 : memref<1x!tpu.dma_semaphore, #tpu.memory_space<semaphore_mem>> -> memref<!tpu.dma_semaphore, #tpu.memory_space<semaphore_mem>>
        tpu.wait_indirect_dma semaphore(%dma_wait3A_260 : memref<!tpu.dma_semaphore, #tpu.memory_space<semaphore_mem>>) src(%dma_wait3A_252 : memref<128x64xf32, #tpu.memory_space<vmem>>) dst(%dma_wait3A_258 : memref<10112x64xf32, #tpu.memory_space<vmem_shared>>)
        %add3A_261 = arith.constant 1 : i32
        %add3A_262 = arith.addi %mul3A_168, %add3A_261 : i32
        %add3A_263 = arith.constant 2 : i32
        %add3A_264 = arith.addi %add3A_262, %add3A_263 : i32
        %dma_start3A_265 = arith.constant 1 : i32
        %dma_start3A_266 = arith.constant 1 : i32
        %dma_start3A_267 = arith.constant 0 : i32
        %dma_start3A_268 = arith.constant 0 : i32
        %dma_start3A_269 = tpu.memref_slice %arg8[%dma_start3A_265, %dma_start3A_267, %dma_start3A_268] : memref<2x128x64xf32, #tpu.memory_space<vmem>> -> memref<1x128x64xf32, #tpu.memory_space<vmem>>
        %dma_start3A_270 = tpu.memref_squeeze %dma_start3A_269 : memref<1x128x64xf32, #tpu.memory_space<vmem>> -> memref<128x64xf32, #tpu.memory_space<vmem>>
        %dma_start3A_271 = arith.constant 0 : i32
        %dma_start3A_272 = tpu.memref_slice %arg6[%add3A_264, %dma_start3A_271] : memref<40x128xi32, #tpu.memory_space<vmem>> -> memref<1x128xi32, #tpu.memory_space<vmem>>
        %dma_start3A_273 = tpu.memref_squeeze %dma_start3A_272 : memref<1x128xi32, #tpu.memory_space<vmem>> -> memref<128xi32, #tpu.memory_space<vmem>>
        %dma_start3A_274 = arith.constant 0 : i32
        %dma_start3A_275 = arith.constant 0 : i32
        %dma_start3A_276 = tpu.memref_slice %arg10[%dma_start3A_274, %dma_start3A_275] : memref<10112x64xf32, #tpu.memory_space<vmem_shared>> -> memref<10112x64xf32, #tpu.memory_space<vmem_shared>>
        %dma_start3A_277 = tpu.memref_slice %arg11[%dma_start3A_266] : memref<2x!tpu.dma_semaphore, #tpu.memory_space<semaphore_mem>> -> memref<1x!tpu.dma_semaphore, #tpu.memory_space<semaphore_mem>>
        %dma_start3A_278 = tpu.memref_squeeze %dma_start3A_277 : memref<1x!tpu.dma_semaphore, #tpu.memory_space<semaphore_mem>> -> memref<!tpu.dma_semaphore, #tpu.memory_space<semaphore_mem>>
        tpu.enqueue_indirect_dma source(%dma_start3A_276 : memref<10112x64xf32, #tpu.memory_space<vmem_shared>>) target(%dma_start3A_270 : memref<128x64xf32, #tpu.memory_space<vmem>>) offsets(%dma_start3A_273 : memref<128xi32, #tpu.memory_space<vmem>>) semaphore(%dma_start3A_278 : memref<!tpu.dma_semaphore, #tpu.memory_space<semaphore_mem>>)
      } else {
      }
    }
    %scan3A_130 = arith.constant 20 : i32
    %dma_wait3A_131 = arith.constant 0 : i32
    %dma_wait3A_132 = arith.constant 0 : i32
    %dma_wait3A_133 = arith.constant 0 : i32
    %dma_wait3A_134 = arith.constant 0 : i32
    %dma_wait3A_135 = arith.constant 0 : i32
    %dma_wait3A_136 = tpu.memref_slice %arg8[%dma_wait3A_131, %dma_wait3A_134, %dma_wait3A_135] : memref<2x128x64xf32, #tpu.memory_space<vmem>> -> memref<1x128x64xf32, #tpu.memory_space<vmem>>
    %dma_wait3A_137 = tpu.memref_squeeze %dma_wait3A_136 : memref<1x128x64xf32, #tpu.memory_space<vmem>> -> memref<128x64xf32, #tpu.memory_space<vmem>>
    %dma_wait3A_138 = arith.constant 0 : i32
    %dma_wait3A_139 = tpu.memref_slice %arg7[%dma_wait3A_132, %dma_wait3A_138] : memref<40x128xi32, #tpu.memory_space<vmem>> -> memref<1x128xi32, #tpu.memory_space<vmem>>
    %dma_wait3A_140 = tpu.memref_squeeze %dma_wait3A_139 : memref<1x128xi32, #tpu.memory_space<vmem>> -> memref<128xi32, #tpu.memory_space<vmem>>
    %dma_wait3A_141 = arith.constant 0 : i32
    %dma_wait3A_142 = arith.constant 0 : i32
    %dma_wait3A_143 = tpu.memref_slice %arg9[%dma_wait3A_141, %dma_wait3A_142] : memref<10112x64xf32, #tpu.memory_space<vmem_shared>> -> memref<10112x64xf32, #tpu.memory_space<vmem_shared>>
    %dma_wait3A_144 = tpu.memref_slice %arg12[%dma_wait3A_133] : memref<2x!tpu.dma_semaphore, #tpu.memory_space<semaphore_mem>> -> memref<1x!tpu.dma_semaphore, #tpu.memory_space<semaphore_mem>>
    %dma_wait3A_145 = tpu.memref_squeeze %dma_wait3A_144 : memref<1x!tpu.dma_semaphore, #tpu.memory_space<semaphore_mem>> -> memref<!tpu.dma_semaphore, #tpu.memory_space<semaphore_mem>>
    tpu.wait_indirect_dma semaphore(%dma_wait3A_145 : memref<!tpu.dma_semaphore, #tpu.memory_space<semaphore_mem>>) src(%dma_wait3A_137 : memref<128x64xf32, #tpu.memory_space<vmem>>) dst(%dma_wait3A_143 : memref<10112x64xf32, #tpu.memory_space<vmem_shared>>)
    %dma_wait3A_146 = arith.constant 1 : i32
    %dma_wait3A_147 = arith.constant 0 : i32
    %dma_wait3A_148 = arith.constant 1 : i32
    %dma_wait3A_149 = arith.constant 0 : i32
    %dma_wait3A_150 = arith.constant 0 : i32
    %dma_wait3A_151 = tpu.memref_slice %arg8[%dma_wait3A_146, %dma_wait3A_149, %dma_wait3A_150] : memref<2x128x64xf32, #tpu.memory_space<vmem>> -> memref<1x128x64xf32, #tpu.memory_space<vmem>>
    %dma_wait3A_152 = tpu.memref_squeeze %dma_wait3A_151 : memref<1x128x64xf32, #tpu.memory_space<vmem>> -> memref<128x64xf32, #tpu.memory_space<vmem>>
    %dma_wait3A_153 = arith.constant 0 : i32
    %dma_wait3A_154 = tpu.memref_slice %arg7[%dma_wait3A_147, %dma_wait3A_153] : memref<40x128xi32, #tpu.memory_space<vmem>> -> memref<1x128xi32, #tpu.memory_space<vmem>>
    %dma_wait3A_155 = tpu.memref_squeeze %dma_wait3A_154 : memref<1x128xi32, #tpu.memory_space<vmem>> -> memref<128xi32, #tpu.memory_space<vmem>>
    %dma_wait3A_156 = arith.constant 0 : i32
    %dma_wait3A_157 = arith.constant 0 : i32
    %dma_wait3A_158 = tpu.memref_slice %arg9[%dma_wait3A_156, %dma_wait3A_157] : memref<10112x64xf32, #tpu.memory_space<vmem_shared>> -> memref<10112x64xf32, #tpu.memory_space<vmem_shared>>
    %dma_wait3A_159 = tpu.memref_slice %arg12[%dma_wait3A_148] : memref<2x!tpu.dma_semaphore, #tpu.memory_space<semaphore_mem>> -> memref<1x!tpu.dma_semaphore, #tpu.memory_space<semaphore_mem>>
    %dma_wait3A_160 = tpu.memref_squeeze %dma_wait3A_159 : memref<1x!tpu.dma_semaphore, #tpu.memory_space<semaphore_mem>> -> memref<!tpu.dma_semaphore, #tpu.memory_space<semaphore_mem>>
    tpu.wait_indirect_dma semaphore(%dma_wait3A_160 : memref<!tpu.dma_semaphore, #tpu.memory_space<semaphore_mem>>) src(%dma_wait3A_152 : memref<128x64xf32, #tpu.memory_space<vmem>>) dst(%dma_wait3A_158 : memref<10112x64xf32, #tpu.memory_space<vmem_shared>>)
    %barrier3A_161 = arith.constant 0 : index
    tpu.barrier barrier_id(%barrier3A_161)
    "tpu.region"() ({
      %run_scoped3A_162 = tpu.sem_alloc : memref<!tpu.dma_semaphore, #tpu.memory_space<semaphore_mem>>
      %dma_start3A_163 = arith.constant 0 : i32
      %dma_start3A_164 = tpu.memref_slice %arg5[%arg0, %mul3A_10, %dma_start3A_163] : memref<2x10112x64xf32, #tpu.memory_space<hbm>> -> memref<1x632x64xf32, #tpu.memory_space<hbm>>
      %dma_start3A_165 = tpu.memref_squeeze %dma_start3A_164 : memref<1x632x64xf32, #tpu.memory_space<hbm>> -> memref<632x64xf32, #tpu.memory_space<hbm>>
      %dma_start3A_166 = arith.constant 0 : i32
      %dma_start3A_167 = tpu.memref_slice %arg9[%mul3A_10, %dma_start3A_166] : memref<10112x64xf32, #tpu.memory_space<vmem_shared>> -> memref<632x64xf32, #tpu.memory_space<vmem_shared>>
      tpu.enqueue_dma source(%dma_start3A_167 : memref<632x64xf32, #tpu.memory_space<vmem_shared>>) target(%dma_start3A_165 : memref<632x64xf32, #tpu.memory_space<hbm>>) target_semaphore(%run_scoped3A_162 : memref<!tpu.dma_semaphore, #tpu.memory_space<semaphore_mem>>)
      %dma_wait3A_168 = arith.constant 0 : i32
      %dma_wait3A_169 = tpu.memref_slice %arg5[%arg0, %mul3A_10, %dma_wait3A_168] : memref<2x10112x64xf32, #tpu.memory_space<hbm>> -> memref<1x632x64xf32, #tpu.memory_space<hbm>>
      %dma_wait3A_170 = tpu.memref_squeeze %dma_wait3A_169 : memref<1x632x64xf32, #tpu.memory_space<hbm>> -> memref<632x64xf32, #tpu.memory_space<hbm>>
      %dma_wait3A_171 = arith.constant 0 : i32
      %dma_wait3A_172 = tpu.memref_slice %arg9[%mul3A_10, %dma_wait3A_171] : memref<10112x64xf32, #tpu.memory_space<vmem_shared>> -> memref<632x64xf32, #tpu.memory_space<vmem_shared>>
      tpu.wait_dma2 semaphore(%run_scoped3A_162 : memref<!tpu.dma_semaphore, #tpu.memory_space<semaphore_mem>>) src(%dma_wait3A_172 : memref<632x64xf32, #tpu.memory_space<vmem_shared>>) dst(%dma_wait3A_170 : memref<632x64xf32, #tpu.memory_space<hbm>>)
      tpu.yield
    }) : () -> ()
    return
  }
}

#map = affine_map<(d0, d1) -> (0, 0)>
#map1 = affine_map<(d0, d1) -> (0, 0, 0)>
module attributes {stable_mosaic.version = 14 : i64} {
  func.func @k(%arg0: i32, %arg1: i32, %arg2: memref<10112x64xf32, #tpu.memory_space<hbm>>, %arg3: memref<2560x128xi32, #tpu.memory_space<hbm>>, %arg4: memref<2560x128xi32, #tpu.memory_space<hbm>>, %arg5: memref<2x10112x64xf32, #tpu.memory_space<hbm>>, %arg6: memref<40x128xi32, #tpu.memory_space<vmem>>, %arg7: memref<40x128xi32, #tpu.memory_space<vmem>>, %arg8: memref<2x128x64xf32, #tpu.memory_space<vmem>>, %arg9: memref<10112x64xf32, #tpu.memory_space<vmem_shared>>, %arg10: memref<10112x64xf32, #tpu.memory_space<vmem_shared>>, %arg11: memref<2x!tpu.dma_semaphore, #tpu.memory_space<semaphore_mem>>, %arg12: memref<2x!tpu.dma_semaphore, #tpu.memory_space<semaphore_mem>>) attributes {dimension_semantics = [#tpu.dimension_semantics<core_parallel>, #tpu.dimension_semantics<subcore_parallel>], iteration_bounds = array<i64: 2, 16>, scalar_prefetch = 0 : i64, scratch_operands = 7 : i64, tpu.core_type = #tpu.core_type<sc_vector_subcore>, window_params = [{transform_indices = #map}, {transform_indices = #map}, {transform_indices = #map}, {transform_indices = #map1}]} {
    %mul3A = arith.constant 16 : i32
    %mul3A_0 = arith.muli %arg0, %mul3A : i32
    %add3A = arith.addi %mul3A_0, %arg1 : i32
    %mul3A_1 = arith.constant 632 : i32
    %mul3A_2 = arith.muli %arg1, %mul3A_1 : i32
    %mul3A_3 = arith.constant 632 : i32
    %mul3A_4 = arith.muli %arg1, %mul3A_3 : i32
    "tpu.region"() ({
      %run_scoped3A_162 = tpu.sem_alloc : memref<!tpu.dma_semaphore, #tpu.memory_space<semaphore_mem>>
      %dma_start3A_163 = arith.constant 0 : i32
      %dma_start3A_164 = tpu.memref_slice %arg10[%mul3A_4, %dma_start3A_163] : memref<10112x64xf32, #tpu.memory_space<vmem_shared>> -> memref<632x64xf32, #tpu.memory_space<vmem_shared>>
      %dma_start3A_165 = arith.constant 0 : i32
      %dma_start3A_166 = tpu.memref_slice %arg2[%mul3A_2, %dma_start3A_165] : memref<10112x64xf32, #tpu.memory_space<hbm>> -> memref<632x64xf32, #tpu.memory_space<hbm>>
      tpu.enqueue_dma source(%dma_start3A_166 : memref<632x64xf32, #tpu.memory_space<hbm>>) target(%dma_start3A_164 : memref<632x64xf32, #tpu.memory_space<vmem_shared>>) target_semaphore(%run_scoped3A_162 : memref<!tpu.dma_semaphore, #tpu.memory_space<semaphore_mem>>)
      %dma_wait3A_167 = arith.constant 0 : i32
      %dma_wait3A_168 = tpu.memref_slice %arg10[%mul3A_4, %dma_wait3A_167] : memref<10112x64xf32, #tpu.memory_space<vmem_shared>> -> memref<632x64xf32, #tpu.memory_space<vmem_shared>>
      %dma_wait3A_169 = arith.constant 0 : i32
      %dma_wait3A_170 = tpu.memref_slice %arg2[%mul3A_2, %dma_wait3A_169] : memref<10112x64xf32, #tpu.memory_space<hbm>> -> memref<632x64xf32, #tpu.memory_space<hbm>>
      tpu.wait_dma2 semaphore(%run_scoped3A_162 : memref<!tpu.dma_semaphore, #tpu.memory_space<semaphore_mem>>) src(%dma_wait3A_170 : memref<632x64xf32, #tpu.memory_space<hbm>>) dst(%dma_wait3A_168 : memref<632x64xf32, #tpu.memory_space<vmem_shared>>)
      tpu.yield
    }) : () -> ()
    %scan3A = arith.constant 0 : i32
    %scan3A_5 = arith.constant 512 : i32
    %scan3A_6 = arith.addi %scan3A, %scan3A_5 : i32
    %scan3A_7 = arith.constant 1 : i32
    scf.for %scan3A_162 = %scan3A to %scan3A_6 step %scan3A_7  : i32 {
      %mul3A_163 = arith.constant 1 : i32
      %mul3A_164 = arith.muli %scan3A_162, %mul3A_163 : i32
      %add3A_165 = arith.constant 0 : i32
      %add3A_166 = arith.addi %add3A_165, %mul3A_164 : i32
      %broadcast_in_dim3A = arith.constant 0.000000e+00 : f32
      %broadcast_in_dim3A_167 = vector.broadcast %broadcast_in_dim3A : f32 to vector<16xf32>
      %jit3A = arith.constant 4 : i32
      %div3A = arith.divsi %add3A_166, %jit3A : i32
      %sign3A = arith.constant 0 : i32
      %sign3A_168 = arith.cmpi sgt, %add3A_166, %sign3A : i32
      %sign3A_169 = arith.extui %sign3A_168 : i1 to i32
      %sign3A_170 = arith.constant 0 : i32
      %sign3A_171 = arith.cmpi slt, %add3A_166, %sign3A_170 : i32
      %sign3A_172 = arith.extui %sign3A_171 : i1 to i32
      %sign3A_173 = arith.subi %sign3A_169, %sign3A_172 : i32
      %sign3A_174 = arith.constant 0 : i32
      %sign3A_175 = arith.cmpi sgt, %jit3A, %sign3A_174 : i32
      %sign3A_176 = arith.extui %sign3A_175 : i1 to i32
      %sign3A_177 = arith.constant 0 : i32
      %sign3A_178 = arith.cmpi slt, %jit3A, %sign3A_177 : i32
      %sign3A_179 = arith.extui %sign3A_178 : i1 to i32
      %sign3A_180 = arith.subi %sign3A_176, %sign3A_179 : i32
      %ne3A = arith.cmpi ne, %sign3A_173, %sign3A_180 : i32
      %rem3A = arith.remsi %add3A_166, %jit3A : i32
      %ne3A_181 = arith.constant 0 : i32
      %ne3A_182 = arith.cmpi ne, %rem3A, %ne3A_181 : i32
      %and3A = arith.andi %ne3A, %ne3A_182 : i1
      %sub3A = arith.constant 1 : i32
      %sub3A_183 = arith.subi %div3A, %sub3A : i32
      %select_n3A = arith.select %and3A, %sub3A_183, %div3A : i32
      %jit3A_184 = arith.constant 4 : i32
      %eq3A = arith.constant 0 : i32
      %eq3A_185 = arith.cmpi eq, %jit3A_184, %eq3A : i32
      %jit3A_186 = arith.constant 1 : i32
      %select_n3A_187 = arith.select %eq3A_185, %jit3A_186, %jit3A_184 : i32
      %rem3A_188 = arith.remsi %add3A_166, %select_n3A_187 : i32
      %ne3A_189 = arith.constant 0 : i32
      %ne3A_190 = arith.cmpi ne, %rem3A_188, %ne3A_189 : i32
      %lt3A = arith.constant 0 : i32
      %lt3A_191 = arith.cmpi slt, %rem3A_188, %lt3A : i32
      %lt3A_192 = arith.constant 0 : i32
      %lt3A_193 = arith.cmpi slt, %select_n3A_187, %lt3A_192 : i32
      %ne3A_194 = arith.xori %lt3A_191, %lt3A_193 : i1
      %and3A_195 = arith.andi %ne3A_194, %ne3A_190 : i1
      %add3A_196 = arith.addi %rem3A_188, %select_n3A_187 : i32
      %select_n3A_197 = arith.select %and3A_195, %add3A_196, %rem3A_188 : i32
      %mul3A_198 = arith.constant 16 : i32
      %mul3A_199 = arith.muli %select_n3A_197, %mul3A_198 : i32
      %swap3A = arith.constant 0 : i32
      %swap3A_200 = arith.index_cast %swap3A : i32 to index
      %swap3A_201 = arith.index_cast %select_n3A : i32 to index
      %swap3A_202 = arith.index_cast %mul3A_199 : i32 to index
      %swap3A_203 = tpu.vector_load %arg8[%swap3A_200, %swap3A_201, %swap3A_202] {strides = array<i32>} : memref<2x128x64xf32, #tpu.memory_space<vmem>>, vector<1x1x16xf32>,
      %swap3A_204 = vector.shape_cast %swap3A_203 : vector<1x1x16xf32> to vector<16xf32>
      %swap3A_205 = vector.shape_cast %broadcast_in_dim3A_167 : vector<16xf32> to vector<1x1x16xf32>
      tpu.vector_store %arg8[%swap3A_200, %swap3A_201, %swap3A_202], %swap3A_205 {strides = array<i32>} : memref<2x128x64xf32, #tpu.memory_space<vmem>>, vector<1x1x16xf32>,
    }
    %scan3A_8 = arith.constant 512 : i32
    %mul3A_9 = arith.constant 632 : i32
    %mul3A_10 = arith.muli %arg1, %mul3A_9 : i32
    %add3A_11 = arith.constant 0 : i32
    %add3A_12 = arith.addi %mul3A_10, %add3A_11 : i32
    %run_scoped3A = arith.constant 0 : i32
    "tpu.region"() ({
      %run_scoped3A_162 = tpu.sem_alloc : memref<!tpu.dma_semaphore, #tpu.memory_space<semaphore_mem>>
      %dma_start3A_163 = arith.constant 0 : i32
      %dma_start3A_164 = arith.constant 0 : i32
      %dma_start3A_165 = tpu.memref_slice %arg8[%run_scoped3A, %dma_start3A_163, %dma_start3A_164] : memref<2x128x64xf32, #tpu.memory_space<vmem>> -> memref<1x128x64xf32, #tpu.memory_space<vmem>>
      %dma_start3A_166 = tpu.memref_squeeze %dma_start3A_165 : memref<1x128x64xf32, #tpu.memory_space<vmem>> -> memref<128x64xf32, #tpu.memory_space<vmem>>
      %dma_start3A_167 = arith.constant 0 : i32
      %dma_start3A_168 = tpu.memref_slice %arg9[%add3A_12, %dma_start3A_167] : memref<10112x64xf32, #tpu.memory_space<vmem_shared>> -> memref<128x64xf32, #tpu.memory_space<vmem_shared>>
      %dma_start3A_169 = arith.constant 0 : i32
      %dma_start3A_170 = tpu.memref_slice %arg9[%add3A_12, %dma_start3A_169] : memref<10112x64xf32, #tpu.memory_space<vmem_shared>> -> memref<128x64xf32, #tpu.memory_space<vmem_shared>>
      %dma_start3A_171 = arith.constant 0 : i32
      %dma_start3A_172 = arith.constant 0 : i32
      %dma_start3A_173 = tpu.memref_slice %arg8[%run_scoped3A, %dma_start3A_171, %dma_start3A_172] : memref<2x128x64xf32, #tpu.memory_space<vmem>> -> memref<1x128x64xf32, #tpu.memory_space<vmem>>
      %dma_start3A_174 = tpu.memref_squeeze %dma_start3A_173 : memref<1x128x64xf32, #tpu.memory_space<vmem>> -> memref<128x64xf32, #tpu.memory_space<vmem>>
      tpu.enqueue_dma source(%dma_start3A_174 : memref<128x64xf32, #tpu.memory_space<vmem>>) target(%dma_start3A_170 : memref<128x64xf32, #tpu.memory_space<vmem_shared>>) target_semaphore(%run_scoped3A_162 : memref<!tpu.dma_semaphore, #tpu.memory_space<semaphore_mem>>)
      %dma_wait3A_175 = arith.constant 0 : i32
      %dma_wait3A_176 = arith.constant 0 : i32
      %dma_wait3A_177 = tpu.memref_slice %arg8[%run_scoped3A, %dma_wait3A_175, %dma_wait3A_176] : memref<2x128x64xf32, #tpu.memory_space<vmem>> -> memref<1x128x64xf32, #tpu.memory_space<vmem>>
      %dma_wait3A_178 = tpu.memref_squeeze %dma_wait3A_177 : memref<1x128x64xf32, #tpu.memory_space<vmem>> -> memref<128x64xf32, #tpu.memory_space<vmem>>
      %dma_wait3A_179 = arith.constant 0 : i32
      %dma_wait3A_180 = tpu.memref_slice %arg9[%add3A_12, %dma_wait3A_179] : memref<10112x64xf32, #tpu.memory_space<vmem_shared>> -> memref<128x64xf32, #tpu.memory_space<vmem_shared>>
      %dma_wait3A_181 = arith.constant 0 : i32
      %dma_wait3A_182 = tpu.memref_slice %arg9[%add3A_12, %dma_wait3A_181] : memref<10112x64xf32, #tpu.memory_space<vmem_shared>> -> memref<128x64xf32, #tpu.memory_space<vmem_shared>>
      %dma_wait3A_183 = arith.constant 0 : i32
      %dma_wait3A_184 = arith.constant 0 : i32
      %dma_wait3A_185 = tpu.memref_slice %arg8[%run_scoped3A, %dma_wait3A_183, %dma_wait3A_184] : memref<2x128x64xf32, #tpu.memory_space<vmem>> -> memref<1x128x64xf32, #tpu.memory_space<vmem>>
      %dma_wait3A_186 = tpu.memref_squeeze %dma_wait3A_185 : memref<1x128x64xf32, #tpu.memory_space<vmem>> -> memref<128x64xf32, #tpu.memory_space<vmem>>
      tpu.wait_dma2 semaphore(%run_scoped3A_162 : memref<!tpu.dma_semaphore, #tpu.memory_space<semaphore_mem>>) src(%dma_wait3A_186 : memref<128x64xf32, #tpu.memory_space<vmem>>) dst(%dma_wait3A_182 : memref<128x64xf32, #tpu.memory_space<vmem_shared>>)
      tpu.yield
    }) : () -> ()
    %add3A_13 = arith.constant 128 : i32
    %add3A_14 = arith.addi %mul3A_10, %add3A_13 : i32
    %run_scoped3A_15 = arith.constant 0 : i32
    "tpu.region"() ({
      %run_scoped3A_162 = tpu.sem_alloc : memref<!tpu.dma_semaphore, #tpu.memory_space<semaphore_mem>>
      %dma_start3A_163 = arith.constant 0 : i32
      %dma_start3A_164 = arith.constant 0 : i32
      %dma_start3A_165 = tpu.memref_slice %arg8[%run_scoped3A_15, %dma_start3A_163, %dma_start3A_164] : memref<2x128x64xf32, #tpu.memory_space<vmem>> -> memref<1x128x64xf32, #tpu.memory_space<vmem>>
      %dma_start3A_166 = tpu.memref_squeeze %dma_start3A_165 : memref<1x128x64xf32, #tpu.memory_space<vmem>> -> memref<128x64xf32, #tpu.memory_space<vmem>>
      %dma_start3A_167 = arith.constant 0 : i32
      %dma_start3A_168 = tpu.memref_slice %arg9[%add3A_14, %dma_start3A_167] : memref<10112x64xf32, #tpu.memory_space<vmem_shared>> -> memref<128x64xf32, #tpu.memory_space<vmem_shared>>
      %dma_start3A_169 = arith.constant 0 : i32
      %dma_start3A_170 = tpu.memref_slice %arg9[%add3A_14, %dma_start3A_169] : memref<10112x64xf32, #tpu.memory_space<vmem_shared>> -> memref<128x64xf32, #tpu.memory_space<vmem_shared>>
      %dma_start3A_171 = arith.constant 0 : i32
      %dma_start3A_172 = arith.constant 0 : i32
      %dma_start3A_173 = tpu.memref_slice %arg8[%run_scoped3A_15, %dma_start3A_171, %dma_start3A_172] : memref<2x128x64xf32, #tpu.memory_space<vmem>> -> memref<1x128x64xf32, #tpu.memory_space<vmem>>
      %dma_start3A_174 = tpu.memref_squeeze %dma_start3A_173 : memref<1x128x64xf32, #tpu.memory_space<vmem>> -> memref<128x64xf32, #tpu.memory_space<vmem>>
      tpu.enqueue_dma source(%dma_start3A_174 : memref<128x64xf32, #tpu.memory_space<vmem>>) target(%dma_start3A_170 : memref<128x64xf32, #tpu.memory_space<vmem_shared>>) target_semaphore(%run_scoped3A_162 : memref<!tpu.dma_semaphore, #tpu.memory_space<semaphore_mem>>)
      %dma_wait3A_175 = arith.constant 0 : i32
      %dma_wait3A_176 = arith.constant 0 : i32
      %dma_wait3A_177 = tpu.memref_slice %arg8[%run_scoped3A_15, %dma_wait3A_175, %dma_wait3A_176] : memref<2x128x64xf32, #tpu.memory_space<vmem>> -> memref<1x128x64xf32, #tpu.memory_space<vmem>>
      %dma_wait3A_178 = tpu.memref_squeeze %dma_wait3A_177 : memref<1x128x64xf32, #tpu.memory_space<vmem>> -> memref<128x64xf32, #tpu.memory_space<vmem>>
      %dma_wait3A_179 = arith.constant 0 : i32
      %dma_wait3A_180 = tpu.memref_slice %arg9[%add3A_14, %dma_wait3A_179] : memref<10112x64xf32, #tpu.memory_space<vmem_shared>> -> memref<128x64xf32, #tpu.memory_space<vmem_shared>>
      %dma_wait3A_181 = arith.constant 0 : i32
      %dma_wait3A_182 = tpu.memref_slice %arg9[%add3A_14, %dma_wait3A_181] : memref<10112x64xf32, #tpu.memory_space<vmem_shared>> -> memref<128x64xf32, #tpu.memory_space<vmem_shared>>
      %dma_wait3A_183 = arith.constant 0 : i32
      %dma_wait3A_184 = arith.constant 0 : i32
      %dma_wait3A_185 = tpu.memref_slice %arg8[%run_scoped3A_15, %dma_wait3A_183, %dma_wait3A_184] : memref<2x128x64xf32, #tpu.memory_space<vmem>> -> memref<1x128x64xf32, #tpu.memory_space<vmem>>
      %dma_wait3A_186 = tpu.memref_squeeze %dma_wait3A_185 : memref<1x128x64xf32, #tpu.memory_space<vmem>> -> memref<128x64xf32, #tpu.memory_space<vmem>>
      tpu.wait_dma2 semaphore(%run_scoped3A_162 : memref<!tpu.dma_semaphore, #tpu.memory_space<semaphore_mem>>) src(%dma_wait3A_186 : memref<128x64xf32, #tpu.memory_space<vmem>>) dst(%dma_wait3A_182 : memref<128x64xf32, #tpu.memory_space<vmem_shared>>)
      tpu.yield
    }) : () -> ()
    %add3A_16 = arith.constant 256 : i32
    %add3A_17 = arith.addi %mul3A_10, %add3A_16 : i32
    %run_scoped3A_18 = arith.constant 0 : i32
    "tpu.region"() ({
      %run_scoped3A_162 = tpu.sem_alloc : memref<!tpu.dma_semaphore, #tpu.memory_space<semaphore_mem>>
      %dma_start3A_163 = arith.constant 0 : i32
      %dma_start3A_164 = arith.constant 0 : i32
      %dma_start3A_165 = tpu.memref_slice %arg8[%run_scoped3A_18, %dma_start3A_163, %dma_start3A_164] : memref<2x128x64xf32, #tpu.memory_space<vmem>> -> memref<1x128x64xf32, #tpu.memory_space<vmem>>
      %dma_start3A_166 = tpu.memref_squeeze %dma_start3A_165 : memref<1x128x64xf32, #tpu.memory_space<vmem>> -> memref<128x64xf32, #tpu.memory_space<vmem>>
      %dma_start3A_167 = arith.constant 0 : i32
      %dma_start3A_168 = tpu.memref_slice %arg9[%add3A_17, %dma_start3A_167] : memref<10112x64xf32, #tpu.memory_space<vmem_shared>> -> memref<128x64xf32, #tpu.memory_space<vmem_shared>>
      %dma_start3A_169 = arith.constant 0 : i32
      %dma_start3A_170 = tpu.memref_slice %arg9[%add3A_17, %dma_start3A_169] : memref<10112x64xf32, #tpu.memory_space<vmem_shared>> -> memref<128x64xf32, #tpu.memory_space<vmem_shared>>
      %dma_start3A_171 = arith.constant 0 : i32
      %dma_start3A_172 = arith.constant 0 : i32
      %dma_start3A_173 = tpu.memref_slice %arg8[%run_scoped3A_18, %dma_start3A_171, %dma_start3A_172] : memref<2x128x64xf32, #tpu.memory_space<vmem>> -> memref<1x128x64xf32, #tpu.memory_space<vmem>>
      %dma_start3A_174 = tpu.memref_squeeze %dma_start3A_173 : memref<1x128x64xf32, #tpu.memory_space<vmem>> -> memref<128x64xf32, #tpu.memory_space<vmem>>
      tpu.enqueue_dma source(%dma_start3A_174 : memref<128x64xf32, #tpu.memory_space<vmem>>) target(%dma_start3A_170 : memref<128x64xf32, #tpu.memory_space<vmem_shared>>) target_semaphore(%run_scoped3A_162 : memref<!tpu.dma_semaphore, #tpu.memory_space<semaphore_mem>>)
      %dma_wait3A_175 = arith.constant 0 : i32
      %dma_wait3A_176 = arith.constant 0 : i32
      %dma_wait3A_177 = tpu.memref_slice %arg8[%run_scoped3A_18, %dma_wait3A_175, %dma_wait3A_176] : memref<2x128x64xf32, #tpu.memory_space<vmem>> -> memref<1x128x64xf32, #tpu.memory_space<vmem>>
      %dma_wait3A_178 = tpu.memref_squeeze %dma_wait3A_177 : memref<1x128x64xf32, #tpu.memory_space<vmem>> -> memref<128x64xf32, #tpu.memory_space<vmem>>
      %dma_wait3A_179 = arith.constant 0 : i32
      %dma_wait3A_180 = tpu.memref_slice %arg9[%add3A_17, %dma_wait3A_179] : memref<10112x64xf32, #tpu.memory_space<vmem_shared>> -> memref<128x64xf32, #tpu.memory_space<vmem_shared>>
      %dma_wait3A_181 = arith.constant 0 : i32
      %dma_wait3A_182 = tpu.memref_slice %arg9[%add3A_17, %dma_wait3A_181] : memref<10112x64xf32, #tpu.memory_space<vmem_shared>> -> memref<128x64xf32, #tpu.memory_space<vmem_shared>>
      %dma_wait3A_183 = arith.constant 0 : i32
      %dma_wait3A_184 = arith.constant 0 : i32
      %dma_wait3A_185 = tpu.memref_slice %arg8[%run_scoped3A_18, %dma_wait3A_183, %dma_wait3A_184] : memref<2x128x64xf32, #tpu.memory_space<vmem>> -> memref<1x128x64xf32, #tpu.memory_space<vmem>>
      %dma_wait3A_186 = tpu.memref_squeeze %dma_wait3A_185 : memref<1x128x64xf32, #tpu.memory_space<vmem>> -> memref<128x64xf32, #tpu.memory_space<vmem>>
      tpu.wait_dma2 semaphore(%run_scoped3A_162 : memref<!tpu.dma_semaphore, #tpu.memory_space<semaphore_mem>>) src(%dma_wait3A_186 : memref<128x64xf32, #tpu.memory_space<vmem>>) dst(%dma_wait3A_182 : memref<128x64xf32, #tpu.memory_space<vmem_shared>>)
      tpu.yield
    }) : () -> ()
    %add3A_19 = arith.constant 384 : i32
    %add3A_20 = arith.addi %mul3A_10, %add3A_19 : i32
    %run_scoped3A_21 = arith.constant 0 : i32
    "tpu.region"() ({
      %run_scoped3A_162 = tpu.sem_alloc : memref<!tpu.dma_semaphore, #tpu.memory_space<semaphore_mem>>
      %dma_start3A_163 = arith.constant 0 : i32
      %dma_start3A_164 = arith.constant 0 : i32
      %dma_start3A_165 = tpu.memref_slice %arg8[%run_scoped3A_21, %dma_start3A_163, %dma_start3A_164] : memref<2x128x64xf32, #tpu.memory_space<vmem>> -> memref<1x128x64xf32, #tpu.memory_space<vmem>>
      %dma_start3A_166 = tpu.memref_squeeze %dma_start3A_165 : memref<1x128x64xf32, #tpu.memory_space<vmem>> -> memref<128x64xf32, #tpu.memory_space<vmem>>
      %dma_start3A_167 = arith.constant 0 : i32
      %dma_start3A_168 = tpu.memref_slice %arg9[%add3A_20, %dma_start3A_167] : memref<10112x64xf32, #tpu.memory_space<vmem_shared>> -> memref<128x64xf32, #tpu.memory_space<vmem_shared>>
      %dma_start3A_169 = arith.constant 0 : i32
      %dma_start3A_170 = tpu.memref_slice %arg9[%add3A_20, %dma_start3A_169] : memref<10112x64xf32, #tpu.memory_space<vmem_shared>> -> memref<128x64xf32, #tpu.memory_space<vmem_shared>>
      %dma_start3A_171 = arith.constant 0 : i32
      %dma_start3A_172 = arith.constant 0 : i32
      %dma_start3A_173 = tpu.memref_slice %arg8[%run_scoped3A_21, %dma_start3A_171, %dma_start3A_172] : memref<2x128x64xf32, #tpu.memory_space<vmem>> -> memref<1x128x64xf32, #tpu.memory_space<vmem>>
      %dma_start3A_174 = tpu.memref_squeeze %dma_start3A_173 : memref<1x128x64xf32, #tpu.memory_space<vmem>> -> memref<128x64xf32, #tpu.memory_space<vmem>>
      tpu.enqueue_dma source(%dma_start3A_174 : memref<128x64xf32, #tpu.memory_space<vmem>>) target(%dma_start3A_170 : memref<128x64xf32, #tpu.memory_space<vmem_shared>>) target_semaphore(%run_scoped3A_162 : memref<!tpu.dma_semaphore, #tpu.memory_space<semaphore_mem>>)
      %dma_wait3A_175 = arith.constant 0 : i32
      %dma_wait3A_176 = arith.constant 0 : i32
      %dma_wait3A_177 = tpu.memref_slice %arg8[%run_scoped3A_21, %dma_wait3A_175, %dma_wait3A_176] : memref<2x128x64xf32, #tpu.memory_space<vmem>> -> memref<1x128x64xf32, #tpu.memory_space<vmem>>
      %dma_wait3A_178 = tpu.memref_squeeze %dma_wait3A_177 : memref<1x128x64xf32, #tpu.memory_space<vmem>> -> memref<128x64xf32, #tpu.memory_space<vmem>>
      %dma_wait3A_179 = arith.constant 0 : i32
      %dma_wait3A_180 = tpu.memref_slice %arg9[%add3A_20, %dma_wait3A_179] : memref<10112x64xf32, #tpu.memory_space<vmem_shared>> -> memref<128x64xf32, #tpu.memory_space<vmem_shared>>
      %dma_wait3A_181 = arith.constant 0 : i32
      %dma_wait3A_182 = tpu.memref_slice %arg9[%add3A_20, %dma_wait3A_181] : memref<10112x64xf32, #tpu.memory_space<vmem_shared>> -> memref<128x64xf32, #tpu.memory_space<vmem_shared>>
      %dma_wait3A_183 = arith.constant 0 : i32
      %dma_wait3A_184 = arith.constant 0 : i32
      %dma_wait3A_185 = tpu.memref_slice %arg8[%run_scoped3A_21, %dma_wait3A_183, %dma_wait3A_184] : memref<2x128x64xf32, #tpu.memory_space<vmem>> -> memref<1x128x64xf32, #tpu.memory_space<vmem>>
      %dma_wait3A_186 = tpu.memref_squeeze %dma_wait3A_185 : memref<1x128x64xf32, #tpu.memory_space<vmem>> -> memref<128x64xf32, #tpu.memory_space<vmem>>
      tpu.wait_dma2 semaphore(%run_scoped3A_162 : memref<!tpu.dma_semaphore, #tpu.memory_space<semaphore_mem>>) src(%dma_wait3A_186 : memref<128x64xf32, #tpu.memory_space<vmem>>) dst(%dma_wait3A_182 : memref<128x64xf32, #tpu.memory_space<vmem_shared>>)
      tpu.yield
    }) : () -> ()
    %add3A_22 = arith.constant 512 : i32
    %add3A_23 = arith.addi %mul3A_10, %add3A_22 : i32
    %run_scoped3A_24 = arith.constant 0 : i32
    "tpu.region"() ({
      %run_scoped3A_162 = tpu.sem_alloc : memref<!tpu.dma_semaphore, #tpu.memory_space<semaphore_mem>>
      %dma_start3A_163 = arith.constant 0 : i32
      %dma_start3A_164 = arith.constant 0 : i32
      %dma_start3A_165 = tpu.memref_slice %arg8[%run_scoped3A_24, %dma_start3A_163, %dma_start3A_164] : memref<2x128x64xf32, #tpu.memory_space<vmem>> -> memref<1x120x64xf32, #tpu.memory_space<vmem>>
      %dma_start3A_166 = tpu.memref_squeeze %dma_start3A_165 : memref<1x120x64xf32, #tpu.memory_space<vmem>> -> memref<120x64xf32, #tpu.memory_space<vmem>>
      %dma_start3A_167 = arith.constant 0 : i32
      %dma_start3A_168 = tpu.memref_slice %arg9[%add3A_23, %dma_start3A_167] : memref<10112x64xf32, #tpu.memory_space<vmem_shared>> -> memref<120x64xf32, #tpu.memory_space<vmem_shared>>
      %dma_start3A_169 = arith.constant 0 : i32
      %dma_start3A_170 = tpu.memref_slice %arg9[%add3A_23, %dma_start3A_169] : memref<10112x64xf32, #tpu.memory_space<vmem_shared>> -> memref<120x64xf32, #tpu.memory_space<vmem_shared>>
      %dma_start3A_171 = arith.constant 0 : i32
      %dma_start3A_172 = arith.constant 0 : i32
      %dma_start3A_173 = tpu.memref_slice %arg8[%run_scoped3A_24, %dma_start3A_171, %dma_start3A_172] : memref<2x128x64xf32, #tpu.memory_space<vmem>> -> memref<1x120x64xf32, #tpu.memory_space<vmem>>
      %dma_start3A_174 = tpu.memref_squeeze %dma_start3A_173 : memref<1x120x64xf32, #tpu.memory_space<vmem>> -> memref<120x64xf32, #tpu.memory_space<vmem>>
      tpu.enqueue_dma source(%dma_start3A_174 : memref<120x64xf32, #tpu.memory_space<vmem>>) target(%dma_start3A_170 : memref<120x64xf32, #tpu.memory_space<vmem_shared>>) target_semaphore(%run_scoped3A_162 : memref<!tpu.dma_semaphore, #tpu.memory_space<semaphore_mem>>)
      %dma_wait3A_175 = arith.constant 0 : i32
      %dma_wait3A_176 = arith.constant 0 : i32
      %dma_wait3A_177 = tpu.memref_slice %arg8[%run_scoped3A_24, %dma_wait3A_175, %dma_wait3A_176] : memref<2x128x64xf32, #tpu.memory_space<vmem>> -> memref<1x120x64xf32, #tpu.memory_space<vmem>>
      %dma_wait3A_178 = tpu.memref_squeeze %dma_wait3A_177 : memref<1x120x64xf32, #tpu.memory_space<vmem>> -> memref<120x64xf32, #tpu.memory_space<vmem>>
      %dma_wait3A_179 = arith.constant 0 : i32
      %dma_wait3A_180 = tpu.memref_slice %arg9[%add3A_23, %dma_wait3A_179] : memref<10112x64xf32, #tpu.memory_space<vmem_shared>> -> memref<120x64xf32, #tpu.memory_space<vmem_shared>>
      %dma_wait3A_181 = arith.constant 0 : i32
      %dma_wait3A_182 = tpu.memref_slice %arg9[%add3A_23, %dma_wait3A_181] : memref<10112x64xf32, #tpu.memory_space<vmem_shared>> -> memref<120x64xf32, #tpu.memory_space<vmem_shared>>
      %dma_wait3A_183 = arith.constant 0 : i32
      %dma_wait3A_184 = arith.constant 0 : i32
      %dma_wait3A_185 = tpu.memref_slice %arg8[%run_scoped3A_24, %dma_wait3A_183, %dma_wait3A_184] : memref<2x128x64xf32, #tpu.memory_space<vmem>> -> memref<1x120x64xf32, #tpu.memory_space<vmem>>
      %dma_wait3A_186 = tpu.memref_squeeze %dma_wait3A_185 : memref<1x120x64xf32, #tpu.memory_space<vmem>> -> memref<120x64xf32, #tpu.memory_space<vmem>>
      tpu.wait_dma2 semaphore(%run_scoped3A_162 : memref<!tpu.dma_semaphore, #tpu.memory_space<semaphore_mem>>) src(%dma_wait3A_186 : memref<120x64xf32, #tpu.memory_space<vmem>>) dst(%dma_wait3A_182 : memref<120x64xf32, #tpu.memory_space<vmem_shared>>)
      tpu.yield
    }) : () -> ()
    %barrier3A = arith.constant 0 : index
    tpu.barrier barrier_id(%barrier3A)
    %mul3A_25 = arith.constant 80 : i32
    %mul3A_26 = arith.muli %add3A, %mul3A_25 : i32
    %add3A_27 = arith.constant 0 : i32
    %add3A_28 = arith.addi %mul3A_26, %add3A_27 : i32
    "tpu.region"() ({
      %run_scoped3A_162 = tpu.sem_alloc : memref<!tpu.dma_semaphore, #tpu.memory_space<semaphore_mem>>
      %dma_start3A_163 = arith.constant 0 : i32
      %dma_start3A_164 = tpu.memref_slice %arg3[%add3A_28, %dma_start3A_163] : memref<2560x128xi32, #tpu.memory_space<hbm>> -> memref<40x128xi32, #tpu.memory_space<hbm>>
      %dma_start3A_165 = arith.constant 0 : i32
      %dma_start3A_166 = tpu.memref_slice %arg3[%add3A_28, %dma_start3A_165] : memref<2560x128xi32, #tpu.memory_space<hbm>> -> memref<40x128xi32, #tpu.memory_space<hbm>>
      tpu.enqueue_dma source(%dma_start3A_166 : memref<40x128xi32, #tpu.memory_space<hbm>>) target(%arg6 : memref<40x128xi32, #tpu.memory_space<vmem>>) target_semaphore(%run_scoped3A_162 : memref<!tpu.dma_semaphore, #tpu.memory_space<semaphore_mem>>)
      %dma_wait3A_167 = arith.constant 0 : i32
      %dma_wait3A_168 = tpu.memref_slice %arg3[%add3A_28, %dma_wait3A_167] : memref<2560x128xi32, #tpu.memory_space<hbm>> -> memref<40x128xi32, #tpu.memory_space<hbm>>
      %dma_wait3A_169 = arith.constant 0 : i32
      %dma_wait3A_170 = tpu.memref_slice %arg3[%add3A_28, %dma_wait3A_169] : memref<2560x128xi32, #tpu.memory_space<hbm>> -> memref<40x128xi32, #tpu.memory_space<hbm>>
      tpu.wait_dma2 semaphore(%run_scoped3A_162 : memref<!tpu.dma_semaphore, #tpu.memory_space<semaphore_mem>>) src(%dma_wait3A_170 : memref<40x128xi32, #tpu.memory_space<hbm>>) dst(%arg6 : memref<40x128xi32, #tpu.memory_space<vmem>>)
      tpu.yield
    }) : () -> ()
    "tpu.region"() ({
      %run_scoped3A_162 = tpu.sem_alloc : memref<!tpu.dma_semaphore, #tpu.memory_space<semaphore_mem>>
      %dma_start3A_163 = arith.constant 0 : i32
      %dma_start3A_164 = tpu.memref_slice %arg4[%add3A_28, %dma_start3A_163] : memref<2560x128xi32, #tpu.memory_space<hbm>> -> memref<40x128xi32, #tpu.memory_space<hbm>>
      %dma_start3A_165 = arith.constant 0 : i32
      %dma_start3A_166 = tpu.memref_slice %arg4[%add3A_28, %dma_start3A_165] : memref<2560x128xi32, #tpu.memory_space<hbm>> -> memref<40x128xi32, #tpu.memory_space<hbm>>
      tpu.enqueue_dma source(%dma_start3A_166 : memref<40x128xi32, #tpu.memory_space<hbm>>) target(%arg7 : memref<40x128xi32, #tpu.memory_space<vmem>>) target_semaphore(%run_scoped3A_162 : memref<!tpu.dma_semaphore, #tpu.memory_space<semaphore_mem>>)
      %dma_wait3A_167 = arith.constant 0 : i32
      %dma_wait3A_168 = tpu.memref_slice %arg4[%add3A_28, %dma_wait3A_167] : memref<2560x128xi32, #tpu.memory_space<hbm>> -> memref<40x128xi32, #tpu.memory_space<hbm>>
      %dma_wait3A_169 = arith.constant 0 : i32
      %dma_wait3A_170 = tpu.memref_slice %arg4[%add3A_28, %dma_wait3A_169] : memref<2560x128xi32, #tpu.memory_space<hbm>> -> memref<40x128xi32, #tpu.memory_space<hbm>>
      tpu.wait_dma2 semaphore(%run_scoped3A_162 : memref<!tpu.dma_semaphore, #tpu.memory_space<semaphore_mem>>) src(%dma_wait3A_170 : memref<40x128xi32, #tpu.memory_space<hbm>>) dst(%arg7 : memref<40x128xi32, #tpu.memory_space<vmem>>)
      tpu.yield
    }) : () -> ()
    %dma_start3A = arith.constant 0 : i32
    %dma_start3A_29 = arith.constant 0 : i32
    %dma_start3A_30 = arith.constant 0 : i32
    %dma_start3A_31 = arith.constant 0 : i32
    %dma_start3A_32 = arith.constant 0 : i32
    %dma_start3A_33 = tpu.memref_slice %arg8[%dma_start3A_29, %dma_start3A_31, %dma_start3A_32] : memref<2x128x64xf32, #tpu.memory_space<vmem>> -> memref<1x128x64xf32, #tpu.memory_space<vmem>>
    %dma_start3A_34 = tpu.memref_squeeze %dma_start3A_33 : memref<1x128x64xf32, #tpu.memory_space<vmem>> -> memref<128x64xf32, #tpu.memory_space<vmem>>
    %dma_start3A_35 = arith.constant 0 : i32
    %dma_start3A_36 = tpu.memref_slice %arg6[%dma_start3A, %dma_start3A_35] : memref<40x128xi32, #tpu.memory_space<vmem>> -> memref<1x128xi32, #tpu.memory_space<vmem>>
    %dma_start3A_37 = tpu.memref_squeeze %dma_start3A_36 : memref<1x128xi32, #tpu.memory_space<vmem>> -> memref<128xi32, #tpu.memory_space<vmem>>
    %dma_start3A_38 = arith.constant 0 : i32
    %dma_start3A_39 = arith.constant 0 : i32
    %dma_start3A_40 = tpu.memref_slice %arg10[%dma_start3A_38, %dma_start3A_39] : memref<10112x64xf32, #tpu.memory_space<vmem_shared>> -> memref<10112x64xf32, #tpu.memory_space<vmem_shared>>
    %dma_start3A_41 = tpu.memref_slice %arg11[%dma_start3A_30] : memref<2x!tpu.dma_semaphore, #tpu.memory_space<semaphore_mem>> -> memref<1x!tpu.dma_semaphore, #tpu.memory_space<semaphore_mem>>
    %dma_start3A_42 = tpu.memref_squeeze %dma_start3A_41 : memref<1x!tpu.dma_semaphore, #tpu.memory_space<semaphore_mem>> -> memref<!tpu.dma_semaphore, #tpu.memory_space<semaphore_mem>>
    tpu.enqueue_indirect_dma source(%dma_start3A_40 : memref<10112x64xf32, #tpu.memory_space<vmem_shared>>) target(%dma_start3A_34 : memref<128x64xf32, #tpu.memory_space<vmem>>) offsets(%dma_start3A_37 : memref<128xi32, #tpu.memory_space<vmem>>) semaphore(%dma_start3A_42 : memref<!tpu.dma_semaphore, #tpu.memory_space<semaphore_mem>>)
    %dma_start3A_43 = arith.constant 1 : i32
    %dma_start3A_44 = arith.constant 1 : i32
    %dma_start3A_45 = arith.constant 1 : i32
    %dma_start3A_46 = arith.constant 0 : i32
    %dma_start3A_47 = arith.constant 0 : i32
    %dma_start3A_48 = tpu.memref_slice %arg8[%dma_start3A_44, %dma_start3A_46, %dma_start3A_47] : memref<2x128x64xf32, #tpu.memory_space<vmem>> -> memref<1x128x64xf32, #tpu.memory_space<vmem>>
    %dma_start3A_49 = tpu.memref_squeeze %dma_start3A_48 : memref<1x128x64xf32, #tpu.memory_space<vmem>> -> memref<128x64xf32, #tpu.memory_space<vmem>>
    %dma_start3A_50 = arith.constant 0 : i32
    %dma_start3A_51 = tpu.memref_slice %arg6[%dma_start3A_43, %dma_start3A_50] : memref<40x128xi32, #tpu.memory_space<vmem>> -> memref<1x128xi32, #tpu.memory_space<vmem>>
    %dma_start3A_52 = tpu.memref_squeeze %dma_start3A_51 : memref<1x128xi32, #tpu.memory_space<vmem>> -> memref<128xi32, #tpu.memory_space<vmem>>
    %dma_start3A_53 = arith.constant 0 : i32
    %dma_start3A_54 = arith.constant 0 : i32
    %dma_start3A_55 = tpu.memref_slice %arg10[%dma_start3A_53, %dma_start3A_54] : memref<10112x64xf32, #tpu.memory_space<vmem_shared>> -> memref<10112x64xf32, #tpu.memory_space<vmem_shared>>
    %dma_start3A_56 = tpu.memref_slice %arg11[%dma_start3A_45] : memref<2x!tpu.dma_semaphore, #tpu.memory_space<semaphore_mem>> -> memref<1x!tpu.dma_semaphore, #tpu.memory_space<semaphore_mem>>
    %dma_start3A_57 = tpu.memref_squeeze %dma_start3A_56 : memref<1x!tpu.dma_semaphore, #tpu.memory_space<semaphore_mem>> -> memref<!tpu.dma_semaphore, #tpu.memory_space<semaphore_mem>>
    tpu.enqueue_indirect_dma source(%dma_start3A_55 : memref<10112x64xf32, #tpu.memory_space<vmem_shared>>) target(%dma_start3A_49 : memref<128x64xf32, #tpu.memory_space<vmem>>) offsets(%dma_start3A_52 : memref<128xi32, #tpu.memory_space<vmem>>) semaphore(%dma_start3A_57 : memref<!tpu.dma_semaphore, #tpu.memory_space<semaphore_mem>>)
    %scan3A_58 = arith.constant 0 : i32
    %scan3A_59 = arith.constant 20 : i32
    %scan3A_60 = arith.addi %scan3A_58, %scan3A_59 : i32
    %scan3A_61 = arith.constant 1 : i32
    scf.for %scan3A_162 = %scan3A_58 to %scan3A_60 step %scan3A_61  : i32 {
      %mul3A_163 = arith.constant 1 : i32
      %mul3A_164 = arith.muli %scan3A_162, %mul3A_163 : i32
      %add3A_165 = arith.constant 0 : i32
      %add3A_166 = arith.addi %add3A_165, %mul3A_164 : i32
      %mul3A_167 = arith.constant 2 : i32
      %mul3A_168 = arith.muli %add3A_166, %mul3A_167 : i32
      %dma_wait3A_169 = arith.constant 0 : i32
      %dma_wait3A_170 = arith.constant 0 : i32
      %dma_wait3A_171 = arith.constant 0 : i32
      %dma_wait3A_172 = arith.constant 0 : i32
      %dma_wait3A_173 = arith.constant 0 : i32
      %dma_wait3A_174 = tpu.memref_slice %arg8[%dma_wait3A_170, %dma_wait3A_172, %dma_wait3A_173] : memref<2x128x64xf32, #tpu.memory_space<vmem>> -> memref<1x128x64xf32, #tpu.memory_space<vmem>>
      %dma_wait3A_175 = tpu.memref_squeeze %dma_wait3A_174 : memref<1x128x64xf32, #tpu.memory_space<vmem>> -> memref<128x64xf32, #tpu.memory_space<vmem>>
      %dma_wait3A_176 = arith.constant 0 : i32
      %dma_wait3A_177 = tpu.memref_slice %arg6[%dma_wait3A_169, %dma_wait3A_176] : memref<40x128xi32, #tpu.memory_space<vmem>> -> memref<1x128xi32, #tpu.memory_space<vmem>>
      %dma_wait3A_178 = tpu.memref_squeeze %dma_wait3A_177 : memref<1x128xi32, #tpu.memory_space<vmem>> -> memref<128xi32, #tpu.memory_space<vmem>>
      %dma_wait3A_179 = arith.constant 0 : i32
      %dma_wait3A_180 = arith.constant 0 : i32
      %dma_wait3A_181 = tpu.memref_slice %arg10[%dma_wait3A_179, %dma_wait3A_180] : memref<10112x64xf32, #tpu.memory_space<vmem_shared>> -> memref<10112x64xf32, #tpu.memory_space<vmem_shared>>
      %dma_wait3A_182 = tpu.memref_slice %arg11[%dma_wait3A_171] : memref<2x!tpu.dma_semaphore, #tpu.memory_space<semaphore_mem>> -> memref<1x!tpu.dma_semaphore, #tpu.memory_space<semaphore_mem>>
      %dma_wait3A_183 = tpu.memref_squeeze %dma_wait3A_182 : memref<1x!tpu.dma_semaphore, #tpu.memory_space<semaphore_mem>> -> memref<!tpu.dma_semaphore, #tpu.memory_space<semaphore_mem>>
      tpu.wait_indirect_dma semaphore(%dma_wait3A_183 : memref<!tpu.dma_semaphore, #tpu.memory_space<semaphore_mem>>) src(%dma_wait3A_181 : memref<10112x64xf32, #tpu.memory_space<vmem_shared>>) dst(%dma_wait3A_175 : memref<128x64xf32, #tpu.memory_space<vmem>>)
      %add3A_184 = arith.constant 0 : i32
      %add3A_185 = arith.addi %mul3A_168, %add3A_184 : i32
      %dma_start3A_186 = arith.constant 0 : i32
      %dma_start3A_187 = arith.constant 0 : i32
      %dma_start3A_188 = arith.constant 0 : i32
      %dma_start3A_189 = arith.constant 0 : i32
      %dma_start3A_190 = tpu.memref_slice %arg8[%dma_start3A_186, %dma_start3A_188, %dma_start3A_189] : memref<2x128x64xf32, #tpu.memory_space<vmem>> -> memref<1x128x64xf32, #tpu.memory_space<vmem>>
      %dma_start3A_191 = tpu.memref_squeeze %dma_start3A_190 : memref<1x128x64xf32, #tpu.memory_space<vmem>> -> memref<128x64xf32, #tpu.memory_space<vmem>>
      %dma_start3A_192 = arith.constant 0 : i32
      %dma_start3A_193 = tpu.memref_slice %arg7[%add3A_185, %dma_start3A_192] : memref<40x128xi32, #tpu.memory_space<vmem>> -> memref<1x128xi32, #tpu.memory_space<vmem>>
      %dma_start3A_194 = tpu.memref_squeeze %dma_start3A_193 : memref<1x128xi32, #tpu.memory_space<vmem>> -> memref<128xi32, #tpu.memory_space<vmem>>
      %dma_start3A_195 = arith.constant 0 : i32
      %dma_start3A_196 = arith.constant 0 : i32
      %dma_start3A_197 = tpu.memref_slice %arg9[%dma_start3A_195, %dma_start3A_196] : memref<10112x64xf32, #tpu.memory_space<vmem_shared>> -> memref<10112x64xf32, #tpu.memory_space<vmem_shared>>
      %dma_start3A_198 = tpu.memref_slice %arg12[%dma_start3A_187] : memref<2x!tpu.dma_semaphore, #tpu.memory_space<semaphore_mem>> -> memref<1x!tpu.dma_semaphore, #tpu.memory_space<semaphore_mem>>
      %dma_start3A_199 = tpu.memref_squeeze %dma_start3A_198 : memref<1x!tpu.dma_semaphore, #tpu.memory_space<semaphore_mem>> -> memref<!tpu.dma_semaphore, #tpu.memory_space<semaphore_mem>>
      tpu.enqueue_indirect_dma source(%dma_start3A_191 : memref<128x64xf32, #tpu.memory_space<vmem>>) target(%dma_start3A_197 : memref<10112x64xf32, #tpu.memory_space<vmem_shared>>) offsets(%dma_start3A_194 : memref<128xi32, #tpu.memory_space<vmem>>) semaphore(%dma_start3A_199 : memref<!tpu.dma_semaphore, #tpu.memory_space<semaphore_mem>>) {add = true}
      %dma_wait3A_200 = arith.constant 0 : i32
      %dma_wait3A_201 = arith.constant 1 : i32
      %dma_wait3A_202 = arith.constant 1 : i32
      %dma_wait3A_203 = arith.constant 0 : i32
      %dma_wait3A_204 = arith.constant 0 : i32
      %dma_wait3A_205 = tpu.memref_slice %arg8[%dma_wait3A_201, %dma_wait3A_203, %dma_wait3A_204] : memref<2x128x64xf32, #tpu.memory_space<vmem>> -> memref<1x128x64xf32, #tpu.memory_space<vmem>>
      %dma_wait3A_206 = tpu.memref_squeeze %dma_wait3A_205 : memref<1x128x64xf32, #tpu.memory_space<vmem>> -> memref<128x64xf32, #tpu.memory_space<vmem>>
      %dma_wait3A_207 = arith.constant 0 : i32
      %dma_wait3A_208 = tpu.memref_slice %arg6[%dma_wait3A_200, %dma_wait3A_207] : memref<40x128xi32, #tpu.memory_space<vmem>> -> memref<1x128xi32, #tpu.memory_space<vmem>>
      %dma_wait3A_209 = tpu.memref_squeeze %dma_wait3A_208 : memref<1x128xi32, #tpu.memory_space<vmem>> -> memref<128xi32, #tpu.memory_space<vmem>>
      %dma_wait3A_210 = arith.constant 0 : i32
      %dma_wait3A_211 = arith.constant 0 : i32
      %dma_wait3A_212 = tpu.memref_slice %arg10[%dma_wait3A_210, %dma_wait3A_211] : memref<10112x64xf32, #tpu.memory_space<vmem_shared>> -> memref<10112x64xf32, #tpu.memory_space<vmem_shared>>
      %dma_wait3A_213 = tpu.memref_slice %arg11[%dma_wait3A_202] : memref<2x!tpu.dma_semaphore, #tpu.memory_space<semaphore_mem>> -> memref<1x!tpu.dma_semaphore, #tpu.memory_space<semaphore_mem>>
      %dma_wait3A_214 = tpu.memref_squeeze %dma_wait3A_213 : memref<1x!tpu.dma_semaphore, #tpu.memory_space<semaphore_mem>> -> memref<!tpu.dma_semaphore, #tpu.memory_space<semaphore_mem>>
      tpu.wait_indirect_dma semaphore(%dma_wait3A_214 : memref<!tpu.dma_semaphore, #tpu.memory_space<semaphore_mem>>) src(%dma_wait3A_212 : memref<10112x64xf32, #tpu.memory_space<vmem_shared>>) dst(%dma_wait3A_206 : memref<128x64xf32, #tpu.memory_space<vmem>>)
      %add3A_215 = arith.constant 1 : i32
      %add3A_216 = arith.addi %mul3A_168, %add3A_215 : i32
      %dma_start3A_217 = arith.constant 1 : i32
      %dma_start3A_218 = arith.constant 1 : i32
      %dma_start3A_219 = arith.constant 0 : i32
      %dma_start3A_220 = arith.constant 0 : i32
      %dma_start3A_221 = tpu.memref_slice %arg8[%dma_start3A_217, %dma_start3A_219, %dma_start3A_220] : memref<2x128x64xf32, #tpu.memory_space<vmem>> -> memref<1x128x64xf32, #tpu.memory_space<vmem>>
      %dma_start3A_222 = tpu.memref_squeeze %dma_start3A_221 : memref<1x128x64xf32, #tpu.memory_space<vmem>> -> memref<128x64xf32, #tpu.memory_space<vmem>>
      %dma_start3A_223 = arith.constant 0 : i32
      %dma_start3A_224 = tpu.memref_slice %arg7[%add3A_216, %dma_start3A_223] : memref<40x128xi32, #tpu.memory_space<vmem>> -> memref<1x128xi32, #tpu.memory_space<vmem>>
      %dma_start3A_225 = tpu.memref_squeeze %dma_start3A_224 : memref<1x128xi32, #tpu.memory_space<vmem>> -> memref<128xi32, #tpu.memory_space<vmem>>
      %dma_start3A_226 = arith.constant 0 : i32
      %dma_start3A_227 = arith.constant 0 : i32
      %dma_start3A_228 = tpu.memref_slice %arg9[%dma_start3A_226, %dma_start3A_227] : memref<10112x64xf32, #tpu.memory_space<vmem_shared>> -> memref<10112x64xf32, #tpu.memory_space<vmem_shared>>
      %dma_start3A_229 = tpu.memref_slice %arg12[%dma_start3A_218] : memref<2x!tpu.dma_semaphore, #tpu.memory_space<semaphore_mem>> -> memref<1x!tpu.dma_semaphore, #tpu.memory_space<semaphore_mem>>
      %dma_start3A_230 = tpu.memref_squeeze %dma_start3A_229 : memref<1x!tpu.dma_semaphore, #tpu.memory_space<semaphore_mem>> -> memref<!tpu.dma_semaphore, #tpu.memory_space<semaphore_mem>>
      tpu.enqueue_indirect_dma source(%dma_start3A_222 : memref<128x64xf32, #tpu.memory_space<vmem>>) target(%dma_start3A_228 : memref<10112x64xf32, #tpu.memory_space<vmem_shared>>) offsets(%dma_start3A_225 : memref<128xi32, #tpu.memory_space<vmem>>) semaphore(%dma_start3A_230 : memref<!tpu.dma_semaphore, #tpu.memory_space<semaphore_mem>>) {add = true}
      %add3A_231 = arith.constant 0 : i32
      %add3A_232 = arith.addi %mul3A_168, %add3A_231 : i32
      %add3A_233 = arith.constant 2 : i32
      %add3A_234 = arith.addi %add3A_232, %add3A_233 : i32
      %lt3A = arith.constant 40 : i32
      %lt3A_235 = arith.cmpi slt, %add3A_234, %lt3A : i32
      %convert_element_type3A = arith.extui %lt3A_235 : i1 to i32
      %cond3A = arith.constant 0 : i32
      %cond3A_236 = arith.cmpi ne, %convert_element_type3A, %cond3A : i32
      scf.if %cond3A_236 {
        %dma_wait3A_246 = arith.constant 0 : i32
        %dma_wait3A_247 = arith.constant 0 : i32
        %dma_wait3A_248 = arith.constant 0 : i32
        %dma_wait3A_249 = arith.constant 0 : i32
        %dma_wait3A_250 = arith.constant 0 : i32
        %dma_wait3A_251 = tpu.memref_slice %arg8[%dma_wait3A_246, %dma_wait3A_249, %dma_wait3A_250] : memref<2x128x64xf32, #tpu.memory_space<vmem>> -> memref<1x128x64xf32, #tpu.memory_space<vmem>>
        %dma_wait3A_252 = tpu.memref_squeeze %dma_wait3A_251 : memref<1x128x64xf32, #tpu.memory_space<vmem>> -> memref<128x64xf32, #tpu.memory_space<vmem>>
        %dma_wait3A_253 = arith.constant 0 : i32
        %dma_wait3A_254 = tpu.memref_slice %arg7[%dma_wait3A_247, %dma_wait3A_253] : memref<40x128xi32, #tpu.memory_space<vmem>> -> memref<1x128xi32, #tpu.memory_space<vmem>>
        %dma_wait3A_255 = tpu.memref_squeeze %dma_wait3A_254 : memref<1x128xi32, #tpu.memory_space<vmem>> -> memref<128xi32, #tpu.memory_space<vmem>>
        %dma_wait3A_256 = arith.constant 0 : i32
        %dma_wait3A_257 = arith.constant 0 : i32
        %dma_wait3A_258 = tpu.memref_slice %arg9[%dma_wait3A_256, %dma_wait3A_257] : memref<10112x64xf32, #tpu.memory_space<vmem_shared>> -> memref<10112x64xf32, #tpu.memory_space<vmem_shared>>
        %dma_wait3A_259 = tpu.memref_slice %arg12[%dma_wait3A_248] : memref<2x!tpu.dma_semaphore, #tpu.memory_space<semaphore_mem>> -> memref<1x!tpu.dma_semaphore, #tpu.memory_space<semaphore_mem>>
        %dma_wait3A_260 = tpu.memref_squeeze %dma_wait3A_259 : memref<1x!tpu.dma_semaphore, #tpu.memory_space<semaphore_mem>> -> memref<!tpu.dma_semaphore, #tpu.memory_space<semaphore_mem>>
        tpu.wait_indirect_dma semaphore(%dma_wait3A_260 : memref<!tpu.dma_semaphore, #tpu.memory_space<semaphore_mem>>) src(%dma_wait3A_252 : memref<128x64xf32, #tpu.memory_space<vmem>>) dst(%dma_wait3A_258 : memref<10112x64xf32, #tpu.memory_space<vmem_shared>>)
        %add3A_261 = arith.constant 0 : i32
        %add3A_262 = arith.addi %mul3A_168, %add3A_261 : i32
        %add3A_263 = arith.constant 2 : i32
        %add3A_264 = arith.addi %add3A_262, %add3A_263 : i32
        %dma_start3A_265 = arith.constant 0 : i32
        %dma_start3A_266 = arith.constant 0 : i32
        %dma_start3A_267 = arith.constant 0 : i32
        %dma_start3A_268 = arith.constant 0 : i32
        %dma_start3A_269 = tpu.memref_slice %arg8[%dma_start3A_265, %dma_start3A_267, %dma_start3A_268] : memref<2x128x64xf32, #tpu.memory_space<vmem>> -> memref<1x128x64xf32, #tpu.memory_space<vmem>>
        %dma_start3A_270 = tpu.memref_squeeze %dma_start3A_269 : memref<1x128x64xf32, #tpu.memory_space<vmem>> -> memref<128x64xf32, #tpu.memory_space<vmem>>
        %dma_start3A_271 = arith.constant 0 : i32
        %dma_start3A_272 = tpu.memref_slice %arg6[%add3A_264, %dma_start3A_271] : memref<40x128xi32, #tpu.memory_space<vmem>> -> memref<1x128xi32, #tpu.memory_space<vmem>>
        %dma_start3A_273 = tpu.memref_squeeze %dma_start3A_272 : memref<1x128xi32, #tpu.memory_space<vmem>> -> memref<128xi32, #tpu.memory_space<vmem>>
        %dma_start3A_274 = arith.constant 0 : i32
        %dma_start3A_275 = arith.constant 0 : i32
        %dma_start3A_276 = tpu.memref_slice %arg10[%dma_start3A_274, %dma_start3A_275] : memref<10112x64xf32, #tpu.memory_space<vmem_shared>> -> memref<10112x64xf32, #tpu.memory_space<vmem_shared>>
        %dma_start3A_277 = tpu.memref_slice %arg11[%dma_start3A_266] : memref<2x!tpu.dma_semaphore, #tpu.memory_space<semaphore_mem>> -> memref<1x!tpu.dma_semaphore, #tpu.memory_space<semaphore_mem>>
        %dma_start3A_278 = tpu.memref_squeeze %dma_start3A_277 : memref<1x!tpu.dma_semaphore, #tpu.memory_space<semaphore_mem>> -> memref<!tpu.dma_semaphore, #tpu.memory_space<semaphore_mem>>
        tpu.enqueue_indirect_dma source(%dma_start3A_276 : memref<10112x64xf32, #tpu.memory_space<vmem_shared>>) target(%dma_start3A_270 : memref<128x64xf32, #tpu.memory_space<vmem>>) offsets(%dma_start3A_273 : memref<128xi32, #tpu.memory_space<vmem>>) semaphore(%dma_start3A_278 : memref<!tpu.dma_semaphore, #tpu.memory_space<semaphore_mem>>)
      } else {
      }
      %add3A_237 = arith.constant 1 : i32
      %add3A_238 = arith.addi %mul3A_168, %add3A_237 : i32
      %add3A_239 = arith.constant 2 : i32
      %add3A_240 = arith.addi %add3A_238, %add3A_239 : i32
      %lt3A_241 = arith.constant 40 : i32
      %lt3A_242 = arith.cmpi slt, %add3A_240, %lt3A_241 : i32
      %convert_element_type3A_243 = arith.extui %lt3A_242 : i1 to i32
      %cond3A_244 = arith.constant 0 : i32
      %cond3A_245 = arith.cmpi ne, %convert_element_type3A_243, %cond3A_244 : i32
      scf.if %cond3A_245 {
        %dma_wait3A_246 = arith.constant 1 : i32
        %dma_wait3A_247 = arith.constant 0 : i32
        %dma_wait3A_248 = arith.constant 1 : i32
        %dma_wait3A_249 = arith.constant 0 : i32
        %dma_wait3A_250 = arith.constant 0 : i32
        %dma_wait3A_251 = tpu.memref_slice %arg8[%dma_wait3A_246, %dma_wait3A_249, %dma_wait3A_250] : memref<2x128x64xf32, #tpu.memory_space<vmem>> -> memref<1x128x64xf32, #tpu.memory_space<vmem>>
        %dma_wait3A_252 = tpu.memref_squeeze %dma_wait3A_251 : memref<1x128x64xf32, #tpu.memory_space<vmem>> -> memref<128x64xf32, #tpu.memory_space<vmem>>
        %dma_wait3A_253 = arith.constant 0 : i32
        %dma_wait3A_254 = tpu.memref_slice %arg7[%dma_wait3A_247, %dma_wait3A_253] : memref<40x128xi32, #tpu.memory_space<vmem>> -> memref<1x128xi32, #tpu.memory_space<vmem>>
        %dma_wait3A_255 = tpu.memref_squeeze %dma_wait3A_254 : memref<1x128xi32, #tpu.memory_space<vmem>> -> memref<128xi32, #tpu.memory_space<vmem>>
        %dma_wait3A_256 = arith.constant 0 : i32
        %dma_wait3A_257 = arith.constant 0 : i32
        %dma_wait3A_258 = tpu.memref_slice %arg9[%dma_wait3A_256, %dma_wait3A_257] : memref<10112x64xf32, #tpu.memory_space<vmem_shared>> -> memref<10112x64xf32, #tpu.memory_space<vmem_shared>>
        %dma_wait3A_259 = tpu.memref_slice %arg12[%dma_wait3A_248] : memref<2x!tpu.dma_semaphore, #tpu.memory_space<semaphore_mem>> -> memref<1x!tpu.dma_semaphore, #tpu.memory_space<semaphore_mem>>
        %dma_wait3A_260 = tpu.memref_squeeze %dma_wait3A_259 : memref<1x!tpu.dma_semaphore, #tpu.memory_space<semaphore_mem>> -> memref<!tpu.dma_semaphore, #tpu.memory_space<semaphore_mem>>
        tpu.wait_indirect_dma semaphore(%dma_wait3A_260 : memref<!tpu.dma_semaphore, #tpu.memory_space<semaphore_mem>>) src(%dma_wait3A_252 : memref<128x64xf32, #tpu.memory_space<vmem>>) dst(%dma_wait3A_258 : memref<10112x64xf32, #tpu.memory_space<vmem_shared>>)
        %add3A_261 = arith.constant 1 : i32
        %add3A_262 = arith.addi %mul3A_168, %add3A_261 : i32
        %add3A_263 = arith.constant 2 : i32
        %add3A_264 = arith.addi %add3A_262, %add3A_263 : i32
        %dma_start3A_265 = arith.constant 1 : i32
        %dma_start3A_266 = arith.constant 1 : i32
        %dma_start3A_267 = arith.constant 0 : i32
        %dma_start3A_268 = arith.constant 0 : i32
        %dma_start3A_269 = tpu.memref_slice %arg8[%dma_start3A_265, %dma_start3A_267, %dma_start3A_268] : memref<2x128x64xf32, #tpu.memory_space<vmem>> -> memref<1x128x64xf32, #tpu.memory_space<vmem>>
        %dma_start3A_270 = tpu.memref_squeeze %dma_start3A_269 : memref<1x128x64xf32, #tpu.memory_space<vmem>> -> memref<128x64xf32, #tpu.memory_space<vmem>>
        %dma_start3A_271 = arith.constant 0 : i32
        %dma_start3A_272 = tpu.memref_slice %arg6[%add3A_264, %dma_start3A_271] : memref<40x128xi32, #tpu.memory_space<vmem>> -> memref<1x128xi32, #tpu.memory_space<vmem>>
        %dma_start3A_273 = tpu.memref_squeeze %dma_start3A_272 : memref<1x128xi32, #tpu.memory_space<vmem>> -> memref<128xi32, #tpu.memory_space<vmem>>
        %dma_start3A_274 = arith.constant 0 : i32
        %dma_start3A_275 = arith.constant 0 : i32
        %dma_start3A_276 = tpu.memref_slice %arg10[%dma_start3A_274, %dma_start3A_275] : memref<10112x64xf32, #tpu.memory_space<vmem_shared>> -> memref<10112x64xf32, #tpu.memory_space<vmem_shared>>
        %dma_start3A_277 = tpu.memref_slice %arg11[%dma_start3A_266] : memref<2x!tpu.dma_semaphore, #tpu.memory_space<semaphore_mem>> -> memref<1x!tpu.dma_semaphore, #tpu.memory_space<semaphore_mem>>
        %dma_start3A_278 = tpu.memref_squeeze %dma_start3A_277 : memref<1x!tpu.dma_semaphore, #tpu.memory_space<semaphore_mem>> -> memref<!tpu.dma_semaphore, #tpu.memory_space<semaphore_mem>>
        tpu.enqueue_indirect_dma source(%dma_start3A_276 : memref<10112x64xf32, #tpu.memory_space<vmem_shared>>) target(%dma_start3A_270 : memref<128x64xf32, #tpu.memory_space<vmem>>) offsets(%dma_start3A_273 : memref<128xi32, #tpu.memory_space<vmem>>) semaphore(%dma_start3A_278 : memref<!tpu.dma_semaphore, #tpu.memory_space<semaphore_mem>>)
      } else {
      }
    }
    %scan3A_62 = arith.constant 20 : i32
    %dma_wait3A = arith.constant 0 : i32
    %dma_wait3A_63 = arith.constant 0 : i32
    %dma_wait3A_64 = arith.constant 0 : i32
    %dma_wait3A_65 = arith.constant 0 : i32
    %dma_wait3A_66 = arith.constant 0 : i32
    %dma_wait3A_67 = tpu.memref_slice %arg8[%dma_wait3A, %dma_wait3A_65, %dma_wait3A_66] : memref<2x128x64xf32, #tpu.memory_space<vmem>> -> memref<1x128x64xf32, #tpu.memory_space<vmem>>
    %dma_wait3A_68 = tpu.memref_squeeze %dma_wait3A_67 : memref<1x128x64xf32, #tpu.memory_space<vmem>> -> memref<128x64xf32, #tpu.memory_space<vmem>>
    %dma_wait3A_69 = arith.constant 0 : i32
    %dma_wait3A_70 = tpu.memref_slice %arg7[%dma_wait3A_63, %dma_wait3A_69] : memref<40x128xi32, #tpu.memory_space<vmem>> -> memref<1x128xi32, #tpu.memory_space<vmem>>
    %dma_wait3A_71 = tpu.memref_squeeze %dma_wait3A_70 : memref<1x128xi32, #tpu.memory_space<vmem>> -> memref<128xi32, #tpu.memory_space<vmem>>
    %dma_wait3A_72 = arith.constant 0 : i32
    %dma_wait3A_73 = arith.constant 0 : i32
    %dma_wait3A_74 = tpu.memref_slice %arg9[%dma_wait3A_72, %dma_wait3A_73] : memref<10112x64xf32, #tpu.memory_space<vmem_shared>> -> memref<10112x64xf32, #tpu.memory_space<vmem_shared>>
    %dma_wait3A_75 = tpu.memref_slice %arg12[%dma_wait3A_64] : memref<2x!tpu.dma_semaphore, #tpu.memory_space<semaphore_mem>> -> memref<1x!tpu.dma_semaphore, #tpu.memory_space<semaphore_mem>>
    %dma_wait3A_76 = tpu.memref_squeeze %dma_wait3A_75 : memref<1x!tpu.dma_semaphore, #tpu.memory_space<semaphore_mem>> -> memref<!tpu.dma_semaphore, #tpu.memory_space<semaphore_mem>>
    tpu.wait_indirect_dma semaphore(%dma_wait3A_76 : memref<!tpu.dma_semaphore, #tpu.memory_space<semaphore_mem>>) src(%dma_wait3A_68 : memref<128x64xf32, #tpu.memory_space<vmem>>) dst(%dma_wait3A_74 : memref<10112x64xf32, #tpu.memory_space<vmem_shared>>)
    %dma_wait3A_77 = arith.constant 1 : i32
    %dma_wait3A_78 = arith.constant 0 : i32
    %dma_wait3A_79 = arith.constant 1 : i32
    %dma_wait3A_80 = arith.constant 0 : i32
    %dma_wait3A_81 = arith.constant 0 : i32
    %dma_wait3A_82 = tpu.memref_slice %arg8[%dma_wait3A_77, %dma_wait3A_80, %dma_wait3A_81] : memref<2x128x64xf32, #tpu.memory_space<vmem>> -> memref<1x128x64xf32, #tpu.memory_space<vmem>>
    %dma_wait3A_83 = tpu.memref_squeeze %dma_wait3A_82 : memref<1x128x64xf32, #tpu.memory_space<vmem>> -> memref<128x64xf32, #tpu.memory_space<vmem>>
    %dma_wait3A_84 = arith.constant 0 : i32
    %dma_wait3A_85 = tpu.memref_slice %arg7[%dma_wait3A_78, %dma_wait3A_84] : memref<40x128xi32, #tpu.memory_space<vmem>> -> memref<1x128xi32, #tpu.memory_space<vmem>>
    %dma_wait3A_86 = tpu.memref_squeeze %dma_wait3A_85 : memref<1x128xi32, #tpu.memory_space<vmem>> -> memref<128xi32, #tpu.memory_space<vmem>>
    %dma_wait3A_87 = arith.constant 0 : i32
    %dma_wait3A_88 = arith.constant 0 : i32
    %dma_wait3A_89 = tpu.memref_slice %arg9[%dma_wait3A_87, %dma_wait3A_88] : memref<10112x64xf32, #tpu.memory_space<vmem_shared>> -> memref<10112x64xf32, #tpu.memory_space<vmem_shared>>
    %dma_wait3A_90 = tpu.memref_slice %arg12[%dma_wait3A_79] : memref<2x!tpu.dma_semaphore, #tpu.memory_space<semaphore_mem>> -> memref<1x!tpu.dma_semaphore, #tpu.memory_space<semaphore_mem>>
    %dma_wait3A_91 = tpu.memref_squeeze %dma_wait3A_90 : memref<1x!tpu.dma_semaphore, #tpu.memory_space<semaphore_mem>> -> memref<!tpu.dma_semaphore, #tpu.memory_space<semaphore_mem>>
    tpu.wait_indirect_dma semaphore(%dma_wait3A_91 : memref<!tpu.dma_semaphore, #tpu.memory_space<semaphore_mem>>) src(%dma_wait3A_83 : memref<128x64xf32, #tpu.memory_space<vmem>>) dst(%dma_wait3A_89 : memref<10112x64xf32, #tpu.memory_space<vmem_shared>>)
    %mul3A_92 = arith.constant 80 : i32
    %mul3A_93 = arith.muli %add3A, %mul3A_92 : i32
    %add3A_94 = arith.constant 40 : i32
    %add3A_95 = arith.addi %mul3A_93, %add3A_94 : i32
    "tpu.region"() ({
      %run_scoped3A_162 = tpu.sem_alloc : memref<!tpu.dma_semaphore, #tpu.memory_space<semaphore_mem>>
      %dma_start3A_163 = arith.constant 0 : i32
      %dma_start3A_164 = tpu.memref_slice %arg3[%add3A_95, %dma_start3A_163] : memref<2560x128xi32, #tpu.memory_space<hbm>> -> memref<40x128xi32, #tpu.memory_space<hbm>>
      %dma_start3A_165 = arith.constant 0 : i32
      %dma_start3A_166 = tpu.memref_slice %arg3[%add3A_95, %dma_start3A_165] : memref<2560x128xi32, #tpu.memory_space<hbm>> -> memref<40x128xi32, #tpu.memory_space<hbm>>
      tpu.enqueue_dma source(%dma_start3A_166 : memref<40x128xi32, #tpu.memory_space<hbm>>) target(%arg6 : memref<40x128xi32, #tpu.memory_space<vmem>>) target_semaphore(%run_scoped3A_162 : memref<!tpu.dma_semaphore, #tpu.memory_space<semaphore_mem>>)
      %dma_wait3A_167 = arith.constant 0 : i32
      %dma_wait3A_168 = tpu.memref_slice %arg3[%add3A_95, %dma_wait3A_167] : memref<2560x128xi32, #tpu.memory_space<hbm>> -> memref<40x128xi32, #tpu.memory_space<hbm>>
      %dma_wait3A_169 = arith.constant 0 : i32
      %dma_wait3A_170 = tpu.memref_slice %arg3[%add3A_95, %dma_wait3A_169] : memref<2560x128xi32, #tpu.memory_space<hbm>> -> memref<40x128xi32, #tpu.memory_space<hbm>>
      tpu.wait_dma2 semaphore(%run_scoped3A_162 : memref<!tpu.dma_semaphore, #tpu.memory_space<semaphore_mem>>) src(%dma_wait3A_170 : memref<40x128xi32, #tpu.memory_space<hbm>>) dst(%arg6 : memref<40x128xi32, #tpu.memory_space<vmem>>)
      tpu.yield
    }) : () -> ()
    "tpu.region"() ({
      %run_scoped3A_162 = tpu.sem_alloc : memref<!tpu.dma_semaphore, #tpu.memory_space<semaphore_mem>>
      %dma_start3A_163 = arith.constant 0 : i32
      %dma_start3A_164 = tpu.memref_slice %arg4[%add3A_95, %dma_start3A_163] : memref<2560x128xi32, #tpu.memory_space<hbm>> -> memref<40x128xi32, #tpu.memory_space<hbm>>
      %dma_start3A_165 = arith.constant 0 : i32
      %dma_start3A_166 = tpu.memref_slice %arg4[%add3A_95, %dma_start3A_165] : memref<2560x128xi32, #tpu.memory_space<hbm>> -> memref<40x128xi32, #tpu.memory_space<hbm>>
      tpu.enqueue_dma source(%dma_start3A_166 : memref<40x128xi32, #tpu.memory_space<hbm>>) target(%arg7 : memref<40x128xi32, #tpu.memory_space<vmem>>) target_semaphore(%run_scoped3A_162 : memref<!tpu.dma_semaphore, #tpu.memory_space<semaphore_mem>>)
      %dma_wait3A_167 = arith.constant 0 : i32
      %dma_wait3A_168 = tpu.memref_slice %arg4[%add3A_95, %dma_wait3A_167] : memref<2560x128xi32, #tpu.memory_space<hbm>> -> memref<40x128xi32, #tpu.memory_space<hbm>>
      %dma_wait3A_169 = arith.constant 0 : i32
      %dma_wait3A_170 = tpu.memref_slice %arg4[%add3A_95, %dma_wait3A_169] : memref<2560x128xi32, #tpu.memory_space<hbm>> -> memref<40x128xi32, #tpu.memory_space<hbm>>
      tpu.wait_dma2 semaphore(%run_scoped3A_162 : memref<!tpu.dma_semaphore, #tpu.memory_space<semaphore_mem>>) src(%dma_wait3A_170 : memref<40x128xi32, #tpu.memory_space<hbm>>) dst(%arg7 : memref<40x128xi32, #tpu.memory_space<vmem>>)
      tpu.yield
    }) : () -> ()
    %dma_start3A_96 = arith.constant 0 : i32
    %dma_start3A_97 = arith.constant 0 : i32
    %dma_start3A_98 = arith.constant 0 : i32
    %dma_start3A_99 = arith.constant 0 : i32
    %dma_start3A_100 = arith.constant 0 : i32
    %dma_start3A_101 = tpu.memref_slice %arg8[%dma_start3A_97, %dma_start3A_99, %dma_start3A_100] : memref<2x128x64xf32, #tpu.memory_space<vmem>> -> memref<1x128x64xf32, #tpu.memory_space<vmem>>
    %dma_start3A_102 = tpu.memref_squeeze %dma_start3A_101 : memref<1x128x64xf32, #tpu.memory_space<vmem>> -> memref<128x64xf32, #tpu.memory_space<vmem>>
    %dma_start3A_103 = arith.constant 0 : i32
    %dma_start3A_104 = tpu.memref_slice %arg6[%dma_start3A_96, %dma_start3A_103] : memref<40x128xi32, #tpu.memory_space<vmem>> -> memref<1x128xi32, #tpu.memory_space<vmem>>
    %dma_start3A_105 = tpu.memref_squeeze %dma_start3A_104 : memref<1x128xi32, #tpu.memory_space<vmem>> -> memref<128xi32, #tpu.memory_space<vmem>>
    %dma_start3A_106 = arith.constant 0 : i32
    %dma_start3A_107 = arith.constant 0 : i32
    %dma_start3A_108 = tpu.memref_slice %arg10[%dma_start3A_106, %dma_start3A_107] : memref<10112x64xf32, #tpu.memory_space<vmem_shared>> -> memref<10112x64xf32, #tpu.memory_space<vmem_shared>>
    %dma_start3A_109 = tpu.memref_slice %arg11[%dma_start3A_98] : memref<2x!tpu.dma_semaphore, #tpu.memory_space<semaphore_mem>> -> memref<1x!tpu.dma_semaphore, #tpu.memory_space<semaphore_mem>>
    %dma_start3A_110 = tpu.memref_squeeze %dma_start3A_109 : memref<1x!tpu.dma_semaphore, #tpu.memory_space<semaphore_mem>> -> memref<!tpu.dma_semaphore, #tpu.memory_space<semaphore_mem>>
    tpu.enqueue_indirect_dma source(%dma_start3A_108 : memref<10112x64xf32, #tpu.memory_space<vmem_shared>>) target(%dma_start3A_102 : memref<128x64xf32, #tpu.memory_space<vmem>>) offsets(%dma_start3A_105 : memref<128xi32, #tpu.memory_space<vmem>>) semaphore(%dma_start3A_110 : memref<!tpu.dma_semaphore, #tpu.memory_space<semaphore_mem>>)
    %dma_start3A_111 = arith.constant 1 : i32
    %dma_start3A_112 = arith.constant 1 : i32
    %dma_start3A_113 = arith.constant 1 : i32
    %dma_start3A_114 = arith.constant 0 : i32
    %dma_start3A_115 = arith.constant 0 : i32
    %dma_start3A_116 = tpu.memref_slice %arg8[%dma_start3A_112, %dma_start3A_114, %dma_start3A_115] : memref<2x128x64xf32, #tpu.memory_space<vmem>> -> memref<1x128x64xf32, #tpu.memory_space<vmem>>
    %dma_start3A_117 = tpu.memref_squeeze %dma_start3A_116 : memref<1x128x64xf32, #tpu.memory_space<vmem>> -> memref<128x64xf32, #tpu.memory_space<vmem>>
    %dma_start3A_118 = arith.constant 0 : i32
    %dma_start3A_119 = tpu.memref_slice %arg6[%dma_start3A_111, %dma_start3A_118] : memref<40x128xi32, #tpu.memory_space<vmem>> -> memref<1x128xi32, #tpu.memory_space<vmem>>
    %dma_start3A_120 = tpu.memref_squeeze %dma_start3A_119 : memref<1x128xi32, #tpu.memory_space<vmem>> -> memref<128xi32, #tpu.memory_space<vmem>>
    %dma_start3A_121 = arith.constant 0 : i32
    %dma_start3A_122 = arith.constant 0 : i32
    %dma_start3A_123 = tpu.memref_slice %arg10[%dma_start3A_121, %dma_start3A_122] : memref<10112x64xf32, #tpu.memory_space<vmem_shared>> -> memref<10112x64xf32, #tpu.memory_space<vmem_shared>>
    %dma_start3A_124 = tpu.memref_slice %arg11[%dma_start3A_113] : memref<2x!tpu.dma_semaphore, #tpu.memory_space<semaphore_mem>> -> memref<1x!tpu.dma_semaphore, #tpu.memory_space<semaphore_mem>>
    %dma_start3A_125 = tpu.memref_squeeze %dma_start3A_124 : memref<1x!tpu.dma_semaphore, #tpu.memory_space<semaphore_mem>> -> memref<!tpu.dma_semaphore, #tpu.memory_space<semaphore_mem>>
    tpu.enqueue_indirect_dma source(%dma_start3A_123 : memref<10112x64xf32, #tpu.memory_space<vmem_shared>>) target(%dma_start3A_117 : memref<128x64xf32, #tpu.memory_space<vmem>>) offsets(%dma_start3A_120 : memref<128xi32, #tpu.memory_space<vmem>>) semaphore(%dma_start3A_125 : memref<!tpu.dma_semaphore, #tpu.memory_space<semaphore_mem>>)
    %scan3A_126 = arith.constant 0 : i32
    %scan3A_127 = arith.constant 20 : i32
    %scan3A_128 = arith.addi %scan3A_126, %scan3A_127 : i32
    %scan3A_129 = arith.constant 1 : i32
    scf.for %scan3A_162 = %scan3A_126 to %scan3A_128 step %scan3A_129  : i32 {
      %mul3A_163 = arith.constant 1 : i32
      %mul3A_164 = arith.muli %scan3A_162, %mul3A_163 : i32
      %add3A_165 = arith.constant 0 : i32
      %add3A_166 = arith.addi %add3A_165, %mul3A_164 : i32
      %mul3A_167 = arith.constant 2 : i32
      %mul3A_168 = arith.muli %add3A_166, %mul3A_167 : i32
      %dma_wait3A_169 = arith.constant 0 : i32
      %dma_wait3A_170 = arith.constant 0 : i32
      %dma_wait3A_171 = arith.constant 0 : i32
      %dma_wait3A_172 = arith.constant 0 : i32
      %dma_wait3A_173 = arith.constant 0 : i32
      %dma_wait3A_174 = tpu.memref_slice %arg8[%dma_wait3A_170, %dma_wait3A_172, %dma_wait3A_173] : memref<2x128x64xf32, #tpu.memory_space<vmem>> -> memref<1x128x64xf32, #tpu.memory_space<vmem>>
      %dma_wait3A_175 = tpu.memref_squeeze %dma_wait3A_174 : memref<1x128x64xf32, #tpu.memory_space<vmem>> -> memref<128x64xf32, #tpu.memory_space<vmem>>
      %dma_wait3A_176 = arith.constant 0 : i32
      %dma_wait3A_177 = tpu.memref_slice %arg6[%dma_wait3A_169, %dma_wait3A_176] : memref<40x128xi32, #tpu.memory_space<vmem>> -> memref<1x128xi32, #tpu.memory_space<vmem>>
      %dma_wait3A_178 = tpu.memref_squeeze %dma_wait3A_177 : memref<1x128xi32, #tpu.memory_space<vmem>> -> memref<128xi32, #tpu.memory_space<vmem>>
      %dma_wait3A_179 = arith.constant 0 : i32
      %dma_wait3A_180 = arith.constant 0 : i32
      %dma_wait3A_181 = tpu.memref_slice %arg10[%dma_wait3A_179, %dma_wait3A_180] : memref<10112x64xf32, #tpu.memory_space<vmem_shared>> -> memref<10112x64xf32, #tpu.memory_space<vmem_shared>>
      %dma_wait3A_182 = tpu.memref_slice %arg11[%dma_wait3A_171] : memref<2x!tpu.dma_semaphore, #tpu.memory_space<semaphore_mem>> -> memref<1x!tpu.dma_semaphore, #tpu.memory_space<semaphore_mem>>
      %dma_wait3A_183 = tpu.memref_squeeze %dma_wait3A_182 : memref<1x!tpu.dma_semaphore, #tpu.memory_space<semaphore_mem>> -> memref<!tpu.dma_semaphore, #tpu.memory_space<semaphore_mem>>
      tpu.wait_indirect_dma semaphore(%dma_wait3A_183 : memref<!tpu.dma_semaphore, #tpu.memory_space<semaphore_mem>>) src(%dma_wait3A_181 : memref<10112x64xf32, #tpu.memory_space<vmem_shared>>) dst(%dma_wait3A_175 : memref<128x64xf32, #tpu.memory_space<vmem>>)
      %add3A_184 = arith.constant 0 : i32
      %add3A_185 = arith.addi %mul3A_168, %add3A_184 : i32
      %dma_start3A_186 = arith.constant 0 : i32
      %dma_start3A_187 = arith.constant 0 : i32
      %dma_start3A_188 = arith.constant 0 : i32
      %dma_start3A_189 = arith.constant 0 : i32
      %dma_start3A_190 = tpu.memref_slice %arg8[%dma_start3A_186, %dma_start3A_188, %dma_start3A_189] : memref<2x128x64xf32, #tpu.memory_space<vmem>> -> memref<1x128x64xf32, #tpu.memory_space<vmem>>
      %dma_start3A_191 = tpu.memref_squeeze %dma_start3A_190 : memref<1x128x64xf32, #tpu.memory_space<vmem>> -> memref<128x64xf32, #tpu.memory_space<vmem>>
      %dma_start3A_192 = arith.constant 0 : i32
      %dma_start3A_193 = tpu.memref_slice %arg7[%add3A_185, %dma_start3A_192] : memref<40x128xi32, #tpu.memory_space<vmem>> -> memref<1x128xi32, #tpu.memory_space<vmem>>
      %dma_start3A_194 = tpu.memref_squeeze %dma_start3A_193 : memref<1x128xi32, #tpu.memory_space<vmem>> -> memref<128xi32, #tpu.memory_space<vmem>>
      %dma_start3A_195 = arith.constant 0 : i32
      %dma_start3A_196 = arith.constant 0 : i32
      %dma_start3A_197 = tpu.memref_slice %arg9[%dma_start3A_195, %dma_start3A_196] : memref<10112x64xf32, #tpu.memory_space<vmem_shared>> -> memref<10112x64xf32, #tpu.memory_space<vmem_shared>>
      %dma_start3A_198 = tpu.memref_slice %arg12[%dma_start3A_187] : memref<2x!tpu.dma_semaphore, #tpu.memory_space<semaphore_mem>> -> memref<1x!tpu.dma_semaphore, #tpu.memory_space<semaphore_mem>>
      %dma_start3A_199 = tpu.memref_squeeze %dma_start3A_198 : memref<1x!tpu.dma_semaphore, #tpu.memory_space<semaphore_mem>> -> memref<!tpu.dma_semaphore, #tpu.memory_space<semaphore_mem>>
      tpu.enqueue_indirect_dma source(%dma_start3A_191 : memref<128x64xf32, #tpu.memory_space<vmem>>) target(%dma_start3A_197 : memref<10112x64xf32, #tpu.memory_space<vmem_shared>>) offsets(%dma_start3A_194 : memref<128xi32, #tpu.memory_space<vmem>>) semaphore(%dma_start3A_199 : memref<!tpu.dma_semaphore, #tpu.memory_space<semaphore_mem>>) {add = true}
      %dma_wait3A_200 = arith.constant 0 : i32
      %dma_wait3A_201 = arith.constant 1 : i32
      %dma_wait3A_202 = arith.constant 1 : i32
      %dma_wait3A_203 = arith.constant 0 : i32
      %dma_wait3A_204 = arith.constant 0 : i32
      %dma_wait3A_205 = tpu.memref_slice %arg8[%dma_wait3A_201, %dma_wait3A_203, %dma_wait3A_204] : memref<2x128x64xf32, #tpu.memory_space<vmem>> -> memref<1x128x64xf32, #tpu.memory_space<vmem>>
      %dma_wait3A_206 = tpu.memref_squeeze %dma_wait3A_205 : memref<1x128x64xf32, #tpu.memory_space<vmem>> -> memref<128x64xf32, #tpu.memory_space<vmem>>
      %dma_wait3A_207 = arith.constant 0 : i32
      %dma_wait3A_208 = tpu.memref_slice %arg6[%dma_wait3A_200, %dma_wait3A_207] : memref<40x128xi32, #tpu.memory_space<vmem>> -> memref<1x128xi32, #tpu.memory_space<vmem>>
      %dma_wait3A_209 = tpu.memref_squeeze %dma_wait3A_208 : memref<1x128xi32, #tpu.memory_space<vmem>> -> memref<128xi32, #tpu.memory_space<vmem>>
      %dma_wait3A_210 = arith.constant 0 : i32
      %dma_wait3A_211 = arith.constant 0 : i32
      %dma_wait3A_212 = tpu.memref_slice %arg10[%dma_wait3A_210, %dma_wait3A_211] : memref<10112x64xf32, #tpu.memory_space<vmem_shared>> -> memref<10112x64xf32, #tpu.memory_space<vmem_shared>>
      %dma_wait3A_213 = tpu.memref_slice %arg11[%dma_wait3A_202] : memref<2x!tpu.dma_semaphore, #tpu.memory_space<semaphore_mem>> -> memref<1x!tpu.dma_semaphore, #tpu.memory_space<semaphore_mem>>
      %dma_wait3A_214 = tpu.memref_squeeze %dma_wait3A_213 : memref<1x!tpu.dma_semaphore, #tpu.memory_space<semaphore_mem>> -> memref<!tpu.dma_semaphore, #tpu.memory_space<semaphore_mem>>
      tpu.wait_indirect_dma semaphore(%dma_wait3A_214 : memref<!tpu.dma_semaphore, #tpu.memory_space<semaphore_mem>>) src(%dma_wait3A_212 : memref<10112x64xf32, #tpu.memory_space<vmem_shared>>) dst(%dma_wait3A_206 : memref<128x64xf32, #tpu.memory_space<vmem>>)
      %add3A_215 = arith.constant 1 : i32
      %add3A_216 = arith.addi %mul3A_168, %add3A_215 : i32
      %dma_start3A_217 = arith.constant 1 : i32
      %dma_start3A_218 = arith.constant 1 : i32
      %dma_start3A_219 = arith.constant 0 : i32
      %dma_start3A_220 = arith.constant 0 : i32
      %dma_start3A_221 = tpu.memref_slice %arg8[%dma_start3A_217, %dma_start3A_219, %dma_start3A_220] : memref<2x128x64xf32, #tpu.memory_space<vmem>> -> memref<1x128x64xf32, #tpu.memory_space<vmem>>
      %dma_start3A_222 = tpu.memref_squeeze %dma_start3A_221 : memref<1x128x64xf32, #tpu.memory_space<vmem>> -> memref<128x64xf32, #tpu.memory_space<vmem>>
      %dma_start3A_223 = arith.constant 0 : i32
      %dma_start3A_224 = tpu.memref_slice %arg7[%add3A_216, %dma_start3A_223] : memref<40x128xi32, #tpu.memory_space<vmem>> -> memref<1x128xi32, #tpu.memory_space<vmem>>
      %dma_start3A_225 = tpu.memref_squeeze %dma_start3A_224 : memref<1x128xi32, #tpu.memory_space<vmem>> -> memref<128xi32, #tpu.memory_space<vmem>>
      %dma_start3A_226 = arith.constant 0 : i32
      %dma_start3A_227 = arith.constant 0 : i32
      %dma_start3A_228 = tpu.memref_slice %arg9[%dma_start3A_226, %dma_start3A_227] : memref<10112x64xf32, #tpu.memory_space<vmem_shared>> -> memref<10112x64xf32, #tpu.memory_space<vmem_shared>>
      %dma_start3A_229 = tpu.memref_slice %arg12[%dma_start3A_218] : memref<2x!tpu.dma_semaphore, #tpu.memory_space<semaphore_mem>> -> memref<1x!tpu.dma_semaphore, #tpu.memory_space<semaphore_mem>>
      %dma_start3A_230 = tpu.memref_squeeze %dma_start3A_229 : memref<1x!tpu.dma_semaphore, #tpu.memory_space<semaphore_mem>> -> memref<!tpu.dma_semaphore, #tpu.memory_space<semaphore_mem>>
      tpu.enqueue_indirect_dma source(%dma_start3A_222 : memref<128x64xf32, #tpu.memory_space<vmem>>) target(%dma_start3A_228 : memref<10112x64xf32, #tpu.memory_space<vmem_shared>>) offsets(%dma_start3A_225 : memref<128xi32, #tpu.memory_space<vmem>>) semaphore(%dma_start3A_230 : memref<!tpu.dma_semaphore, #tpu.memory_space<semaphore_mem>>) {add = true}
      %add3A_231 = arith.constant 0 : i32
      %add3A_232 = arith.addi %mul3A_168, %add3A_231 : i32
      %add3A_233 = arith.constant 2 : i32
      %add3A_234 = arith.addi %add3A_232, %add3A_233 : i32
      %lt3A = arith.constant 40 : i32
      %lt3A_235 = arith.cmpi slt, %add3A_234, %lt3A : i32
      %convert_element_type3A = arith.extui %lt3A_235 : i1 to i32
      %cond3A = arith.constant 0 : i32
      %cond3A_236 = arith.cmpi ne, %convert_element_type3A, %cond3A : i32
      scf.if %cond3A_236 {
        %dma_wait3A_246 = arith.constant 0 : i32
        %dma_wait3A_247 = arith.constant 0 : i32
        %dma_wait3A_248 = arith.constant 0 : i32
        %dma_wait3A_249 = arith.constant 0 : i32
        %dma_wait3A_250 = arith.constant 0 : i32
        %dma_wait3A_251 = tpu.memref_slice %arg8[%dma_wait3A_246, %dma_wait3A_249, %dma_wait3A_250] : memref<2x128x64xf32, #tpu.memory_space<vmem>> -> memref<1x128x64xf32, #tpu.memory_space<vmem>>
        %dma_wait3A_252 = tpu.memref_squeeze %dma_wait3A_251 : memref<1x128x64xf32, #tpu.memory_space<vmem>> -> memref<128x64xf32, #tpu.memory_space<vmem>>
        %dma_wait3A_253 = arith.constant 0 : i32
        %dma_wait3A_254 = tpu.memref_slice %arg7[%dma_wait3A_247, %dma_wait3A_253] : memref<40x128xi32, #tpu.memory_space<vmem>> -> memref<1x128xi32, #tpu.memory_space<vmem>>
        %dma_wait3A_255 = tpu.memref_squeeze %dma_wait3A_254 : memref<1x128xi32, #tpu.memory_space<vmem>> -> memref<128xi32, #tpu.memory_space<vmem>>
        %dma_wait3A_256 = arith.constant 0 : i32
        %dma_wait3A_257 = arith.constant 0 : i32
        %dma_wait3A_258 = tpu.memref_slice %arg9[%dma_wait3A_256, %dma_wait3A_257] : memref<10112x64xf32, #tpu.memory_space<vmem_shared>> -> memref<10112x64xf32, #tpu.memory_space<vmem_shared>>
        %dma_wait3A_259 = tpu.memref_slice %arg12[%dma_wait3A_248] : memref<2x!tpu.dma_semaphore, #tpu.memory_space<semaphore_mem>> -> memref<1x!tpu.dma_semaphore, #tpu.memory_space<semaphore_mem>>
        %dma_wait3A_260 = tpu.memref_squeeze %dma_wait3A_259 : memref<1x!tpu.dma_semaphore, #tpu.memory_space<semaphore_mem>> -> memref<!tpu.dma_semaphore, #tpu.memory_space<semaphore_mem>>
        tpu.wait_indirect_dma semaphore(%dma_wait3A_260 : memref<!tpu.dma_semaphore, #tpu.memory_space<semaphore_mem>>) src(%dma_wait3A_252 : memref<128x64xf32, #tpu.memory_space<vmem>>) dst(%dma_wait3A_258 : memref<10112x64xf32, #tpu.memory_space<vmem_shared>>)
        %add3A_261 = arith.constant 0 : i32
        %add3A_262 = arith.addi %mul3A_168, %add3A_261 : i32
        %add3A_263 = arith.constant 2 : i32
        %add3A_264 = arith.addi %add3A_262, %add3A_263 : i32
        %dma_start3A_265 = arith.constant 0 : i32
        %dma_start3A_266 = arith.constant 0 : i32
        %dma_start3A_267 = arith.constant 0 : i32
        %dma_start3A_268 = arith.constant 0 : i32
        %dma_start3A_269 = tpu.memref_slice %arg8[%dma_start3A_265, %dma_start3A_267, %dma_start3A_268] : memref<2x128x64xf32, #tpu.memory_space<vmem>> -> memref<1x128x64xf32, #tpu.memory_space<vmem>>
        %dma_start3A_270 = tpu.memref_squeeze %dma_start3A_269 : memref<1x128x64xf32, #tpu.memory_space<vmem>> -> memref<128x64xf32, #tpu.memory_space<vmem>>
        %dma_start3A_271 = arith.constant 0 : i32
        %dma_start3A_272 = tpu.memref_slice %arg6[%add3A_264, %dma_start3A_271] : memref<40x128xi32, #tpu.memory_space<vmem>> -> memref<1x128xi32, #tpu.memory_space<vmem>>
        %dma_start3A_273 = tpu.memref_squeeze %dma_start3A_272 : memref<1x128xi32, #tpu.memory_space<vmem>> -> memref<128xi32, #tpu.memory_space<vmem>>
        %dma_start3A_274 = arith.constant 0 : i32
        %dma_start3A_275 = arith.constant 0 : i32
        %dma_start3A_276 = tpu.memref_slice %arg10[%dma_start3A_274, %dma_start3A_275] : memref<10112x64xf32, #tpu.memory_space<vmem_shared>> -> memref<10112x64xf32, #tpu.memory_space<vmem_shared>>
        %dma_start3A_277 = tpu.memref_slice %arg11[%dma_start3A_266] : memref<2x!tpu.dma_semaphore, #tpu.memory_space<semaphore_mem>> -> memref<1x!tpu.dma_semaphore, #tpu.memory_space<semaphore_mem>>
        %dma_start3A_278 = tpu.memref_squeeze %dma_start3A_277 : memref<1x!tpu.dma_semaphore, #tpu.memory_space<semaphore_mem>> -> memref<!tpu.dma_semaphore, #tpu.memory_space<semaphore_mem>>
        tpu.enqueue_indirect_dma source(%dma_start3A_276 : memref<10112x64xf32, #tpu.memory_space<vmem_shared>>) target(%dma_start3A_270 : memref<128x64xf32, #tpu.memory_space<vmem>>) offsets(%dma_start3A_273 : memref<128xi32, #tpu.memory_space<vmem>>) semaphore(%dma_start3A_278 : memref<!tpu.dma_semaphore, #tpu.memory_space<semaphore_mem>>)
      } else {
      }
      %add3A_237 = arith.constant 1 : i32
      %add3A_238 = arith.addi %mul3A_168, %add3A_237 : i32
      %add3A_239 = arith.constant 2 : i32
      %add3A_240 = arith.addi %add3A_238, %add3A_239 : i32
      %lt3A_241 = arith.constant 40 : i32
      %lt3A_242 = arith.cmpi slt, %add3A_240, %lt3A_241 : i32
      %convert_element_type3A_243 = arith.extui %lt3A_242 : i1 to i32
      %cond3A_244 = arith.constant 0 : i32
      %cond3A_245 = arith.cmpi ne, %convert_element_type3A_243, %cond3A_244 : i32
      scf.if %cond3A_245 {
        %dma_wait3A_246 = arith.constant 1 : i32
        %dma_wait3A_247 = arith.constant 0 : i32
        %dma_wait3A_248 = arith.constant 1 : i32
        %dma_wait3A_249 = arith.constant 0 : i32
        %dma_wait3A_250 = arith.constant 0 : i32
        %dma_wait3A_251 = tpu.memref_slice %arg8[%dma_wait3A_246, %dma_wait3A_249, %dma_wait3A_250] : memref<2x128x64xf32, #tpu.memory_space<vmem>> -> memref<1x128x64xf32, #tpu.memory_space<vmem>>
        %dma_wait3A_252 = tpu.memref_squeeze %dma_wait3A_251 : memref<1x128x64xf32, #tpu.memory_space<vmem>> -> memref<128x64xf32, #tpu.memory_space<vmem>>
        %dma_wait3A_253 = arith.constant 0 : i32
        %dma_wait3A_254 = tpu.memref_slice %arg7[%dma_wait3A_247, %dma_wait3A_253] : memref<40x128xi32, #tpu.memory_space<vmem>> -> memref<1x128xi32, #tpu.memory_space<vmem>>
        %dma_wait3A_255 = tpu.memref_squeeze %dma_wait3A_254 : memref<1x128xi32, #tpu.memory_space<vmem>> -> memref<128xi32, #tpu.memory_space<vmem>>
        %dma_wait3A_256 = arith.constant 0 : i32
        %dma_wait3A_257 = arith.constant 0 : i32
        %dma_wait3A_258 = tpu.memref_slice %arg9[%dma_wait3A_256, %dma_wait3A_257] : memref<10112x64xf32, #tpu.memory_space<vmem_shared>> -> memref<10112x64xf32, #tpu.memory_space<vmem_shared>>
        %dma_wait3A_259 = tpu.memref_slice %arg12[%dma_wait3A_248] : memref<2x!tpu.dma_semaphore, #tpu.memory_space<semaphore_mem>> -> memref<1x!tpu.dma_semaphore, #tpu.memory_space<semaphore_mem>>
        %dma_wait3A_260 = tpu.memref_squeeze %dma_wait3A_259 : memref<1x!tpu.dma_semaphore, #tpu.memory_space<semaphore_mem>> -> memref<!tpu.dma_semaphore, #tpu.memory_space<semaphore_mem>>
        tpu.wait_indirect_dma semaphore(%dma_wait3A_260 : memref<!tpu.dma_semaphore, #tpu.memory_space<semaphore_mem>>) src(%dma_wait3A_252 : memref<128x64xf32, #tpu.memory_space<vmem>>) dst(%dma_wait3A_258 : memref<10112x64xf32, #tpu.memory_space<vmem_shared>>)
        %add3A_261 = arith.constant 1 : i32
        %add3A_262 = arith.addi %mul3A_168, %add3A_261 : i32
        %add3A_263 = arith.constant 2 : i32
        %add3A_264 = arith.addi %add3A_262, %add3A_263 : i32
        %dma_start3A_265 = arith.constant 1 : i32
        %dma_start3A_266 = arith.constant 1 : i32
        %dma_start3A_267 = arith.constant 0 : i32
        %dma_start3A_268 = arith.constant 0 : i32
        %dma_start3A_269 = tpu.memref_slice %arg8[%dma_start3A_265, %dma_start3A_267, %dma_start3A_268] : memref<2x128x64xf32, #tpu.memory_space<vmem>> -> memref<1x128x64xf32, #tpu.memory_space<vmem>>
        %dma_start3A_270 = tpu.memref_squeeze %dma_start3A_269 : memref<1x128x64xf32, #tpu.memory_space<vmem>> -> memref<128x64xf32, #tpu.memory_space<vmem>>
        %dma_start3A_271 = arith.constant 0 : i32
        %dma_start3A_272 = tpu.memref_slice %arg6[%add3A_264, %dma_start3A_271] : memref<40x128xi32, #tpu.memory_space<vmem>> -> memref<1x128xi32, #tpu.memory_space<vmem>>
        %dma_start3A_273 = tpu.memref_squeeze %dma_start3A_272 : memref<1x128xi32, #tpu.memory_space<vmem>> -> memref<128xi32, #tpu.memory_space<vmem>>
        %dma_start3A_274 = arith.constant 0 : i32
        %dma_start3A_275 = arith.constant 0 : i32
        %dma_start3A_276 = tpu.memref_slice %arg10[%dma_start3A_274, %dma_start3A_275] : memref<10112x64xf32, #tpu.memory_space<vmem_shared>> -> memref<10112x64xf32, #tpu.memory_space<vmem_shared>>
        %dma_start3A_277 = tpu.memref_slice %arg11[%dma_start3A_266] : memref<2x!tpu.dma_semaphore, #tpu.memory_space<semaphore_mem>> -> memref<1x!tpu.dma_semaphore, #tpu.memory_space<semaphore_mem>>
        %dma_start3A_278 = tpu.memref_squeeze %dma_start3A_277 : memref<1x!tpu.dma_semaphore, #tpu.memory_space<semaphore_mem>> -> memref<!tpu.dma_semaphore, #tpu.memory_space<semaphore_mem>>
        tpu.enqueue_indirect_dma source(%dma_start3A_276 : memref<10112x64xf32, #tpu.memory_space<vmem_shared>>) target(%dma_start3A_270 : memref<128x64xf32, #tpu.memory_space<vmem>>) offsets(%dma_start3A_273 : memref<128xi32, #tpu.memory_space<vmem>>) semaphore(%dma_start3A_278 : memref<!tpu.dma_semaphore, #tpu.memory_space<semaphore_mem>>)
      } else {
      }
    }
    %scan3A_130 = arith.constant 20 : i32
    %dma_wait3A_131 = arith.constant 0 : i32
    %dma_wait3A_132 = arith.constant 0 : i32
    %dma_wait3A_133 = arith.constant 0 : i32
    %dma_wait3A_134 = arith.constant 0 : i32
    %dma_wait3A_135 = arith.constant 0 : i32
    %dma_wait3A_136 = tpu.memref_slice %arg8[%dma_wait3A_131, %dma_wait3A_134, %dma_wait3A_135] : memref<2x128x64xf32, #tpu.memory_space<vmem>> -> memref<1x128x64xf32, #tpu.memory_space<vmem>>
    %dma_wait3A_137 = tpu.memref_squeeze %dma_wait3A_136 : memref<1x128x64xf32, #tpu.memory_space<vmem>> -> memref<128x64xf32, #tpu.memory_space<vmem>>
    %dma_wait3A_138 = arith.constant 0 : i32
    %dma_wait3A_139 = tpu.memref_slice %arg7[%dma_wait3A_132, %dma_wait3A_138] : memref<40x128xi32, #tpu.memory_space<vmem>> -> memref<1x128xi32, #tpu.memory_space<vmem>>
    %dma_wait3A_140 = tpu.memref_squeeze %dma_wait3A_139 : memref<1x128xi32, #tpu.memory_space<vmem>> -> memref<128xi32, #tpu.memory_space<vmem>>
    %dma_wait3A_141 = arith.constant 0 : i32
    %dma_wait3A_142 = arith.constant 0 : i32
    %dma_wait3A_143 = tpu.memref_slice %arg9[%dma_wait3A_141, %dma_wait3A_142] : memref<10112x64xf32, #tpu.memory_space<vmem_shared>> -> memref<10112x64xf32, #tpu.memory_space<vmem_shared>>
    %dma_wait3A_144 = tpu.memref_slice %arg12[%dma_wait3A_133] : memref<2x!tpu.dma_semaphore, #tpu.memory_space<semaphore_mem>> -> memref<1x!tpu.dma_semaphore, #tpu.memory_space<semaphore_mem>>
    %dma_wait3A_145 = tpu.memref_squeeze %dma_wait3A_144 : memref<1x!tpu.dma_semaphore, #tpu.memory_space<semaphore_mem>> -> memref<!tpu.dma_semaphore, #tpu.memory_space<semaphore_mem>>
    tpu.wait_indirect_dma semaphore(%dma_wait3A_145 : memref<!tpu.dma_semaphore, #tpu.memory_space<semaphore_mem>>) src(%dma_wait3A_137 : memref<128x64xf32, #tpu.memory_space<vmem>>) dst(%dma_wait3A_143 : memref<10112x64xf32, #tpu.memory_space<vmem_shared>>)
    %dma_wait3A_146 = arith.constant 1 : i32
    %dma_wait3A_147 = arith.constant 0 : i32
    %dma_wait3A_148 = arith.constant 1 : i32
    %dma_wait3A_149 = arith.constant 0 : i32
    %dma_wait3A_150 = arith.constant 0 : i32
    %dma_wait3A_151 = tpu.memref_slice %arg8[%dma_wait3A_146, %dma_wait3A_149, %dma_wait3A_150] : memref<2x128x64xf32, #tpu.memory_space<vmem>> -> memref<1x128x64xf32, #tpu.memory_space<vmem>>
    %dma_wait3A_152 = tpu.memref_squeeze %dma_wait3A_151 : memref<1x128x64xf32, #tpu.memory_space<vmem>> -> memref<128x64xf32, #tpu.memory_space<vmem>>
    %dma_wait3A_153 = arith.constant 0 : i32
    %dma_wait3A_154 = tpu.memref_slice %arg7[%dma_wait3A_147, %dma_wait3A_153] : memref<40x128xi32, #tpu.memory_space<vmem>> -> memref<1x128xi32, #tpu.memory_space<vmem>>
    %dma_wait3A_155 = tpu.memref_squeeze %dma_wait3A_154 : memref<1x128xi32, #tpu.memory_space<vmem>> -> memref<128xi32, #tpu.memory_space<vmem>>
    %dma_wait3A_156 = arith.constant 0 : i32
    %dma_wait3A_157 = arith.constant 0 : i32
    %dma_wait3A_158 = tpu.memref_slice %arg9[%dma_wait3A_156, %dma_wait3A_157] : memref<10112x64xf32, #tpu.memory_space<vmem_shared>> -> memref<10112x64xf32, #tpu.memory_space<vmem_shared>>
    %dma_wait3A_159 = tpu.memref_slice %arg12[%dma_wait3A_148] : memref<2x!tpu.dma_semaphore, #tpu.memory_space<semaphore_mem>> -> memref<1x!tpu.dma_semaphore, #tpu.memory_space<semaphore_mem>>
    %dma_wait3A_160 = tpu.memref_squeeze %dma_wait3A_159 : memref<1x!tpu.dma_semaphore, #tpu.memory_space<semaphore_mem>> -> memref<!tpu.dma_semaphore, #tpu.memory_space<semaphore_mem>>
    tpu.wait_indirect_dma semaphore(%dma_wait3A_160 : memref<!tpu.dma_semaphore, #tpu.memory_space<semaphore_mem>>) src(%dma_wait3A_152 : memref<128x64xf32, #tpu.memory_space<vmem>>) dst(%dma_wait3A_158 : memref<10112x64xf32, #tpu.memory_space<vmem_shared>>)
    %barrier3A_161 = arith.constant 0 : index
    tpu.barrier barrier_id(%barrier3A_161)
    "tpu.region"() ({
      %run_scoped3A_162 = tpu.sem_alloc : memref<!tpu.dma_semaphore, #tpu.memory_space<semaphore_mem>>
      %dma_start3A_163 = arith.constant 0 : i32
      %dma_start3A_164 = tpu.memref_slice %arg5[%arg0, %mul3A_10, %dma_start3A_163] : memref<2x10112x64xf32, #tpu.memory_space<hbm>> -> memref<1x632x64xf32, #tpu.memory_space<hbm>>
      %dma_start3A_165 = tpu.memref_squeeze %dma_start3A_164 : memref<1x632x64xf32, #tpu.memory_space<hbm>> -> memref<632x64xf32, #tpu.memory_space<hbm>>
      %dma_start3A_166 = arith.constant 0 : i32
      %dma_start3A_167 = tpu.memref_slice %arg9[%mul3A_10, %dma_start3A_166] : memref<10112x64xf32, #tpu.memory_space<vmem_shared>> -> memref<632x64xf32, #tpu.memory_space<vmem_shared>>
      tpu.enqueue_dma source(%dma_start3A_167 : memref<632x64xf32, #tpu.memory_space<vmem_shared>>) target(%dma_start3A_165 : memref<632x64xf32, #tpu.memory_space<hbm>>) target_semaphore(%run_scoped3A_162 : memref<!tpu.dma_semaphore, #tpu.memory_space<semaphore_mem>>)
      %dma_wait3A_168 = arith.constant 0 : i32
      %dma_wait3A_169 = tpu.memref_slice %arg5[%arg0, %mul3A_10, %dma_wait3A_168] : memref<2x10112x64xf32, #tpu.memory_space<hbm>> -> memref<1x632x64xf32, #tpu.memory_space<hbm>>
      %dma_wait3A_170 = tpu.memref_squeeze %dma_wait3A_169 : memref<1x632x64xf32, #tpu.memory_space<hbm>> -> memref<632x64xf32, #tpu.memory_space<hbm>>
      %dma_wait3A_171 = arith.constant 0 : i32
      %dma_wait3A_172 = tpu.memref_slice %arg9[%mul3A_10, %dma_wait3A_171] : memref<10112x64xf32, #tpu.memory_space<vmem_shared>> -> memref<632x64xf32, #tpu.memory_space<vmem_shared>>
      tpu.wait_dma2 semaphore(%run_scoped3A_162 : memref<!tpu.dma_semaphore, #tpu.memory_space<semaphore_mem>>) src(%dma_wait3A_172 : memref<632x64xf32, #tpu.memory_space<vmem_shared>>) dst(%dma_wait3A_170 : memref<632x64xf32, #tpu.memory_space<hbm>>)
      tpu.yield
    }) : () -> ()
    return
  }
}

module attributes {stable_mosaic.version = 14 : i64} {
  func.func @_tc1_body(%arg0: i32, %arg1: memref<1xf32, #tpu.memory_space<smem>>, %arg2: memref<5000x128xf32, #tpu.memory_space<vmem>>, %arg3: memref<128x32xf32, #tpu.memory_space<vmem>>, %arg4: memref<1x32xf32, #tpu.memory_space<vmem>>, %arg5: memref<5000x32xf32, #tpu.memory_space<vmem>>, %arg6: memref<5000x64xf32, #tpu.memory_space<vmem>>) attributes {dimension_semantics = [#tpu.dimension_semantics<arbitrary>], iteration_bounds = array<i64: 2>, scalar_prefetch = 0 : i64, scratch_operands = 0 : i64, tpu.core_type = #tpu.core_type<tc>, window_params = [{transform_indices = @transform_0, window_bounds = array<i64: 1>}, {transform_indices = @transform_1, window_bounds = array<i64: 5000, 128>}, {pipeline_mode = #tpu.pipeline_mode<synchronous>, transform_indices = @transform_2, window_bounds = array<i64: 128, 32>}, {pipeline_mode = #tpu.pipeline_mode<synchronous>, transform_indices = @transform_3, window_bounds = array<i64: 1, 32>}, {transform_indices = @transform_4, window_bounds = array<i64: 5000, 32>}, {transform_indices = @transform_5, window_bounds = array<i64: 5000, 64>}]} {
    %get3A = arith.constant 0 : index
    %get3A_0 = arith.constant 0 : index
    %get3A_1 = vector.load %arg2[%get3A, %get3A_0] : memref<5000x128xf32, #tpu.memory_space<vmem>>, vector<5000x128xf32>
    %get3A_2 = arith.constant 0 : index
    %get3A_3 = arith.constant 0 : index
    %get3A_4 = vector.load %arg3[%get3A_2, %get3A_3] : memref<128x32xf32, #tpu.memory_space<vmem>>, vector<128x32xf32>
    %dot_general3A = arith.constant dense<0.000000e+00> : vector<5000x32xf32>
    %dot_general3A_5 = tpu.matmul %get3A_1, %get3A_4, %dot_general3A {dimension_numbers = #tpu.dot_dimension_numbers<[1], [0], [0], [1], [0, 0, 1, 1], [], []>, transpose_lhs_hint = false} : vector<5000x128xf32>, vector<128x32xf32>, vector<5000x32xf32> -> vector<5000x32xf32>
    %get3A_6 = arith.constant 0 : index
    %get3A_7 = arith.constant 0 : index
    %get3A_8 = vector.load %arg4[%get3A_6, %get3A_7] : memref<1x32xf32, #tpu.memory_space<vmem>>, vector<1x32xf32>
    %add3A = vector.broadcast %get3A_8 : vector<1x32xf32> to vector<5000x32xf32>
    %add3A_9 = arith.addf %dot_general3A_5, %add3A : vector<5000x32xf32>
    %swap3A = arith.constant 0 : index
    %swap3A_10 = arith.constant 0 : index
    %swap3A_11 = vector.load %arg5[%swap3A, %swap3A_10] : memref<5000x32xf32, #tpu.memory_space<vmem>>, vector<5000x32xf32>
    tpu.vector_store %arg5[%swap3A, %swap3A_10], %add3A_9 {strides = array<i32>} : memref<5000x32xf32, #tpu.memory_space<vmem>>, vector<5000x32xf32>,
    %get3A_12 = arith.constant 0 : index
    %get3A_13 = memref.load %arg1[%get3A_12] : memref<1xf32, #tpu.memory_space<smem>>
    %max3A = arith.constant 0.000000e+00 : f32
    %max3A_14 = vector.broadcast %max3A : f32 to vector<5000x32xf32>
    %max3A_15 = arith.maximumf %add3A_9, %max3A_14 : vector<5000x32xf32>
    %add3A_16 = arith.constant 1.000000e-07 : f32
    %add3A_17 = vector.broadcast %add3A_16 : f32 to vector<5000x32xf32>
    %add3A_18 = arith.addf %max3A_15, %add3A_17 : vector<5000x32xf32>
    %mul3A = vector.broadcast %get3A_13 : f32 to vector<5000x32xf32>
    %mul3A_19 = arith.mulf %add3A_18, %mul3A : vector<5000x32xf32>
    %exp3A = math.exp %mul3A_19 : vector<5000x32xf32>
    %mul3A_20 = arith.mulf %add3A_18, %exp3A : vector<5000x32xf32>
    %concatenate3A = tpu.concatenate %exp3A, %mul3A_20 in 1 : vector<5000x32xf32>, vector<5000x32xf32> -> vector<5000x64xf32>
    %swap3A_21 = arith.constant 0 : index
    %swap3A_22 = arith.constant 0 : index
    %swap3A_23 = vector.load %arg6[%swap3A_21, %swap3A_22] : memref<5000x64xf32, #tpu.memory_space<vmem>>, vector<5000x64xf32>
    tpu.vector_store %arg6[%swap3A_21, %swap3A_22], %concatenate3A {strides = array<i32>} : memref<5000x64xf32, #tpu.memory_space<vmem>>, vector<5000x64xf32>,
    return
  }
  func.func @transform_0(%arg0: i32) -> i32 {
    %c0_i32 = arith.constant 0 : i32
    %c0_i32_0 = arith.constant 0 : i32
    return %c0_i32 : i32
  }
  func.func @transform_1(%arg0: i32) -> (i32, i32) {
    %c0_i32 = arith.constant 0 : i32
    %c0_i32_0 = arith.constant 0 : i32
    return %arg0, %c0_i32 : i32, i32
  }
  func.func @transform_2(%arg0: i32) -> (i32, i32) {
    %c0_i32 = arith.constant 0 : i32
    %c0_i32_0 = arith.constant 0 : i32
    %c0_i32_1 = arith.constant 0 : i32
    return %c0_i32, %c0_i32_0 : i32, i32
  }
  func.func @transform_3(%arg0: i32) -> (i32, i32) {
    %c0_i32 = arith.constant 0 : i32
    %c0_i32_0 = arith.constant 0 : i32
    %c0_i32_1 = arith.constant 0 : i32
    return %c0_i32, %c0_i32_0 : i32, i32
  }
  func.func @transform_4(%arg0: i32) -> (i32, i32) {
    %c0_i32 = arith.constant 0 : i32
    %c0_i32_0 = arith.constant 0 : i32
    return %arg0, %c0_i32 : i32, i32
  }
  func.func @transform_5(%arg0: i32) -> (i32, i32) {
    %c0_i32 = arith.constant 0 : i32
    %c0_i32_0 = arith.constant 0 : i32
    return %arg0, %c0_i32 : i32, i32
  }
}

module attributes {stable_mosaic.version = 14 : i64} {
  func.func @_tc2_body(%arg0: i32, %arg1: memref<1xf32, #tpu.memory_space<smem>>, %arg2: memref<5000x32xf32, #tpu.memory_space<vmem>>, %arg3: memref<1x5000x64xf32, #tpu.memory_space<vmem>>, %arg4: memref<1x5000x64xf32, #tpu.memory_space<vmem>>, %arg5: memref<32x64xf32, #tpu.memory_space<vmem>>, %arg6: memref<1x64xf32, #tpu.memory_space<vmem>>, %arg7: memref<1x64xf32, #tpu.memory_space<vmem>>, %arg8: memref<1x64xf32, #tpu.memory_space<vmem>>, %arg9: memref<64x32xf32, #tpu.memory_space<vmem>>, %arg10: memref<1x32xf32, #tpu.memory_space<vmem>>, %arg11: memref<1x32xf32, #tpu.memory_space<vmem>>, %arg12: memref<1x32xf32, #tpu.memory_space<vmem>>, %arg13: memref<5000x32xf32, #tpu.memory_space<vmem>>, %arg14: memref<5000x32xf32, #tpu.memory_space<vmem>>, %arg15: memref<5000x64xf32, #tpu.memory_space<vmem>>) attributes {dimension_semantics = [#tpu.dimension_semantics<arbitrary>], iteration_bounds = array<i64: 2>, scalar_prefetch = 0 : i64, scratch_operands = 0 : i64, tpu.core_type = #tpu.core_type<tc>, window_params = [{transform_indices = @transform_0, window_bounds = array<i64: 1>}, {transform_indices = @transform_1, window_bounds = array<i64: 5000, 32>}, {transform_indices = @transform_2, window_bounds = array<i64: 1, 5000, 64>}, {transform_indices = @transform_3, window_bounds = array<i64: 1, 5000, 64>}, {pipeline_mode = #tpu.pipeline_mode<synchronous>, transform_indices = @transform_4, window_bounds = array<i64: 32, 64>}, {pipeline_mode = #tpu.pipeline_mode<synchronous>, transform_indices = @transform_5, window_bounds = array<i64: 1, 64>}, {pipeline_mode = #tpu.pipeline_mode<synchronous>, transform_indices = @transform_6, window_bounds = array<i64: 1, 64>}, {pipeline_mode = #tpu.pipeline_mode<synchronous>, transform_indices = @transform_7, window_bounds = array<i64: 1, 64>}, {pipeline_mode = #tpu.pipeline_mode<synchronous>, transform_indices = @transform_8, window_bounds = array<i64: 64, 32>}, {pipeline_mode = #tpu.pipeline_mode<synchronous>, transform_indices = @transform_9, window_bounds = array<i64: 1, 32>}, {pipeline_mode = #tpu.pipeline_mode<synchronous>, transform_indices = @transform_10, window_bounds = array<i64: 1, 32>}, {pipeline_mode = #tpu.pipeline_mode<synchronous>, transform_indices = @transform_11, window_bounds = array<i64: 1, 32>}, {transform_indices = @transform_12, window_bounds = array<i64: 5000, 32>}, {transform_indices = @transform_13, window_bounds = array<i64: 5000, 32>}, {transform_indices = @transform_14, window_bounds = array<i64: 5000, 64>}]} {
    %get3A = arith.constant 0 : index
    %get3A_0 = arith.constant 0 : index
    %get3A_1 = arith.constant 0 : index
    %get3A_2 = vector.load %arg3[%get3A, %get3A_0, %get3A_1] : memref<1x5000x64xf32, #tpu.memory_space<vmem>>, vector<1x5000x64xf32>
    %get3A_3 = vector.shape_cast %get3A_2 : vector<1x5000x64xf32> to vector<5000x64xf32>
    %get3A_4 = arith.constant 0 : index
    %get3A_5 = arith.constant 0 : index
    %get3A_6 = arith.constant 0 : index
    %get3A_7 = vector.load %arg4[%get3A_4, %get3A_5, %get3A_6] : memref<1x5000x64xf32, #tpu.memory_space<vmem>>, vector<1x5000x64xf32>
    %get3A_8 = vector.shape_cast %get3A_7 : vector<1x5000x64xf32> to vector<5000x64xf32>
    %get3A_9 = arith.constant 0 : index
    %get3A_10 = arith.constant 0 : index
    %get3A_11 = vector.load %arg2[%get3A_9, %get3A_10] : memref<5000x32xf32, #tpu.memory_space<vmem>>, vector<5000x32xf32>
    %add3A = arith.addf %get3A_3, %get3A_8 : vector<5000x64xf32>
    %slice3A = vector.extract_strided_slice %add3A {offsets = [0, 0], sizes = [5000, 32], strides = [1, 1]} : vector<5000x64xf32> to vector<5000x32xf32>
    %slice3A_12 = vector.extract_strided_slice %add3A {offsets = [0, 32], sizes = [5000, 32], strides = [1, 1]} : vector<5000x64xf32> to vector<5000x32xf32>
    %add3A_13 = arith.constant 1.000000e-16 : f32
    %add3A_14 = vector.broadcast %add3A_13 : f32 to vector<5000x32xf32>
    %add3A_15 = arith.addf %slice3A, %add3A_14 : vector<5000x32xf32>
    %div3A = arith.divf %slice3A_12, %add3A_15 : vector<5000x32xf32>
    %add3A_16 = arith.addf %get3A_11, %div3A : vector<5000x32xf32>
    %get3A_17 = arith.constant 0 : index
    %get3A_18 = arith.constant 0 : index
    %get3A_19 = vector.load %arg5[%get3A_17, %get3A_18] : memref<32x64xf32, #tpu.memory_space<vmem>>, vector<32x64xf32>
    %dot_general3A = arith.constant dense<0.000000e+00> : vector<5000x64xf32>
    %dot_general3A_20 = tpu.matmul %add3A_16, %get3A_19, %dot_general3A {dimension_numbers = #tpu.dot_dimension_numbers<[1], [0], [0], [1], [0, 0, 1, 1], [], []>, transpose_lhs_hint = false} : vector<5000x32xf32>, vector<32x64xf32>, vector<5000x64xf32> -> vector<5000x64xf32>
    %get3A_21 = arith.constant 0 : index
    %get3A_22 = arith.constant 0 : index
    %get3A_23 = vector.load %arg6[%get3A_21, %get3A_22] : memref<1x64xf32, #tpu.memory_space<vmem>>, vector<1x64xf32>
    %add3A_24 = vector.broadcast %get3A_23 : vector<1x64xf32> to vector<5000x64xf32>
    %add3A_25 = arith.addf %dot_general3A_20, %add3A_24 : vector<5000x64xf32>
    %get3A_26 = arith.constant 0 : index
    %get3A_27 = arith.constant 0 : index
    %get3A_28 = vector.load %arg7[%get3A_26, %get3A_27] : memref<1x64xf32, #tpu.memory_space<vmem>>, vector<1x64xf32>
    %get3A_29 = arith.constant 0 : index
    %get3A_30 = arith.constant 0 : index
    %get3A_31 = vector.load %arg8[%get3A_29, %get3A_30] : memref<1x64xf32, #tpu.memory_space<vmem>>, vector<1x64xf32>
    %reduce_sum3A = arith.constant dense<0.000000e+00> : vector<5000xf32>
    %reduce_sum3A_32 = vector.multi_reduction <add>, %add3A_25, %reduce_sum3A [1] : vector<5000x64xf32> to vector<5000xf32>
    %broadcast_in_dim3A = vector.shape_cast %reduce_sum3A_32 : vector<5000xf32> to vector<5000x1xf32>
    %div3A_33 = arith.constant 6.400000e+01 : f32
    %div3A_34 = vector.broadcast %div3A_33 : f32 to vector<5000x1xf32>
    %div3A_35 = arith.divf %broadcast_in_dim3A, %div3A_34 : vector<5000x1xf32>
    %sub3A = vector.broadcast %div3A_35 : vector<5000x1xf32> to vector<5000x64xf32>
    %sub3A_36 = arith.subf %add3A_25, %sub3A : vector<5000x64xf32>
    %integer_pow3A = arith.mulf %sub3A_36, %sub3A_36 : vector<5000x64xf32>
    %reduce_sum3A_37 = arith.constant dense<0.000000e+00> : vector<5000xf32>
    %reduce_sum3A_38 = vector.multi_reduction <add>, %integer_pow3A, %reduce_sum3A_37 [1] : vector<5000x64xf32> to vector<5000xf32>
    %broadcast_in_dim3A_39 = vector.shape_cast %reduce_sum3A_38 : vector<5000xf32> to vector<5000x1xf32>
    %div3A_40 = arith.constant 6.400000e+01 : f32
    %div3A_41 = vector.broadcast %div3A_40 : f32 to vector<5000x1xf32>
    %div3A_42 = arith.divf %broadcast_in_dim3A_39, %div3A_41 : vector<5000x1xf32>
    %sub3A_43 = vector.broadcast %div3A_35 : vector<5000x1xf32> to vector<5000x64xf32>
    %sub3A_44 = arith.subf %add3A_25, %sub3A_43 : vector<5000x64xf32>
    %add3A_45 = arith.constant 9.99999974E-6 : f32
    %add3A_46 = vector.broadcast %add3A_45 : f32 to vector<5000x1xf32>
    %add3A_47 = arith.addf %div3A_42, %add3A_46 : vector<5000x1xf32>
    %sqrt3A = math.sqrt %add3A_47 : vector<5000x1xf32>
    %div3A_48 = vector.broadcast %sqrt3A : vector<5000x1xf32> to vector<5000x64xf32>
    %div3A_49 = arith.divf %sub3A_44, %div3A_48 : vector<5000x64xf32>
    %mul3A = vector.broadcast %get3A_28 : vector<1x64xf32> to vector<5000x64xf32>
    %mul3A_50 = arith.mulf %div3A_49, %mul3A : vector<5000x64xf32>
    %add3A_51 = vector.broadcast %get3A_31 : vector<1x64xf32> to vector<5000x64xf32>
    %add3A_52 = arith.addf %mul3A_50, %add3A_51 : vector<5000x64xf32>
    %max3A = arith.constant 0.000000e+00 : f32
    %max3A_53 = vector.broadcast %max3A : f32 to vector<5000x64xf32>
    %max3A_54 = arith.maximumf %add3A_52, %max3A_53 : vector<5000x64xf32>
    %get3A_55 = arith.constant 0 : index
    %get3A_56 = arith.constant 0 : index
    %get3A_57 = vector.load %arg9[%get3A_55, %get3A_56] : memref<64x32xf32, #tpu.memory_space<vmem>>, vector<64x32xf32>
    %dot_general3A_58 = arith.constant dense<0.000000e+00> : vector<5000x32xf32>
    %dot_general3A_59 = tpu.matmul %max3A_54, %get3A_57, %dot_general3A_58 {dimension_numbers = #tpu.dot_dimension_numbers<[1], [0], [0], [1], [0, 0, 1, 1], [], []>, transpose_lhs_hint = false} : vector<5000x64xf32>, vector<64x32xf32>, vector<5000x32xf32> -> vector<5000x32xf32>
    %get3A_60 = arith.constant 0 : index
    %get3A_61 = arith.constant 0 : index
    %get3A_62 = vector.load %arg10[%get3A_60, %get3A_61] : memref<1x32xf32, #tpu.memory_space<vmem>>, vector<1x32xf32>
    %add3A_63 = vector.broadcast %get3A_62 : vector<1x32xf32> to vector<5000x32xf32>
    %add3A_64 = arith.addf %dot_general3A_59, %add3A_63 : vector<5000x32xf32>
    %swap3A = arith.constant 0 : index
    %swap3A_65 = arith.constant 0 : index
    %swap3A_66 = vector.load %arg13[%swap3A, %swap3A_65] : memref<5000x32xf32, #tpu.memory_space<vmem>>, vector<5000x32xf32>
    tpu.vector_store %arg13[%swap3A, %swap3A_65], %add3A_64 {strides = array<i32>} : memref<5000x32xf32, #tpu.memory_space<vmem>>, vector<5000x32xf32>,
    %get3A_67 = arith.constant 0 : index
    %get3A_68 = arith.constant 0 : index
    %get3A_69 = vector.load %arg11[%get3A_67, %get3A_68] : memref<1x32xf32, #tpu.memory_space<vmem>>, vector<1x32xf32>
    %get3A_70 = arith.constant 0 : index
    %get3A_71 = arith.constant 0 : index
    %get3A_72 = vector.load %arg12[%get3A_70, %get3A_71] : memref<1x32xf32, #tpu.memory_space<vmem>>, vector<1x32xf32>
    %reduce_sum3A_73 = arith.constant dense<0.000000e+00> : vector<5000xf32>
    %reduce_sum3A_74 = vector.multi_reduction <add>, %add3A_64, %reduce_sum3A_73 [1] : vector<5000x32xf32> to vector<5000xf32>
    %broadcast_in_dim3A_75 = vector.shape_cast %reduce_sum3A_74 : vector<5000xf32> to vector<5000x1xf32>
    %div3A_76 = arith.constant 3.200000e+01 : f32
    %div3A_77 = vector.broadcast %div3A_76 : f32 to vector<5000x1xf32>
    %div3A_78 = arith.divf %broadcast_in_dim3A_75, %div3A_77 : vector<5000x1xf32>
    %sub3A_79 = vector.broadcast %div3A_78 : vector<5000x1xf32> to vector<5000x32xf32>
    %sub3A_80 = arith.subf %add3A_64, %sub3A_79 : vector<5000x32xf32>
    %integer_pow3A_81 = arith.mulf %sub3A_80, %sub3A_80 : vector<5000x32xf32>
    %reduce_sum3A_82 = arith.constant dense<0.000000e+00> : vector<5000xf32>
    %reduce_sum3A_83 = vector.multi_reduction <add>, %integer_pow3A_81, %reduce_sum3A_82 [1] : vector<5000x32xf32> to vector<5000xf32>
    %broadcast_in_dim3A_84 = vector.shape_cast %reduce_sum3A_83 : vector<5000xf32> to vector<5000x1xf32>
    %div3A_85 = arith.constant 3.200000e+01 : f32
    %div3A_86 = vector.broadcast %div3A_85 : f32 to vector<5000x1xf32>
    %div3A_87 = arith.divf %broadcast_in_dim3A_84, %div3A_86 : vector<5000x1xf32>
    %sub3A_88 = vector.broadcast %div3A_78 : vector<5000x1xf32> to vector<5000x32xf32>
    %sub3A_89 = arith.subf %add3A_64, %sub3A_88 : vector<5000x32xf32>
    %add3A_90 = arith.constant 9.99999974E-6 : f32
    %add3A_91 = vector.broadcast %add3A_90 : f32 to vector<5000x1xf32>
    %add3A_92 = arith.addf %div3A_87, %add3A_91 : vector<5000x1xf32>
    %sqrt3A_93 = math.sqrt %add3A_92 : vector<5000x1xf32>
    %div3A_94 = vector.broadcast %sqrt3A_93 : vector<5000x1xf32> to vector<5000x32xf32>
    %div3A_95 = arith.divf %sub3A_89, %div3A_94 : vector<5000x32xf32>
    %mul3A_96 = vector.broadcast %get3A_69 : vector<1x32xf32> to vector<5000x32xf32>
    %mul3A_97 = arith.mulf %div3A_95, %mul3A_96 : vector<5000x32xf32>
    %add3A_98 = vector.broadcast %get3A_72 : vector<1x32xf32> to vector<5000x32xf32>
    %add3A_99 = arith.addf %mul3A_97, %add3A_98 : vector<5000x32xf32>
    %max3A_100 = arith.constant 0.000000e+00 : f32
    %max3A_101 = vector.broadcast %max3A_100 : f32 to vector<5000x32xf32>
    %max3A_102 = arith.maximumf %add3A_99, %max3A_101 : vector<5000x32xf32>
    %swap3A_103 = arith.constant 0 : index
    %swap3A_104 = arith.constant 0 : index
    %swap3A_105 = vector.load %arg14[%swap3A_103, %swap3A_104] : memref<5000x32xf32, #tpu.memory_space<vmem>>, vector<5000x32xf32>
    tpu.vector_store %arg14[%swap3A_103, %swap3A_104], %max3A_102 {strides = array<i32>} : memref<5000x32xf32, #tpu.memory_space<vmem>>, vector<5000x32xf32>,
    %get3A_106 = arith.constant 0 : index
    %get3A_107 = memref.load %arg1[%get3A_106] : memref<1xf32, #tpu.memory_space<smem>>
    %max3A_108 = arith.constant 0.000000e+00 : f32
    %max3A_109 = vector.broadcast %max3A_108 : f32 to vector<5000x32xf32>
    %max3A_110 = arith.maximumf %max3A_102, %max3A_109 : vector<5000x32xf32>
    %add3A_111 = arith.constant 1.000000e-07 : f32
    %add3A_112 = vector.broadcast %add3A_111 : f32 to vector<5000x32xf32>
    %add3A_113 = arith.addf %max3A_110, %add3A_112 : vector<5000x32xf32>
    %mul3A_114 = vector.broadcast %get3A_107 : f32 to vector<5000x32xf32>
    %mul3A_115 = arith.mulf %add3A_113, %mul3A_114 : vector<5000x32xf32>
    %exp3A = math.exp %mul3A_115 : vector<5000x32xf32>
    %mul3A_116 = arith.mulf %add3A_113, %exp3A : vector<5000x32xf32>
    %concatenate3A = tpu.concatenate %exp3A, %mul3A_116 in 1 : vector<5000x32xf32>, vector<5000x32xf32> -> vector<5000x64xf32>
    %swap3A_117 = arith.constant 0 : index
    %swap3A_118 = arith.constant 0 : index
    %swap3A_119 = vector.load %arg15[%swap3A_117, %swap3A_118] : memref<5000x64xf32, #tpu.memory_space<vmem>>, vector<5000x64xf32>
    tpu.vector_store %arg15[%swap3A_117, %swap3A_118], %concatenate3A {strides = array<i32>} : memref<5000x64xf32, #tpu.memory_space<vmem>>, vector<5000x64xf32>,
    return
  }
  func.func @transform_0(%arg0: i32) -> i32 {
    %c0_i32 = arith.constant 0 : i32
    %c0_i32_0 = arith.constant 0 : i32
    return %c0_i32 : i32
  }
  func.func @transform_1(%arg0: i32) -> (i32, i32) {
    %c0_i32 = arith.constant 0 : i32
    %c0_i32_0 = arith.constant 0 : i32
    return %arg0, %c0_i32 : i32, i32
  }
  func.func @transform_2(%arg0: i32) -> (i32, i32, i32) {
    %c0_i32 = arith.constant 0 : i32
    %c0_i32_0 = arith.constant 0 : i32
    %c0_i32_1 = arith.constant 0 : i32
    return %c0_i32, %arg0, %c0_i32_0 : i32, i32, i32
  }
  func.func @transform_3(%arg0: i32) -> (i32, i32, i32) {
    %c1_i32 = arith.constant 1 : i32
    %c0_i32 = arith.constant 0 : i32
    %c0_i32_0 = arith.constant 0 : i32
    return %c1_i32, %arg0, %c0_i32 : i32, i32, i32
  }
  func.func @transform_4(%arg0: i32) -> (i32, i32) {
    %c0_i32 = arith.constant 0 : i32
    %c0_i32_0 = arith.constant 0 : i32
    %c0_i32_1 = arith.constant 0 : i32
    return %c0_i32, %c0_i32_0 : i32, i32
  }
  func.func @transform_5(%arg0: i32) -> (i32, i32) {
    %c0_i32 = arith.constant 0 : i32
    %c0_i32_0 = arith.constant 0 : i32
    %c0_i32_1 = arith.constant 0 : i32
    return %c0_i32, %c0_i32_0 : i32, i32
  }
  func.func @transform_6(%arg0: i32) -> (i32, i32) {
    %c0_i32 = arith.constant 0 : i32
    %c0_i32_0 = arith.constant 0 : i32
    %c0_i32_1 = arith.constant 0 : i32
    return %c0_i32, %c0_i32_0 : i32, i32
  }
  func.func @transform_7(%arg0: i32) -> (i32, i32) {
    %c0_i32 = arith.constant 0 : i32
    %c0_i32_0 = arith.constant 0 : i32
    %c0_i32_1 = arith.constant 0 : i32
    return %c0_i32, %c0_i32_0 : i32, i32
  }
  func.func @transform_8(%arg0: i32) -> (i32, i32) {
    %c0_i32 = arith.constant 0 : i32
    %c0_i32_0 = arith.constant 0 : i32
    %c0_i32_1 = arith.constant 0 : i32
    return %c0_i32, %c0_i32_0 : i32, i32
  }
  func.func @transform_9(%arg0: i32) -> (i32, i32) {
    %c0_i32 = arith.constant 0 : i32
    %c0_i32_0 = arith.constant 0 : i32
    %c0_i32_1 = arith.constant 0 : i32
    return %c0_i32, %c0_i32_0 : i32, i32
  }
  func.func @transform_10(%arg0: i32) -> (i32, i32) {
    %c0_i32 = arith.constant 0 : i32
    %c0_i32_0 = arith.constant 0 : i32
    %c0_i32_1 = arith.constant 0 : i32
    return %c0_i32, %c0_i32_0 : i32, i32
  }
  func.func @transform_11(%arg0: i32) -> (i32, i32) {
    %c0_i32 = arith.constant 0 : i32
    %c0_i32_0 = arith.constant 0 : i32
    %c0_i32_1 = arith.constant 0 : i32
    return %c0_i32, %c0_i32_0 : i32, i32
  }
  func.func @transform_12(%arg0: i32) -> (i32, i32) {
    %c0_i32 = arith.constant 0 : i32
    %c0_i32_0 = arith.constant 0 : i32
    return %arg0, %c0_i32 : i32, i32
  }
  func.func @transform_13(%arg0: i32) -> (i32, i32) {
    %c0_i32 = arith.constant 0 : i32
    %c0_i32_0 = arith.constant 0 : i32
    return %arg0, %c0_i32 : i32, i32
  }
  func.func @transform_14(%arg0: i32) -> (i32, i32) {
    %c0_i32 = arith.constant 0 : i32
    %c0_i32_0 = arith.constant 0 : i32
    return %arg0, %c0_i32 : i32, i32
  }
}

module attributes {stable_mosaic.version = 14 : i64} {
  func.func @_tc3_body(%arg0: i32, %arg1: memref<5000x32xf32, #tpu.memory_space<vmem>>, %arg2: memref<5000x32xf32, #tpu.memory_space<vmem>>, %arg3: memref<1x5000x64xf32, #tpu.memory_space<vmem>>, %arg4: memref<1x5000x64xf32, #tpu.memory_space<vmem>>, %arg5: memref<32x64xf32, #tpu.memory_space<vmem>>, %arg6: memref<1x64xf32, #tpu.memory_space<vmem>>, %arg7: memref<1x64xf32, #tpu.memory_space<vmem>>, %arg8: memref<1x64xf32, #tpu.memory_space<vmem>>, %arg9: memref<64x32xf32, #tpu.memory_space<vmem>>, %arg10: memref<1x32xf32, #tpu.memory_space<vmem>>, %arg11: memref<1x32xf32, #tpu.memory_space<vmem>>, %arg12: memref<1x32xf32, #tpu.memory_space<vmem>>, %arg13: memref<32x128xf32, #tpu.memory_space<vmem>>, %arg14: memref<1x128xf32, #tpu.memory_space<vmem>>, %arg15: memref<5000x128xf32, #tpu.memory_space<vmem>>) attributes {dimension_semantics = [#tpu.dimension_semantics<arbitrary>], iteration_bounds = array<i64: 2>, scalar_prefetch = 0 : i64, scratch_operands = 0 : i64, tpu.core_type = #tpu.core_type<tc>, window_params = [{transform_indices = @transform_0, window_bounds = array<i64: 5000, 32>}, {transform_indices = @transform_1, window_bounds = array<i64: 5000, 32>}, {transform_indices = @transform_2, window_bounds = array<i64: 1, 5000, 64>}, {transform_indices = @transform_3, window_bounds = array<i64: 1, 5000, 64>}, {pipeline_mode = #tpu.pipeline_mode<synchronous>, transform_indices = @transform_4, window_bounds = array<i64: 32, 64>}, {pipeline_mode = #tpu.pipeline_mode<synchronous>, transform_indices = @transform_5, window_bounds = array<i64: 1, 64>}, {pipeline_mode = #tpu.pipeline_mode<synchronous>, transform_indices = @transform_6, window_bounds = array<i64: 1, 64>}, {pipeline_mode = #tpu.pipeline_mode<synchronous>, transform_indices = @transform_7, window_bounds = array<i64: 1, 64>}, {pipeline_mode = #tpu.pipeline_mode<synchronous>, transform_indices = @transform_8, window_bounds = array<i64: 64, 32>}, {pipeline_mode = #tpu.pipeline_mode<synchronous>, transform_indices = @transform_9, window_bounds = array<i64: 1, 32>}, {pipeline_mode = #tpu.pipeline_mode<synchronous>, transform_indices = @transform_10, window_bounds = array<i64: 1, 32>}, {pipeline_mode = #tpu.pipeline_mode<synchronous>, transform_indices = @transform_11, window_bounds = array<i64: 1, 32>}, {pipeline_mode = #tpu.pipeline_mode<synchronous>, transform_indices = @transform_12, window_bounds = array<i64: 32, 128>}, {pipeline_mode = #tpu.pipeline_mode<synchronous>, transform_indices = @transform_13, window_bounds = array<i64: 1, 128>}, {transform_indices = @transform_14, window_bounds = array<i64: 5000, 128>}]} {
    %get3A = arith.constant 0 : index
    %get3A_0 = arith.constant 0 : index
    %get3A_1 = arith.constant 0 : index
    %get3A_2 = vector.load %arg3[%get3A, %get3A_0, %get3A_1] : memref<1x5000x64xf32, #tpu.memory_space<vmem>>, vector<1x5000x64xf32>
    %get3A_3 = vector.shape_cast %get3A_2 : vector<1x5000x64xf32> to vector<5000x64xf32>
    %get3A_4 = arith.constant 0 : index
    %get3A_5 = arith.constant 0 : index
    %get3A_6 = arith.constant 0 : index
    %get3A_7 = vector.load %arg4[%get3A_4, %get3A_5, %get3A_6] : memref<1x5000x64xf32, #tpu.memory_space<vmem>>, vector<1x5000x64xf32>
    %get3A_8 = vector.shape_cast %get3A_7 : vector<1x5000x64xf32> to vector<5000x64xf32>
    %get3A_9 = arith.constant 0 : index
    %get3A_10 = arith.constant 0 : index
    %get3A_11 = vector.load %arg2[%get3A_9, %get3A_10] : memref<5000x32xf32, #tpu.memory_space<vmem>>, vector<5000x32xf32>
    %add3A = arith.addf %get3A_3, %get3A_8 : vector<5000x64xf32>
    %slice3A = vector.extract_strided_slice %add3A {offsets = [0, 0], sizes = [5000, 32], strides = [1, 1]} : vector<5000x64xf32> to vector<5000x32xf32>
    %slice3A_12 = vector.extract_strided_slice %add3A {offsets = [0, 32], sizes = [5000, 32], strides = [1, 1]} : vector<5000x64xf32> to vector<5000x32xf32>
    %add3A_13 = arith.constant 1.000000e-16 : f32
    %add3A_14 = vector.broadcast %add3A_13 : f32 to vector<5000x32xf32>
    %add3A_15 = arith.addf %slice3A, %add3A_14 : vector<5000x32xf32>
    %div3A = arith.divf %slice3A_12, %add3A_15 : vector<5000x32xf32>
    %add3A_16 = arith.addf %get3A_11, %div3A : vector<5000x32xf32>
    %get3A_17 = arith.constant 0 : index
    %get3A_18 = arith.constant 0 : index
    %get3A_19 = vector.load %arg5[%get3A_17, %get3A_18] : memref<32x64xf32, #tpu.memory_space<vmem>>, vector<32x64xf32>
    %dot_general3A = arith.constant dense<0.000000e+00> : vector<5000x64xf32>
    %dot_general3A_20 = tpu.matmul %add3A_16, %get3A_19, %dot_general3A {dimension_numbers = #tpu.dot_dimension_numbers<[1], [0], [0], [1], [0, 0, 1, 1], [], []>, transpose_lhs_hint = false} : vector<5000x32xf32>, vector<32x64xf32>, vector<5000x64xf32> -> vector<5000x64xf32>
    %get3A_21 = arith.constant 0 : index
    %get3A_22 = arith.constant 0 : index
    %get3A_23 = vector.load %arg6[%get3A_21, %get3A_22] : memref<1x64xf32, #tpu.memory_space<vmem>>, vector<1x64xf32>
    %add3A_24 = vector.broadcast %get3A_23 : vector<1x64xf32> to vector<5000x64xf32>
    %add3A_25 = arith.addf %dot_general3A_20, %add3A_24 : vector<5000x64xf32>
    %get3A_26 = arith.constant 0 : index
    %get3A_27 = arith.constant 0 : index
    %get3A_28 = vector.load %arg7[%get3A_26, %get3A_27] : memref<1x64xf32, #tpu.memory_space<vmem>>, vector<1x64xf32>
    %get3A_29 = arith.constant 0 : index
    %get3A_30 = arith.constant 0 : index
    %get3A_31 = vector.load %arg8[%get3A_29, %get3A_30] : memref<1x64xf32, #tpu.memory_space<vmem>>, vector<1x64xf32>
    %reduce_sum3A = arith.constant dense<0.000000e+00> : vector<5000xf32>
    %reduce_sum3A_32 = vector.multi_reduction <add>, %add3A_25, %reduce_sum3A [1] : vector<5000x64xf32> to vector<5000xf32>
    %broadcast_in_dim3A = vector.shape_cast %reduce_sum3A_32 : vector<5000xf32> to vector<5000x1xf32>
    %div3A_33 = arith.constant 6.400000e+01 : f32
    %div3A_34 = vector.broadcast %div3A_33 : f32 to vector<5000x1xf32>
    %div3A_35 = arith.divf %broadcast_in_dim3A, %div3A_34 : vector<5000x1xf32>
    %sub3A = vector.broadcast %div3A_35 : vector<5000x1xf32> to vector<5000x64xf32>
    %sub3A_36 = arith.subf %add3A_25, %sub3A : vector<5000x64xf32>
    %integer_pow3A = arith.mulf %sub3A_36, %sub3A_36 : vector<5000x64xf32>
    %reduce_sum3A_37 = arith.constant dense<0.000000e+00> : vector<5000xf32>
    %reduce_sum3A_38 = vector.multi_reduction <add>, %integer_pow3A, %reduce_sum3A_37 [1] : vector<5000x64xf32> to vector<5000xf32>
    %broadcast_in_dim3A_39 = vector.shape_cast %reduce_sum3A_38 : vector<5000xf32> to vector<5000x1xf32>
    %div3A_40 = arith.constant 6.400000e+01 : f32
    %div3A_41 = vector.broadcast %div3A_40 : f32 to vector<5000x1xf32>
    %div3A_42 = arith.divf %broadcast_in_dim3A_39, %div3A_41 : vector<5000x1xf32>
    %sub3A_43 = vector.broadcast %div3A_35 : vector<5000x1xf32> to vector<5000x64xf32>
    %sub3A_44 = arith.subf %add3A_25, %sub3A_43 : vector<5000x64xf32>
    %add3A_45 = arith.constant 9.99999974E-6 : f32
    %add3A_46 = vector.broadcast %add3A_45 : f32 to vector<5000x1xf32>
    %add3A_47 = arith.addf %div3A_42, %add3A_46 : vector<5000x1xf32>
    %sqrt3A = math.sqrt %add3A_47 : vector<5000x1xf32>
    %div3A_48 = vector.broadcast %sqrt3A : vector<5000x1xf32> to vector<5000x64xf32>
    %div3A_49 = arith.divf %sub3A_44, %div3A_48 : vector<5000x64xf32>
    %mul3A = vector.broadcast %get3A_28 : vector<1x64xf32> to vector<5000x64xf32>
    %mul3A_50 = arith.mulf %div3A_49, %mul3A : vector<5000x64xf32>
    %add3A_51 = vector.broadcast %get3A_31 : vector<1x64xf32> to vector<5000x64xf32>
    %add3A_52 = arith.addf %mul3A_50, %add3A_51 : vector<5000x64xf32>
    %max3A = arith.constant 0.000000e+00 : f32
    %max3A_53 = vector.broadcast %max3A : f32 to vector<5000x64xf32>
    %max3A_54 = arith.maximumf %add3A_52, %max3A_53 : vector<5000x64xf32>
    %get3A_55 = arith.constant 0 : index
    %get3A_56 = arith.constant 0 : index
    %get3A_57 = vector.load %arg9[%get3A_55, %get3A_56] : memref<64x32xf32, #tpu.memory_space<vmem>>, vector<64x32xf32>
    %dot_general3A_58 = arith.constant dense<0.000000e+00> : vector<5000x32xf32>
    %dot_general3A_59 = tpu.matmul %max3A_54, %get3A_57, %dot_general3A_58 {dimension_numbers = #tpu.dot_dimension_numbers<[1], [0], [0], [1], [0, 0, 1, 1], [], []>, transpose_lhs_hint = false} : vector<5000x64xf32>, vector<64x32xf32>, vector<5000x32xf32> -> vector<5000x32xf32>
    %get3A_60 = arith.constant 0 : index
    %get3A_61 = arith.constant 0 : index
    %get3A_62 = vector.load %arg10[%get3A_60, %get3A_61] : memref<1x32xf32, #tpu.memory_space<vmem>>, vector<1x32xf32>
    %add3A_63 = vector.broadcast %get3A_62 : vector<1x32xf32> to vector<5000x32xf32>
    %add3A_64 = arith.addf %dot_general3A_59, %add3A_63 : vector<5000x32xf32>
    %get3A_65 = arith.constant 0 : index
    %get3A_66 = arith.constant 0 : index
    %get3A_67 = vector.load %arg1[%get3A_65, %get3A_66] : memref<5000x32xf32, #tpu.memory_space<vmem>>, vector<5000x32xf32>
    %add3A_68 = arith.addf %get3A_67, %add3A_64 : vector<5000x32xf32>
    %get3A_69 = arith.constant 0 : index
    %get3A_70 = arith.constant 0 : index
    %get3A_71 = vector.load %arg11[%get3A_69, %get3A_70] : memref<1x32xf32, #tpu.memory_space<vmem>>, vector<1x32xf32>
    %get3A_72 = arith.constant 0 : index
    %get3A_73 = arith.constant 0 : index
    %get3A_74 = vector.load %arg12[%get3A_72, %get3A_73] : memref<1x32xf32, #tpu.memory_space<vmem>>, vector<1x32xf32>
    %reduce_sum3A_75 = arith.constant dense<0.000000e+00> : vector<5000xf32>
    %reduce_sum3A_76 = vector.multi_reduction <add>, %add3A_68, %reduce_sum3A_75 [1] : vector<5000x32xf32> to vector<5000xf32>
    %broadcast_in_dim3A_77 = vector.shape_cast %reduce_sum3A_76 : vector<5000xf32> to vector<5000x1xf32>
    %div3A_78 = arith.constant 3.200000e+01 : f32
    %div3A_79 = vector.broadcast %div3A_78 : f32 to vector<5000x1xf32>
    %div3A_80 = arith.divf %broadcast_in_dim3A_77, %div3A_79 : vector<5000x1xf32>
    %sub3A_81 = vector.broadcast %div3A_80 : vector<5000x1xf32> to vector<5000x32xf32>
    %sub3A_82 = arith.subf %add3A_68, %sub3A_81 : vector<5000x32xf32>
    %integer_pow3A_83 = arith.mulf %sub3A_82, %sub3A_82 : vector<5000x32xf32>
    %reduce_sum3A_84 = arith.constant dense<0.000000e+00> : vector<5000xf32>
    %reduce_sum3A_85 = vector.multi_reduction <add>, %integer_pow3A_83, %reduce_sum3A_84 [1] : vector<5000x32xf32> to vector<5000xf32>
    %broadcast_in_dim3A_86 = vector.shape_cast %reduce_sum3A_85 : vector<5000xf32> to vector<5000x1xf32>
    %div3A_87 = arith.constant 3.200000e+01 : f32
    %div3A_88 = vector.broadcast %div3A_87 : f32 to vector<5000x1xf32>
    %div3A_89 = arith.divf %broadcast_in_dim3A_86, %div3A_88 : vector<5000x1xf32>
    %sub3A_90 = vector.broadcast %div3A_80 : vector<5000x1xf32> to vector<5000x32xf32>
    %sub3A_91 = arith.subf %add3A_68, %sub3A_90 : vector<5000x32xf32>
    %add3A_92 = arith.constant 9.99999974E-6 : f32
    %add3A_93 = vector.broadcast %add3A_92 : f32 to vector<5000x1xf32>
    %add3A_94 = arith.addf %div3A_89, %add3A_93 : vector<5000x1xf32>
    %sqrt3A_95 = math.sqrt %add3A_94 : vector<5000x1xf32>
    %div3A_96 = vector.broadcast %sqrt3A_95 : vector<5000x1xf32> to vector<5000x32xf32>
    %div3A_97 = arith.divf %sub3A_91, %div3A_96 : vector<5000x32xf32>
    %mul3A_98 = vector.broadcast %get3A_71 : vector<1x32xf32> to vector<5000x32xf32>
    %mul3A_99 = arith.mulf %div3A_97, %mul3A_98 : vector<5000x32xf32>
    %add3A_100 = vector.broadcast %get3A_74 : vector<1x32xf32> to vector<5000x32xf32>
    %add3A_101 = arith.addf %mul3A_99, %add3A_100 : vector<5000x32xf32>
    %max3A_102 = arith.constant 0.000000e+00 : f32
    %max3A_103 = vector.broadcast %max3A_102 : f32 to vector<5000x32xf32>
    %max3A_104 = arith.maximumf %add3A_101, %max3A_103 : vector<5000x32xf32>
    %get3A_105 = arith.constant 0 : index
    %get3A_106 = arith.constant 0 : index
    %get3A_107 = vector.load %arg13[%get3A_105, %get3A_106] : memref<32x128xf32, #tpu.memory_space<vmem>>, vector<32x128xf32>
    %dot_general3A_108 = arith.constant dense<0.000000e+00> : vector<5000x128xf32>
    %dot_general3A_109 = tpu.matmul %max3A_104, %get3A_107, %dot_general3A_108 {dimension_numbers = #tpu.dot_dimension_numbers<[1], [0], [0], [1], [0, 0, 1, 1], [], []>, transpose_lhs_hint = false} : vector<5000x32xf32>, vector<32x128xf32>, vector<5000x128xf32> -> vector<5000x128xf32>
    %get3A_110 = arith.constant 0 : index
    %get3A_111 = arith.constant 0 : index
    %get3A_112 = vector.load %arg14[%get3A_110, %get3A_111] : memref<1x128xf32, #tpu.memory_space<vmem>>, vector<1x128xf32>
    %add3A_113 = vector.broadcast %get3A_112 : vector<1x128xf32> to vector<5000x128xf32>
    %add3A_114 = arith.addf %dot_general3A_109, %add3A_113 : vector<5000x128xf32>
    %swap3A = arith.constant 0 : index
    %swap3A_115 = arith.constant 0 : index
    %swap3A_116 = vector.load %arg15[%swap3A, %swap3A_115] : memref<5000x128xf32, #tpu.memory_space<vmem>>, vector<5000x128xf32>
    tpu.vector_store %arg15[%swap3A, %swap3A_115], %add3A_114 {strides = array<i32>} : memref<5000x128xf32, #tpu.memory_space<vmem>>, vector<5000x128xf32>,
    return
  }
  func.func @transform_0(%arg0: i32) -> (i32, i32) {
    %c0_i32 = arith.constant 0 : i32
    %c0_i32_0 = arith.constant 0 : i32
    return %arg0, %c0_i32 : i32, i32
  }
  func.func @transform_1(%arg0: i32) -> (i32, i32) {
    %c0_i32 = arith.constant 0 : i32
    %c0_i32_0 = arith.constant 0 : i32
    return %arg0, %c0_i32 : i32, i32
  }
  func.func @transform_2(%arg0: i32) -> (i32, i32, i32) {
    %c0_i32 = arith.constant 0 : i32
    %c0_i32_0 = arith.constant 0 : i32
    %c0_i32_1 = arith.constant 0 : i32
    return %c0_i32, %arg0, %c0_i32_0 : i32, i32, i32
  }
  func.func @transform_3(%arg0: i32) -> (i32, i32, i32) {
    %c1_i32 = arith.constant 1 : i32
    %c0_i32 = arith.constant 0 : i32
    %c0_i32_0 = arith.constant 0 : i32
    return %c1_i32, %arg0, %c0_i32 : i32, i32, i32
  }
  func.func @transform_4(%arg0: i32) -> (i32, i32) {
    %c0_i32 = arith.constant 0 : i32
    %c0_i32_0 = arith.constant 0 : i32
    %c0_i32_1 = arith.constant 0 : i32
    return %c0_i32, %c0_i32_0 : i32, i32
  }
  func.func @transform_5(%arg0: i32) -> (i32, i32) {
    %c0_i32 = arith.constant 0 : i32
    %c0_i32_0 = arith.constant 0 : i32
    %c0_i32_1 = arith.constant 0 : i32
    return %c0_i32, %c0_i32_0 : i32, i32
  }
  func.func @transform_6(%arg0: i32) -> (i32, i32) {
    %c0_i32 = arith.constant 0 : i32
    %c0_i32_0 = arith.constant 0 : i32
    %c0_i32_1 = arith.constant 0 : i32
    return %c0_i32, %c0_i32_0 : i32, i32
  }
  func.func @transform_7(%arg0: i32) -> (i32, i32) {
    %c0_i32 = arith.constant 0 : i32
    %c0_i32_0 = arith.constant 0 : i32
    %c0_i32_1 = arith.constant 0 : i32
    return %c0_i32, %c0_i32_0 : i32, i32
  }
  func.func @transform_8(%arg0: i32) -> (i32, i32) {
    %c0_i32 = arith.constant 0 : i32
    %c0_i32_0 = arith.constant 0 : i32
    %c0_i32_1 = arith.constant 0 : i32
    return %c0_i32, %c0_i32_0 : i32, i32
  }
  func.func @transform_9(%arg0: i32) -> (i32, i32) {
    %c0_i32 = arith.constant 0 : i32
    %c0_i32_0 = arith.constant 0 : i32
    %c0_i32_1 = arith.constant 0 : i32
    return %c0_i32, %c0_i32_0 : i32, i32
  }
  func.func @transform_10(%arg0: i32) -> (i32, i32) {
    %c0_i32 = arith.constant 0 : i32
    %c0_i32_0 = arith.constant 0 : i32
    %c0_i32_1 = arith.constant 0 : i32
    return %c0_i32, %c0_i32_0 : i32, i32
  }
  func.func @transform_11(%arg0: i32) -> (i32, i32) {
    %c0_i32 = arith.constant 0 : i32
    %c0_i32_0 = arith.constant 0 : i32
    %c0_i32_1 = arith.constant 0 : i32
    return %c0_i32, %c0_i32_0 : i32, i32
  }
  func.func @transform_12(%arg0: i32) -> (i32, i32) {
    %c0_i32 = arith.constant 0 : i32
    %c0_i32_0 = arith.constant 0 : i32
    %c0_i32_1 = arith.constant 0 : i32
    return %c0_i32, %c0_i32_0 : i32, i32
  }
  func.func @transform_13(%arg0: i32) -> (i32, i32) {
    %c0_i32 = arith.constant 0 : i32
    %c0_i32_0 = arith.constant 0 : i32
    %c0_i32_1 = arith.constant 0 : i32
    return %c0_i32, %c0_i32_0 : i32, i32
  }
  func.func @transform_14(%arg0: i32) -> (i32, i32) {
    %c0_i32 = arith.constant 0 : i32
    %c0_i32_0 = arith.constant 0 : i32
    return %arg0, %c0_i32 : i32, i32
  }
}

</mosaic_0001>

<sc_bundles>
// kernel: kernel.10.cloned.1.call-start
scs
__scs_entry_jumppad:
0x0: {  	(pc) =	sbr.rel $0x88, $3  }
0x1: {  	(tag) =	ssettag $0x0;
	lr =	simm.s32 $0x1  }
0x2: {  	[smem:$0x3F89] =	sst lr;
	_ =	strace $0xD0000000  }
0x3: {  	_ = 	snop  }
0x4: {  	_ = 	snop  }
0x5: {  	_ = 	snop  }
0x6: {  	_ = 	snop  }
0x7: {  	_ = 	snop  }
__scs_overlays_trampoline_lowered:
0x8: {  	[smem:$0x3F98] =	sst s0  }
0x9: {  	[smem:$0x3F99] =	sst s1  }
0xa: {  	[smem:$0x3F9A] =	sst s2  }
0xb: {  	[smem:$0x3F9B] =	sst s3  }
0xc: {  	[smem:$0x3F9C] =	sst s4  }
0xd: {  	[smem:$0x3F9D] =	sst s5  }
0xe: {  	[smem:$0x3F9E] =	sst s6  }
0xf: {  	[smem:$0x3F9F] =	sst s7  }
0x10: {  	[smem:$0x3FA0] =	sst s8  }
0x11: {  	[smem:$0x3FA1] =	sst s9;
	s0 =	simm.s32 @!p0 $0x0  }
0x12: {  	s1 =	sld [smem:$0x3F87];
	s0 =	simm.s32 @p0 $0x1  }
0x13: {  	[smem:$0x3FA2] =	sst s0;
	s0 =	simm.s32 @!p1 $0x0  }
0x14: {  	s2 =	sld [smem:$0x3F86];
	s0 =	simm.s32 @p1 $0x1  }
0x15: {  	[smem:$0x3FA3] =	sst s0;
	s0 =	simm.s32 @!p2 $0x0  }
0x16: {  	s3 =	sld [smem:$0x3FDB];
	s0 =	simm.s32 @p2 $0x1  }
0x17: {  	s4 =	simm.s32 $0x1BF5;
	[smem:$0x3FA5] =	sst s0  }
0x18: {  	s0 =	sld [smem:$0x3F88];
	_ =	swait.ge [sflag:s4], $0x0  }
0x19: {  	s7 =	sld [smem:$0x3F89]  }
0x1a: {  	s8 =	sadd.s32 $0xFFFFE003, lr  }
0x1b: {  	s9 =	sadd.s32 $0xFFFFFEF7, lr;
	s5 =	simm.s32 $0xFFFFFFFF;
	p2 =	slt.u32 s8, $0xFFFFF086  }
0x1c: {  	p1 =	slt.u32 s9, $0xF7A;
	s5 =	simm.s32 @!p2 $0x0  }
0x1d: {  	s5 =	simm.s32 @p1 $0x1;
	p0 =	seq.s32 s7, s2  }
0x1e: {  	s7 =	smul.u32 @!p0 $0xF7A, s2;
	p2 =	seq.s32 @!p0 s5, $0x0  }
0x1f: {  	s9 =	smul.u32 $0xF7A, s1;
	s8 =	simm.s32 @!p0 $0x1BF5;
	p2 =	por !p2, p0  }
0x20: {  	[sflag:s8] =	ssyncset.s32 @!p0 $0xFFFFF086;
	s6 =	sadd.s32 @!p0 s3, s7;
	s7 =	simm.s32 @!p0 $0x108  }
0x21: {  	s3 =	sadd.s32 s3, s9;
	s6 =	sadd.s32 @!p0 $0x88, s6;
	s7 =	simm.s32 @p2 $0x1082  }
0x22: {  	[simem:s7], [sflag:s8] =	dma.local @!p0 [hbm:s6], $0xF7A  }
0x23: {  	s9 =	sor.u32 $0xD0000000, s2;
	s6 =	simm.s32 $0x108;
	_ =	swait.ge @!p0 [sflag:s8], $0x0  }
0x24: {  	s3 =	sadd.s32 $0x88, s3;
	s6 =	simm.s32 @!p1 $0x1082;
	[sflag:s4] =	ssyncset.s32 $0xFFFFF086  }
0x25: {  	[simem:s6], [sflag:s4] =	dma.local [hbm:s3], $0xF7A  }
0x26: {  	[smem:$0x3F89] =	sst s1;
	(tag) =	ssettag s2;
	_ =	strace s9  }
0x27: {  	s1 =	sld [smem:$0x3F99]  }
0x28: {  	s2 =	sld [smem:$0x3F9A]  }
0x29: {  	s4 =	sld [smem:$0x3F9C]  }
0x2a: {  	p0 =	seq.s32 s5, $0x0;
	s5 =	sld [smem:$0x3F9D]  }
0x2b: {  	s6 =	sld [smem:$0x3F9E]  }
0x2c: {  	s7 =	sld [smem:$0x3F9F]  }
0x2d: {  	s3 =	simm.s32 $0x108;
	s8 =	sld [smem:$0x3FA0]  }
0x2e: {  	s3 =	simm.s32 @!p0 $0x1082;
	s9 =	sld [smem:$0x3FA1]  }
0x2f: {  	lr =	sadd.s32 s0, s3;
	s0 =	sld [smem:$0x3F98]  }
0x30: {  	s3 =	sld [smem:$0x3F9B]  }
0x31: {  	[smem:$0x3FA4] =	sst s10  }
0x32: {  	s10 =	sld [smem:$0x3FA2];
	_ =	sdelay $0x3  }
0x33: {  	p0 =	seq.s32 s10, $0x1;
	s10 =	sld [smem:$0x3FA4];
	_ =	sdelay $0x3  }
0x34: {  	[smem:$0x3FA4] =	sst s10  }
0x35: {  	s10 =	sld [smem:$0x3FA3];
	_ =	sdelay $0x3  }
0x36: {  	p1 =	seq.s32 s10, $0x1;
	s10 =	sld [smem:$0x3FA4];
	_ =	sdelay $0x3  }
0x37: {  	[smem:$0x3FA4] =	sst s10  }
0x38: {  	s10 =	sld [smem:$0x3FA5]  }
0x39: {  	_ = 	snop;
	(pc) =	sbr.ind lr, $3  }
0x3a: {  	_ = 	snop  }
0x3b: {  	_ = 	snop  }
0x3c: {  	p2 =	seq.s32 s10, $0x1;
	s10 =	sld [smem:$0x3FA4]  }
0x3d: {  	_ =	shalt  }
0x3e: {  	_ =	shalt  }
0x3f: {  	_ =	shalt  }
0x40: {  	_ =	shalt  }
0x41: {  	_ =	shalt  }
0x42: {  	_ =	shalt  }
0x43: {  	_ =	shalt  }
0x44: {  	_ =	shalt  }
0x45: {  	_ =	shalt  }
0x46: {  	_ =	shalt  }
0x47: {  	_ =	shalt  }
0x48: {  	_ =	shalt  }
0x49: {  	_ =	shalt  }
0x4a: {  	_ =	shalt  }
0x4b: {  	_ =	shalt  }
0x4c: {  	_ =	shalt  }
0x4d: {  	_ =	shalt  }
0x4e: {  	_ =	shalt  }
0x4f: {  	_ =	shalt  }
0x50: {  	_ =	shalt  }
0x51: {  	_ =	shalt  }
0x52: {  	_ =	shalt  }
0x53: {  	_ =	shalt  }
0x54: {  	_ =	shalt  }
0x55: {  	_ =	shalt  }
0x56: {  	_ =	shalt  }
0x57: {  	_ =	shalt  }
0x58: {  	_ =	shalt  }
0x59: {  	_ =	shalt  }
0x5a: {  	_ =	shalt  }
0x5b: {  	_ =	shalt  }
0x5c: {  	_ =	shalt  }
0x5d: {  	_ =	shalt  }
0x5e: {  	_ =	shalt  }
0x5f: {  	_ =	shalt  }
0x60: {  	_ =	shalt  }
0x61: {  	_ =	shalt  }
0x62: {  	_ =	shalt  }
0x63: {  	_ =	shalt  }
0x64: {  	_ =	shalt  }
0x65: {  	_ =	shalt  }
0x66: {  	_ =	shalt  }
0x67: {  	_ =	shalt  }
0x68: {  	_ =	shalt  }
0x69: {  	_ =	shalt  }
0x6a: {  	_ =	shalt  }
0x6b: {  	_ =	shalt  }
0x6c: {  	_ =	shalt  }
0x6d: {  	_ =	shalt  }
0x6e: {  	_ =	shalt  }
0x6f: {  	_ =	shalt  }
0x70: {  	_ =	shalt  }
0x71: {  	_ =	shalt  }
0x72: {  	_ =	shalt  }
0x73: {  	_ =	shalt  }
0x74: {  	_ =	shalt  }
0x75: {  	_ =	shalt  }
0x76: {  	_ =	shalt  }
0x77: {  	_ =	shalt  }
0x78: {  	_ =	shalt  }
0x79: {  	_ =	shalt  }
0x7a: {  	_ =	shalt  }
0x7b: {  	_ =	shalt  }
0x7c: {  	_ =	shalt  }
0x7d: {  	_ =	shalt  }
0x7e: {  	_ =	shalt  }
0x7f: {  	_ =	shalt  }
0x80: {  	_ =	shalt  }
0x81: {  	_ =	shalt  }
0x82: {  	_ =	shalt  }
0x83: {  	_ =	shalt  }
0x84: {  	_ =	shalt  }
0x85: {  	_ =	shalt  }
0x86: {  	_ =	shalt  }
0x87: {  	_ =	shalt  }
.Lfunc_end0:
.L_simem_size_0:
called_computation.1_lowered:
.L_overlay_start_0:
0x88: {  	s2 =	sld [smem:$0x3FD9]  }
0x89: {  	s3 =	sld [smem:$0x3FFE];
	_ =	sdelay $0x1  }
0x8a: {  	s1 =	srdreg.scid  }
0x8b: {  	s0 =	sand.u32 $0x1, s1  }
0x8c: {  	s17 =	sshll.u32 s0, $0xA;
	s2 =	sadd.s32 s3, s2  }
0x8d: {  	s2 =	sadd.s32 s2, s17  }
0x8e: {  	[smem:$0x3FB0] =	sst s2  }
0x8f: {  	_ = 	snop  }
0x90: {  	s2 =	sld [smem:$0x3FD0];
	(tm) =	ssettm $0x1  }
0x91: {  	s18 =	sld [smem:$0x3FFB];
	_ =	sdelay $0x3  }
0x92: {  	_ =	strace s18  }
0x93: {  	s3 =	sld [smem:$0x3FFC];
	_ =	sdelay $0x3  }
0x94: {  	_ =	strace s3  }
0x95: {  	s3 =	sld [smem:$0x3FFD];
	_ =	sdelay $0x3  }
0x96: {  	_ =	strace s3  }
0x97: {  	_ =	strace $0x8FFFFFFF  }
0x98: {  	s19 =	sld [smem:$0x3FDB];
	_ =	sdelay $0x1  }
0x99: {  	s4 =	simm.s32 $_scs_section_size  }
0x9a: {  	s5 =	simm.s32 $_size__tile_overlayer_lowered;
	s6 =	simm.s32 $_tile_overlayer_lowered  }
0x9b: {  	s22 =	simm.s32 $0x1BFF;
	s21 =	sshll.u32 s6, $0x1;
	s3 =	sadd.s32 s4, s19  }
0x9c: {  	s7 =	simm.s32 $0x0;
	s20 =	sshll.u32 s5, $0x1;
	s5 =	sadd.s32 s21, s3  }
0x9d: {  	[timem:s7], [sflag:s22] =	dma.local [hbm:s5], s20  }
0x9e: {  	_ =	swait.ge [sflag:s22], s20  }
0x9f: {  	s4 =	ssub.s32 $0x0, s20;
	[sflag:s22] =	ssyncset.done $0x0  }
0xa0: {  	[sflag:s22] =	ssyncadd.s32 s4;
	_ =	sdelay $0x1  }
0xa1: {  	s23 =	simm.s32 $0x1B8B  }
0xa2: {  	_ =	swait.ge [sflag:s23], $0x1  }
0xa3: {  	[sflag:s23] =	ssyncset.done $0x0  }
0xa4: {  	s25 =	simm.s32 $0x1B8E;
	s24 =	sld [smem:$0x3FFE];
	[sflag:s23] =	ssyncadd.s32 $0xFFFFFFFF  }
0xa5: {  	s26 =	simm.s32 $execute0_lowered;
	[smem:$0x3FD2] =	sst s25  }
0xa6: {  	s5 =	sshll.u32 s26, $0x1;
	_ =	strace $0x80000049;
	[dreg:$0x1] =	wrdreg $0xFFFFFFFF  }
0xa7: {  	s28 =	simm.s32 $_size_execute0_lowered;
	s3 =	sadd.s32 s3, s5;
	[dreg:$0x0] =	wrdreg $0x0  }
0xa8: {  	s5 =	sshll.u32 s28, $0x1;
	[dreg:$0x2] =	wrdreg s3  }
0xa9: {  	[dreg:$0x3] =	wrdreg s5  }
0xaa: {  	[dreg:$0x4] =	wrdreg $0xC0  }
0xab: {  	_ =	task [dreg:s7], $0x5FFFF  }
0xac: {  	[dreg:$0x1] =	wrdreg $0xFFFFFFFF  }
0xad: {  	[dreg:$0x0] =	wrdreg $0x60  }
0xae: {  	[dreg:$0x2] =	wrdreg s2  }
0xaf: {  	[dreg:$0x3] =	wrdreg s24  }
0xb0: {  	[dreg:$0x4] =	wrdreg $0x106000  }
0xb1: {  	[dreg:$0x5] =	wrdreg $0x68000  }
0xb2: {  	[dreg:$0x6] =	wrdreg $0x9  }
0xb3: {  	_ =	task.clear_ibuf [dreg:s7], $0x7FFFF;
	_ =	strace $0x90000049  }
0xb4: {  	s29 =	simm.s32 $0x9;
	_ =	strace $0x8000004B  }
0xb5: {  	_ =	swait.ge [sflag:s29], $0x1  }
0xb6: {  	[sflag:s29] =	ssyncadd.s32 $0xFFFFFFFF  }
0xb7: {  	_ =	strace $0x9000004B  }
0xb8: {  	_ =	sfence  }
0xb9: {  	s30 =	sld [smem:$0x0];
	_ =	sdelay $0x2  }
0xba: {  	s31 =	sshll.u32 s1, $0xD;
	s1 =	sshrl.u32 s1, $0x2  }
0xbb: {  	s3 =	sand.u32 $0x4000, s31;
	s1 =	sadd.s32 s1, s30  }
0xbc: {  	s0 =	sor.u32 s3, s0;
	s1 =	sshll.u32 s1, $0x11  }
0xbd: {  	s0 =	sor.u32 s1, s0  }
0xbe: {  	s0 =	sadd.s32 $0x8F2B, s0  }
0xbf: {  	[sflag:s0] =	ssyncadd.remote.s32 $0x1  }
0xc0: {  	_ =	sfence.sel $0xFFFF  }
0xc1: {  	[dreg:$0x0] =	wrdreg $0xFFFFFFFF;
	(pc) =	sbr.abs _section_cstart, $3  }
0xc2: {  	[dreg:$0x1] =	wrdreg $0xFFFFFFFF  }
0xc3: {  	_ =	task.clear_ibuf [dreg:s7], $0x2FFFF;
	_ =	strace $0x9FFFFFFF  }
0xc4: {  	(tm) =	ssettm $0x7FFFFFFF  }
0xc5: {  	_ =	shalt  }
tec
execute0_lowered:
.L_overlay_start_1:
0x0: {  	(tag) =	ssettag $0x1  }
0x1: {  	s0 =	rddreg [dreg:$0x0]  }
0x2: {  	s1 =	rddreg [dreg:$0x1]  }
0x3: {  	s2 =	rddreg [dreg:$0x2]  }
0x4: {  	s4 =	srdreg.scid;
	s8 =	stileid.u32  }
0x5: {  	s3 =	rddreg [dreg:$0x3];
	s6 =	simm.s32 $0x0;
	s28 =	simm.s32 $0x4  }
0x6: {  	s29 =	simm.s32 $0x2700;
	s30 =	simm.s32 $0x2780;
	s31 =	simm.s32 $0x0  }
0x7: {  	s4 =	sand.u32 $0x1, s4;
	s7 =	smul.u32 $0x9E00, s8;
	[smem:$0x7FF] =	sst s6  }
0x8: {  	s14 =	sadd.s32 $0xCE00, s1;
	s15 =	sadd.s32 $0x2E00, s1;
	s21 =	smul.u32 $0x27800, s8  }
0x9: {  	s23 =	sshll.u32 s8, $0x6;
	s5 =	smul.u32 $0x9E000, s4;
	_ =	strace $0x8000004A  }
0xa: {  	s19 =	ssub.s32 $0x2, s4;
	s4 =	sshll.u32 s4, $0x4;
	s6 =	sor.u32 $0x1C05, s23  }
0xb: {  	s23 =	simm.s32 $0x4800;
	s20 =	sshrl.u32 s19, $0x1;
	s4 =	sor.u32 s8, s4  }
0xc: {  	s18 =	sadd.s32 s7, s2;
	s22 =	sshrl.u32 s7, $0x3;
	s24 =	sshrl.u32 s21, $0x2  }
0xd: {  	s21 =	simm.s32 $0x1400;
	s5 =	sadd.s32 s7, s5;
	s17 =	ssub.s32 s19, s20  }
0xe: {  	s0 =	sadd.s32 s0, s22;
	s25 =	sadd.s32 s24, s3;
	s11 =	smul.u32 $0x2800, s4  }
0xf: {  	s7 =	sadd.s32 s7, s3;
	s4 =	smul.u32 $0x500, s4;
	s18 =	sshrl.u32 s18, $0x3  }
0x10: {  	s19 =	simm.s32 $0x5;
	s20 =	simm.s32 $0x2800;
	s22 =	simm.s32 $0x80  }
0x11: {  	s24 =	simm.s32 $0x1;
	s5 =	sshrl.u32 s5, $0x3;
	[dreg:$0x5] =	wrdreg s0  }
0x12: {  	s8 =	sadd.s32 $0x2000, s25;
	s9 =	sadd.s32 $0x4000, s25;
	s10 =	sadd.s32 $0x6000, s25  }
0x13: {  	s17 =	smax.u32 s17, $0x1;
	s1 =	sadd.s32 s5, s1;
	s13 =	sshrl.u32 s11, $0x3  }
0x14: {  	s11 =	sadd.s32 $0x8000, s25;
	s12 =	sadd.s32 s14, s4;
	s25 =	simm.s32 $0x2  }
0x15: {  	s26 =	sadd.s32 $0x280, s13;
	s13 =	sadd.s32 s15, s4;
	s16 =	sadd.s32 $0x16E00, s1  }
0x16: {  	v0 =	vimm.f32 $0.0e+00;
	s14 =	sadd.s32 s14, s26;
	s15 =	sadd.s32 s15, s26;
	s26 =	simm.s32 $0x3  }
.LBB2_1:
0x17: {  	s0 =	rddreg [dreg:$0x5];
	s1 =	simm.s32 $0x0  }
0x18: {  	[spmem:s18], [sflag:s6] =	dma.local [hbm:s0], $0x13C0  }
0x19: {  	s5 =	sand.u32 $0x7F00, s1;
	s4 =	sand.u32 $0x30, s1;
	_ =	swait.ge [sflag:s19], $0x13C0  }
0x1a: {  	s1 =	simm.s32 $0x40;
	s0 =	sshrl.u32 s5, $0x2;
	[sflag:s19] =	ssyncset.done $0x0  }
0x1b: {  	s4 =	sor.u32 s4, s0;
	s0 =	simm.s32 $0x0;
	[sflag:s19] =	ssyncadd.s32 $0xFFFFEC40  }
.LBB2_2:
0x1c: {  	p0 =	sne.s32 s1, $0x7FC0  }
0x1d: {  	[tilespmem:s4+$0x2800] =	vst v0;
	s0 =	sadd.s32 $0x10, s0;
	s4 =	smov.u32 s1;
	s1 =	sadd.s32 $0x40, s1  }
.Ltmp0:
0x1e: {  	(pc) =	sbr.rel @p0 .LBB2_2-.Ltmp0, $4  }
0x1f: {  	_ = 	snop  }
0x20: {  	s4 =	sand.u32 $0x7F00, s4  }
0x21: {  	s5 =	sand.u32 $0x30, s0;
	s4 =	sshrl.u32 s4, $0x2  }
0x22: {  	s4 =	sor.u32 s5, s4  }
0x23: {  	[tilespmem:s4+$0x2800] =	vst v0  }
0x24: {  	[spmem:s7] =	stream.linear.scatter [tilespmem:s20], [sflag:$0x5], $0x2000, $0x38;
	[tilespmem:$0x1A400] =	vst v63  }
0x25: {  	_ =	swait.ge [sflag:s19], $0x2000  }
0x26: {  	[sflag:s19] =	ssyncset.done $0x0  }
0x27: {  	[sflag:s19] =	ssyncadd.s32 $0xFFFFE000  }
0x28: {  	[spmem:s8] =	stream.linear.scatter [tilespmem:s20], [sflag:$0x5], $0x2000, $0x38;
	[tilespmem:$0x1A400] =	vst v63  }
0x29: {  	_ =	swait.ge [sflag:s19], $0x2000  }
0x2a: {  	[sflag:s19] =	ssyncset.done $0x0  }
0x2b: {  	[sflag:s19] =	ssyncadd.s32 $0xFFFFE000  }
0x2c: {  	[spmem:s9] =	stream.linear.scatter [tilespmem:s20], [sflag:$0x5], $0x2000, $0x38;
	[tilespmem:$0x1A400] =	vst v63  }
0x2d: {  	_ =	swait.ge [sflag:s19], $0x2000  }
0x2e: {  	[sflag:s19] =	ssyncset.done $0x0  }
0x2f: {  	[sflag:s19] =	ssyncadd.s32 $0xFFFFE000  }
0x30: {  	[spmem:s10] =	stream.linear.scatter [tilespmem:s20], [sflag:$0x5], $0x2000, $0x38;
	[tilespmem:$0x1A400] =	vst v63  }
0x31: {  	_ =	swait.ge [sflag:s19], $0x2000  }
0x32: {  	[sflag:s19] =	ssyncset.done $0x0  }
0x33: {  	[sflag:s19] =	ssyncadd.s32 $0xFFFFE000  }
0x34: {  	[spmem:s11] =	stream.linear.scatter [tilespmem:s20], [sflag:$0x5], $0x1E00, $0x38;
	[tilespmem:$0x1A400] =	vst v63  }
0x35: {  	_ =	swait.ge [sflag:s19], $0x1E00  }
0x36: {  	[sflag:s19] =	ssyncset.done $0x0  }
0x37: {  	[sflag:s19] =	ssyncadd.s32 $0xFFFFE200  }
0x38: {  	s0 =	simm.s32 $0x0;
	[bflag:$0x0] =	sbarrier.arrive $0xFFFF  }
0x39: {  	[tilespmem:s0], [sflag:$0x5] =	stream.linear.gather [hbm4b:s12+s0], $0x1400, $0x38;
	[tilespmem:$0x1A400] =	vst v63  }
0x3a: {  	_ =	swait.ge [sflag:s19], $0x1400  }
0x3b: {  	[sflag:s19] =	ssyncset.done $0x0  }
0x3c: {  	[sflag:s19] =	ssyncadd.s32 $0xFFFFEC00  }
0x3d: {  	[tilespmem:s21], [sflag:$0x5] =	stream.linear.gather [hbm4b:s13+s0], $0x1400, $0x38;
	[tilespmem:$0x1A400] =	vst v63  }
0x3e: {  	_ =	swait.ge [sflag:s19], $0x1400  }
0x3f: {  	[sflag:s19] =	ssyncset.done $0x0  }
0x40: {  	[sflag:s19] =	ssyncadd.s32 $0xFFFFEC00  }
0x41: {  	[tilespmem:s20], [sflag:$0x1] =	stream.indirect.gather [spmem:s2], $0x40, s0, s22, $0xb8;
	[tilespmem:$0x1A400] =	vst v63  }
0x42: {  	_ = 	snop  }
0x43: {  	[tilespmem:s23], [sflag:$0x2] =	stream.indirect.gather [spmem:s2], $0x40, s22, s22, $0xb8;
	[tilespmem:$0x1A400] =	vst v63  }
0x44: {  	_ =	swait.ge [sflag:s24], $0x2000  }
0x45: {  	[sflag:s24] =	ssyncset.done $0x0  }
0x46: {  	s1 =	simm.s32 $0x1400;
	[sflag:s24] =	ssyncadd.s32 $0xFFFFE000  }
0x47: {  	[spmem:s3] =	stream.indirect.scatter.add.f32 [tilespmem:s20], [sflag:$0x3], $0x40, s1, s22, $0xb8;
	[tilespmem:$0x1A400] =	vst v63  }
0x48: {  	_ =	swait.ge [sflag:s25], $0x2000  }
0x49: {  	[sflag:s25] =	ssyncset.done $0x0  }
0x4a: {  	s4 =	simm.s32 $0x1480;
	[sflag:s25] =	ssyncadd.s32 $0xFFFFE000  }
0x4b: {  	[spmem:s3] =	stream.indirect.scatter.add.f32 [tilespmem:s23], [sflag:$0x4], $0x40, s4, s22, $0xb8;
	[tilespmem:$0x1A400] =	vst v63  }
0x4c: {  	_ =	swait.ge [sflag:s26], $0x2000  }
0x4d: {  	[sflag:s26] =	ssyncset.done $0x0  }
0x4e: {  	s5 =	simm.s32 $0x100;
	[sflag:s26] =	ssyncadd.s32 $0xFFFFE000  }
0x4f: {  	[tilespmem:s20], [sflag:$0x1] =	stream.indirect.gather [spmem:s2], $0x40, s5, s22, $0xb8;
	[tilespmem:$0x1A400] =	vst v63  }
0x50: {  	_ =	swait.ge [sflag:s28], $0x2000  }
0x51: {  	[sflag:s28] =	ssyncset.done $0x0  }
0x52: {  	s0 =	simm.s32 $0x180;
	s1 =	simm.s32 $0x400;
	[sflag:s28] =	ssyncadd.s32 $0xFFFFE000  }
.LBB2_4:
0x53: {  	[tilespmem:s23], [sflag:$0x2] =	stream.indirect.gather [spmem:s2], $0x40, s0, s22, $0xb8;
	[tilespmem:$0x1A400] =	vst v63  }
0x54: {  	s0 =	smov.u32 s1  }
0x55: {  	p0 =	sne.s32 s1, $0x4800;
	s1 =	sadd.s32 $0x400, s1;
	_ =	swait.ge [sflag:s24], $0x2000  }
0x56: {  	s0 =	sshra.s32 s0, $0x2;
	[sflag:s24] =	ssyncset.done $0x0  }
0x57: {  	s4 =	sadd.s32 $0x1400, s0;
	[sflag:s24] =	ssyncadd.s32 $0xFFFFE000  }
0x58: {  	[spmem:s3] =	stream.indirect.scatter.add.f32 [tilespmem:s20], [sflag:$0x3], $0x40, s4, s22, $0xb8;
	[tilespmem:$0x1A400] =	vst v63  }
0x59: {  	_ =	swait.ge [sflag:s25], $0x2000  }
0x5a: {  	[sflag:s25] =	ssyncset.done $0x0  }
0x5b: {  	s4 =	sadd.s32 $0x1480, s0;
	[sflag:s25] =	ssyncadd.s32 $0xFFFFE000  }
0x5c: {  	[spmem:s3] =	stream.indirect.scatter.add.f32 [tilespmem:s23], [sflag:$0x4], $0x40, s4, s22, $0xb8;
	[tilespmem:$0x1A400] =	vst v63  }
0x5d: {  	_ =	swait.ge [sflag:s26], $0x2000  }
0x5e: {  	[sflag:s26] =	ssyncset.done $0x0  }
.Ltmp1:
0x5f: {  	s4 =	sadd.s32 $0x100, s0;
	[sflag:s26] =	ssyncadd.s32 $0xFFFFE000;
	(pc) =	sbr.rel @p0 .LBB2_4-.Ltmp1, $4  }
0x60: {  	[tilespmem:s20], [sflag:$0x1] =	stream.indirect.gather [spmem:s2], $0x40, s4, s22, $0xb8;
	[tilespmem:$0x1A400] =	vst v63  }
0x61: {  	_ =	swait.ge [sflag:s28], $0x2000  }
0x62: {  	[sflag:s28] =	ssyncset.done $0x0  }
0x63: {  	s0 =	sadd.s32 $0x180, s0;
	[sflag:s28] =	ssyncadd.s32 $0xFFFFE000  }
0x64: {  	[tilespmem:s23], [sflag:$0x2] =	stream.indirect.gather [spmem:s2], $0x40, s0, s22, $0xb8;
	[tilespmem:$0x1A400] =	vst v63  }
0x65: {  	_ =	swait.ge [sflag:s24], $0x2000  }
0x66: {  	[sflag:s24] =	ssyncset.done $0x0  }
0x67: {  	[sflag:s24] =	ssyncadd.s32 $0xFFFFE000  }
0x68: {  	[spmem:s3] =	stream.indirect.scatter.add.f32 [tilespmem:s20], [sflag:$0x3], $0x40, s29, s22, $0xb8;
	[tilespmem:$0x1A400] =	vst v63  }
0x69: {  	_ =	swait.ge [sflag:s25], $0x2000  }
0x6a: {  	[sflag:s25] =	ssyncset.done $0x0  }
0x6b: {  	[sflag:s25] =	ssyncadd.s32 $0xFFFFE000  }
0x6c: {  	[spmem:s3] =	stream.indirect.scatter.add.f32 [tilespmem:s23], [sflag:$0x4], $0x40, s30, s22, $0xb8;
	[tilespmem:$0x1A400] =	vst v63  }
0x6d: {  	_ =	swait.ge [sflag:s26], $0x2000  }
0x6e: {  	[sflag:s26] =	ssyncset.done $0x0  }
0x6f: {  	[sflag:s26] =	ssyncadd.s32 $0xFFFFE000  }
0x70: {  	_ =	swait.ge [sflag:s28], $0x2000  }
0x71: {  	[sflag:s28] =	ssyncset.done $0x0  }
0x72: {  	s5 =	simm.s32 $0x0;
	[sflag:s28] =	ssyncadd.s32 $0xFFFFE000  }
0x73: {  	[tilespmem:s5], [sflag:$0x5] =	stream.linear.gather [hbm4b:s14+s5], $0x1400, $0x38;
	[tilespmem:$0x1A400] =	vst v63  }
0x74: {  	_ =	swait.ge [sflag:s19], $0x1400  }
0x75: {  	[sflag:s19] =	ssyncset.done $0x0  }
0x76: {  	[sflag:s19] =	ssyncadd.s32 $0xFFFFEC00  }
0x77: {  	[tilespmem:s21], [sflag:$0x5] =	stream.linear.gather [hbm4b:s15+s5], $0x1400, $0x38;
	[tilespmem:$0x1A400] =	vst v63  }
0x78: {  	_ =	swait.ge [sflag:s19], $0x1400  }
0x79: {  	[sflag:s19] =	ssyncset.done $0x0  }
0x7a: {  	[sflag:s19] =	ssyncadd.s32 $0xFFFFEC00  }
0x7b: {  	[tilespmem:s20], [sflag:$0x1] =	stream.indirect.gather [spmem:s2], $0x40, s5, s22, $0xb8;
	[tilespmem:$0x1A400] =	vst v63  }
0x7c: {  	_ = 	snop  }
0x7d: {  	[tilespmem:s23], [sflag:$0x2] =	stream.indirect.gather [spmem:s2], $0x40, s22, s22, $0xb8;
	[tilespmem:$0x1A400] =	vst v63  }
0x7e: {  	_ =	swait.ge [sflag:s24], $0x2000  }
0x7f: {  	[sflag:s24] =	ssyncset.done $0x0  }
0x80: {  	s1 =	simm.s32 $0x1400;
	[sflag:s24] =	ssyncadd.s32 $0xFFFFE000  }
0x81: {  	[spmem:s3] =	stream.indirect.scatter.add.f32 [tilespmem:s20], [sflag:$0x3], $0x40, s1, s22, $0xb8;
	[tilespmem:$0x1A400] =	vst v63  }
0x82: {  	_ =	swait.ge [sflag:s25], $0x2000  }
0x83: {  	[sflag:s25] =	ssyncset.done $0x0  }
0x84: {  	s4 =	simm.s32 $0x1480;
	[sflag:s25] =	ssyncadd.s32 $0xFFFFE000  }
0x85: {  	[spmem:s3] =	stream.indirect.scatter.add.f32 [tilespmem:s23], [sflag:$0x4], $0x40, s4, s22, $0xb8;
	[tilespmem:$0x1A400] =	vst v63  }
0x86: {  	_ =	swait.ge [sflag:s26], $0x2000  }
0x87: {  	[sflag:s26] =	ssyncset.done $0x0  }
0x88: {  	s5 =	simm.s32 $0x100;
	[sflag:s26] =	ssyncadd.s32 $0xFFFFE000  }
0x89: {  	[tilespmem:s20], [sflag:$0x1] =	stream.indirect.gather [spmem:s2], $0x40, s5, s22, $0xb8;
	[tilespmem:$0x1A400] =	vst v63  }
0x8a: {  	_ =	swait.ge [sflag:s28], $0x2000  }
0x8b: {  	[sflag:s28] =	ssyncset.done $0x0  }
0x8c: {  	s0 =	simm.s32 $0x180;
	s1 =	simm.s32 $0x400;
	[sflag:s28] =	ssyncadd.s32 $0xFFFFE000  }
.LBB2_6:
0x8d: {  	[tilespmem:s23], [sflag:$0x2] =	stream.indirect.gather [spmem:s2], $0x40, s0, s22, $0xb8;
	[tilespmem:$0x1A400] =	vst v63  }
0x8e: {  	s0 =	smov.u32 s1  }
0x8f: {  	p0 =	sne.s32 s1, $0x4800;
	s1 =	sadd.s32 $0x400, s1;
	_ =	swait.ge [sflag:s24], $0x2000  }
0x90: {  	s0 =	sshra.s32 s0, $0x2;
	[sflag:s24] =	ssyncset.done $0x0  }
0x91: {  	s4 =	sadd.s32 $0x1400, s0;
	[sflag:s24] =	ssyncadd.s32 $0xFFFFE000  }
0x92: {  	[spmem:s3] =	stream.indirect.scatter.add.f32 [tilespmem:s20], [sflag:$0x3], $0x40, s4, s22, $0xb8;
	[tilespmem:$0x1A400] =	vst v63  }
0x93: {  	_ =	swait.ge [sflag:s25], $0x2000  }
0x94: {  	[sflag:s25] =	ssyncset.done $0x0  }
0x95: {  	s4 =	sadd.s32 $0x1480, s0;
	[sflag:s25] =	ssyncadd.s32 $0xFFFFE000  }
0x96: {  	[spmem:s3] =	stream.indirect.scatter.add.f32 [tilespmem:s23], [sflag:$0x4], $0x40, s4, s22, $0xb8;
	[tilespmem:$0x1A400] =	vst v63  }
0x97: {  	_ =	swait.ge [sflag:s26], $0x2000  }
0x98: {  	[sflag:s26] =	ssyncset.done $0x0  }
.Ltmp2:
0x99: {  	s4 =	sadd.s32 $0x100, s0;
	[sflag:s26] =	ssyncadd.s32 $0xFFFFE000;
	(pc) =	sbr.rel @p0 .LBB2_6-.Ltmp2, $4  }
0x9a: {  	[tilespmem:s20], [sflag:$0x1] =	stream.indirect.gather [spmem:s2], $0x40, s4, s22, $0xb8;
	[tilespmem:$0x1A400] =	vst v63  }
0x9b: {  	_ =	swait.ge [sflag:s28], $0x2000  }
0x9c: {  	[sflag:s28] =	ssyncset.done $0x0  }
0x9d: {  	s0 =	sadd.s32 $0x180, s0;
	[sflag:s28] =	ssyncadd.s32 $0xFFFFE000  }
0x9e: {  	[tilespmem:s23], [sflag:$0x2] =	stream.indirect.gather [spmem:s2], $0x40, s0, s22, $0xb8;
	[tilespmem:$0x1A400] =	vst v63  }
0x9f: {  	_ =	swait.ge [sflag:s24], $0x2000  }
0xa0: {  	[sflag:s24] =	ssyncset.done $0x0  }
0xa1: {  	[sflag:s24] =	ssyncadd.s32 $0xFFFFE000  }
0xa2: {  	[spmem:s3] =	stream.indirect.scatter.add.f32 [tilespmem:s20], [sflag:$0x3], $0x40, s29, s22, $0xb8;
	[tilespmem:$0x1A400] =	vst v63  }
0xa3: {  	_ =	swait.ge [sflag:s25], $0x2000  }
0xa4: {  	[sflag:s25] =	ssyncset.done $0x0  }
0xa5: {  	[sflag:s25] =	ssyncadd.s32 $0xFFFFE000  }
0xa6: {  	[spmem:s3] =	stream.indirect.scatter.add.f32 [tilespmem:s23], [sflag:$0x4], $0x40, s30, s22, $0xb8;
	[tilespmem:$0x1A400] =	vst v63  }
0xa7: {  	_ =	swait.ge [sflag:s26], $0x2000  }
0xa8: {  	[sflag:s26] =	ssyncset.done $0x0  }
0xa9: {  	[sflag:s26] =	ssyncadd.s32 $0xFFFFE000  }
0xaa: {  	_ =	swait.ge [sflag:s28], $0x2000  }
0xab: {  	s31 =	sadd.s32 $0x1, s31;
	[sflag:s28] =	ssyncset.done $0x0  }
0xac: {  	p0 =	sne.s32 s31, s17;
	[sflag:s28] =	ssyncadd.s32 $0xFFFFE000  }
.Ltmp3:
0xad: {  	s5 =	sshrl.u32 s7, $0x3;
	[bflag:$0x0] =	sbarrier.arrive $0xFFFF;
	(pc) =	sbr.rel @p0 .LBB2_1-.Ltmp3, $4  }
0xae: {  	[hbm:s16], [sflag:s6] =	dma.local [spmem:s5], $0x13C0  }
0xaf: {  	_ =	swait.ge [sflag:s19], $0x13C0  }
0xb0: {  	[sflag:s19] =	ssyncset.done $0x0  }
0xb1: {  	[sflag:s19] =	ssyncadd.s32 $0xFFFFEC40  }
0xb2: {  	_ =	sfence.sel $0x180000  }
0xb3: {  	[bflag:$0x0] =	sbarrier.arrive $0xFFFF  }
0xb4: {  	_ =	strace $0x9000004A  }
0xb5: {  	s0 =	stileid.u32;
	[bflag:$0x2] =	sbarrier.arrive $0xFFFF  }
0xb6: {  	p0 =	sne.s32 s0, $0x0;
	s0 =	rddreg [dreg:$0x4]  }
0xb7: {  	s0 =	sadd.s32 @!p0 $0x100000, s0  }
0xb8: {  	[sflag:s0] =	ssyncadd.tile.s32 @!p0 $0x1;
	_ =	shalt  }
.Lfunc_end2:
_tile_overlayer_lowered:
.L_overlay_start_2:
0xb9: {  	(tag) =	ssettag $0x2  }
0xba: {  	s0 =	rddreg [dreg:$0x0];
	s2 =	stileid.u32  }
0xbb: {  	s1 =	rddreg [dreg:$0x1];
	p0 =	sne.s32 s2, $0x0  }
0xbc: {  	s3 =	rddreg [dreg:$0x2];
	[bflag:$0x3] =	sbarrier.arrive $0xFFFF;
	s2 =	simm.s32 @!p0 $0x1C05  }
0xbd: {  	[timem:s3], [sflag:s2] =	dma.local @!p0 [hbm:s0], s1  }
0xbe: {  	s0 =	simm.s32 @!p0 $0x5  }
0xbf: {  	_ =	swait.ge @!p0 [sflag:s0], s1  }
0xc0: {  	s1 =	ssub.s32 @!p0 $0x0, s1;
	[sflag:s0] =	ssyncset.done @!p0 $0x0  }
0xc1: {  	[sflag:s0] =	ssyncadd.s32 @!p0 s1  }
0xc2: {  	[bflag:$0x3] =	sbarrier.arrive $0xFFFF  }
0xc3: {  	_ =	shalt  }

// kernel: kernel.7.cloned.1.call-start
scs
__scs_entry_jumppad:
0x0: {  	(pc) =	sbr.rel $0x88, $3  }
0x1: {  	(tag) =	ssettag $0x0;
	lr =	simm.s32 $0x1  }
0x2: {  	[smem:$0x3F89] =	sst lr;
	_ =	strace $0xD0000000  }
0x3: {  	_ = 	snop  }
0x4: {  	_ = 	snop  }
0x5: {  	_ = 	snop  }
0x6: {  	_ = 	snop  }
0x7: {  	_ = 	snop  }
__scs_overlays_trampoline_lowered:
0x8: {  	[smem:$0x3F98] =	sst s0  }
0x9: {  	[smem:$0x3F99] =	sst s1  }
0xa: {  	[smem:$0x3F9A] =	sst s2  }
0xb: {  	[smem:$0x3F9B] =	sst s3  }
0xc: {  	[smem:$0x3F9C] =	sst s4  }
0xd: {  	[smem:$0x3F9D] =	sst s5  }
0xe: {  	[smem:$0x3F9E] =	sst s6  }
0xf: {  	[smem:$0x3F9F] =	sst s7  }
0x10: {  	[smem:$0x3FA0] =	sst s8  }
0x11: {  	[smem:$0x3FA1] =	sst s9;
	s0 =	simm.s32 @!p0 $0x0  }
0x12: {  	s1 =	sld [smem:$0x3F87];
	s0 =	simm.s32 @p0 $0x1  }
0x13: {  	[smem:$0x3FA2] =	sst s0;
	s0 =	simm.s32 @!p1 $0x0  }
0x14: {  	s2 =	sld [smem:$0x3F86];
	s0 =	simm.s32 @p1 $0x1  }
0x15: {  	[smem:$0x3FA3] =	sst s0;
	s0 =	simm.s32 @!p2 $0x0  }
0x16: {  	s3 =	sld [smem:$0x3FDB];
	s0 =	simm.s32 @p2 $0x1  }
0x17: {  	s4 =	simm.s32 $0x1BF5;
	[smem:$0x3FA5] =	sst s0  }
0x18: {  	s0 =	sld [smem:$0x3F88];
	_ =	swait.ge [sflag:s4], $0x0  }
0x19: {  	s7 =	sld [smem:$0x3F89]  }
0x1a: {  	s8 =	sadd.s32 $0xFFFFE003, lr  }
0x1b: {  	s9 =	sadd.s32 $0xFFFFFEF7, lr;
	s5 =	simm.s32 $0xFFFFFFFF;
	p2 =	slt.u32 s8, $0xFFFFF086  }
0x1c: {  	p1 =	slt.u32 s9, $0xF7A;
	s5 =	simm.s32 @!p2 $0x0  }
0x1d: {  	s5 =	simm.s32 @p1 $0x1;
	p0 =	seq.s32 s7, s2  }
0x1e: {  	s7 =	smul.u32 @!p0 $0xF7A, s2;
	p2 =	seq.s32 @!p0 s5, $0x0  }
0x1f: {  	s9 =	smul.u32 $0xF7A, s1;
	s8 =	simm.s32 @!p0 $0x1BF5;
	p2 =	por !p2, p0  }
0x20: {  	[sflag:s8] =	ssyncset.s32 @!p0 $0xFFFFF086;
	s6 =	sadd.s32 @!p0 s3, s7;
	s7 =	simm.s32 @!p0 $0x108  }
0x21: {  	s3 =	sadd.s32 s3, s9;
	s6 =	sadd.s32 @!p0 $0x88, s6;
	s7 =	simm.s32 @p2 $0x1082  }
0x22: {  	[simem:s7], [sflag:s8] =	dma.local @!p0 [hbm:s6], $0xF7A  }
0x23: {  	s9 =	sor.u32 $0xD0000000, s2;
	s6 =	simm.s32 $0x108;
	_ =	swait.ge @!p0 [sflag:s8], $0x0  }
0x24: {  	s3 =	sadd.s32 $0x88, s3;
	s6 =	simm.s32 @!p1 $0x1082;
	[sflag:s4] =	ssyncset.s32 $0xFFFFF086  }
0x25: {  	[simem:s6], [sflag:s4] =	dma.local [hbm:s3], $0xF7A  }
0x26: {  	[smem:$0x3F89] =	sst s1;
	(tag) =	ssettag s2;
	_ =	strace s9  }
0x27: {  	s1 =	sld [smem:$0x3F99]  }
0x28: {  	s2 =	sld [smem:$0x3F9A]  }
0x29: {  	s4 =	sld [smem:$0x3F9C]  }
0x2a: {  	p0 =	seq.s32 s5, $0x0;
	s5 =	sld [smem:$0x3F9D]  }
0x2b: {  	s6 =	sld [smem:$0x3F9E]  }
0x2c: {  	s7 =	sld [smem:$0x3F9F]  }
0x2d: {  	s3 =	simm.s32 $0x108;
	s8 =	sld [smem:$0x3FA0]  }
0x2e: {  	s3 =	simm.s32 @!p0 $0x1082;
	s9 =	sld [smem:$0x3FA1]  }
0x2f: {  	lr =	sadd.s32 s0, s3;
	s0 =	sld [smem:$0x3F98]  }
0x30: {  	s3 =	sld [smem:$0x3F9B]  }
0x31: {  	[smem:$0x3FA4] =	sst s10  }
0x32: {  	s10 =	sld [smem:$0x3FA2];
	_ =	sdelay $0x3  }
0x33: {  	p0 =	seq.s32 s10, $0x1;
	s10 =	sld [smem:$0x3FA4];
	_ =	sdelay $0x3  }
0x34: {  	[smem:$0x3FA4] =	sst s10  }
0x35: {  	s10 =	sld [smem:$0x3FA3];
	_ =	sdelay $0x3  }
0x36: {  	p1 =	seq.s32 s10, $0x1;
	s10 =	sld [smem:$0x3FA4];
	_ =	sdelay $0x3  }
0x37: {  	[smem:$0x3FA4] =	sst s10  }
0x38: {  	s10 =	sld [smem:$0x3FA5]  }
0x39: {  	_ = 	snop;
	(pc) =	sbr.ind lr, $3  }
0x3a: {  	_ = 	snop  }
0x3b: {  	_ = 	snop  }
0x3c: {  	p2 =	seq.s32 s10, $0x1;
	s10 =	sld [smem:$0x3FA4]  }
0x3d: {  	_ =	shalt  }
0x3e: {  	_ =	shalt  }
0x3f: {  	_ =	shalt  }
0x40: {  	_ =	shalt  }
0x41: {  	_ =	shalt  }
0x42: {  	_ =	shalt  }
0x43: {  	_ =	shalt  }
0x44: {  	_ =	shalt  }
0x45: {  	_ =	shalt  }
0x46: {  	_ =	shalt  }
0x47: {  	_ =	shalt  }
0x48: {  	_ =	shalt  }
0x49: {  	_ =	shalt  }
0x4a: {  	_ =	shalt  }
0x4b: {  	_ =	shalt  }
0x4c: {  	_ =	shalt  }
0x4d: {  	_ =	shalt  }
0x4e: {  	_ =	shalt  }
0x4f: {  	_ =	shalt  }
0x50: {  	_ =	shalt  }
0x51: {  	_ =	shalt  }
0x52: {  	_ =	shalt  }
0x53: {  	_ =	shalt  }
0x54: {  	_ =	shalt  }
0x55: {  	_ =	shalt  }
0x56: {  	_ =	shalt  }
0x57: {  	_ =	shalt  }
0x58: {  	_ =	shalt  }
0x59: {  	_ =	shalt  }
0x5a: {  	_ =	shalt  }
0x5b: {  	_ =	shalt  }
0x5c: {  	_ =	shalt  }
0x5d: {  	_ =	shalt  }
0x5e: {  	_ =	shalt  }
0x5f: {  	_ =	shalt  }
0x60: {  	_ =	shalt  }
0x61: {  	_ =	shalt  }
0x62: {  	_ =	shalt  }
0x63: {  	_ =	shalt  }
0x64: {  	_ =	shalt  }
0x65: {  	_ =	shalt  }
0x66: {  	_ =	shalt  }
0x67: {  	_ =	shalt  }
0x68: {  	_ =	shalt  }
0x69: {  	_ =	shalt  }
0x6a: {  	_ =	shalt  }
0x6b: {  	_ =	shalt  }
0x6c: {  	_ =	shalt  }
0x6d: {  	_ =	shalt  }
0x6e: {  	_ =	shalt  }
0x6f: {  	_ =	shalt  }
0x70: {  	_ =	shalt  }
0x71: {  	_ =	shalt  }
0x72: {  	_ =	shalt  }
0x73: {  	_ =	shalt  }
0x74: {  	_ =	shalt  }
0x75: {  	_ =	shalt  }
0x76: {  	_ =	shalt  }
0x77: {  	_ =	shalt  }
0x78: {  	_ =	shalt  }
0x79: {  	_ =	shalt  }
0x7a: {  	_ =	shalt  }
0x7b: {  	_ =	shalt  }
0x7c: {  	_ =	shalt  }
0x7d: {  	_ =	shalt  }
0x7e: {  	_ =	shalt  }
0x7f: {  	_ =	shalt  }
0x80: {  	_ =	shalt  }
0x81: {  	_ =	shalt  }
0x82: {  	_ =	shalt  }
0x83: {  	_ =	shalt  }
0x84: {  	_ =	shalt  }
0x85: {  	_ =	shalt  }
0x86: {  	_ =	shalt  }
0x87: {  	_ =	shalt  }
.Lfunc_end0:
.L_simem_size_0:
called_computation_lowered:
.L_overlay_start_0:
0x88: {  	s2 =	sld [smem:$0x3FD9]  }
0x89: {  	s3 =	sld [smem:$0x3FFE];
	_ =	sdelay $0x1  }
0x8a: {  	s1 =	srdreg.scid  }
0x8b: {  	s0 =	sand.u32 $0x1, s1  }
0x8c: {  	s17 =	sshll.u32 s0, $0xA;
	s2 =	sadd.s32 s3, s2  }
0x8d: {  	s2 =	sadd.s32 s2, s17  }
0x8e: {  	[smem:$0x3FB0] =	sst s2  }
0x8f: {  	_ = 	snop  }
0x90: {  	s2 =	sld [smem:$0x3FD0];
	(tm) =	ssettm $0x1  }
0x91: {  	s18 =	sld [smem:$0x3FFB];
	_ =	sdelay $0x3  }
0x92: {  	_ =	strace s18  }
0x93: {  	s3 =	sld [smem:$0x3FFC];
	_ =	sdelay $0x3  }
0x94: {  	_ =	strace s3  }
0x95: {  	s3 =	sld [smem:$0x3FFD];
	_ =	sdelay $0x3  }
0x96: {  	_ =	strace s3  }
0x97: {  	_ =	strace $0x8FFFFFFF  }
0x98: {  	s19 =	sld [smem:$0x3FDB];
	_ =	sdelay $0x1  }
0x99: {  	s4 =	simm.s32 $_scs_section_size  }
0x9a: {  	s5 =	simm.s32 $_size__tile_overlayer_lowered;
	s6 =	simm.s32 $_tile_overlayer_lowered  }
0x9b: {  	s22 =	simm.s32 $0x1BFF;
	s21 =	sshll.u32 s6, $0x1;
	s3 =	sadd.s32 s4, s19  }
0x9c: {  	s7 =	simm.s32 $0x0;
	s20 =	sshll.u32 s5, $0x1;
	s5 =	sadd.s32 s21, s3  }
0x9d: {  	[timem:s7], [sflag:s22] =	dma.local [hbm:s5], s20  }
0x9e: {  	_ =	swait.ge [sflag:s22], s20  }
0x9f: {  	s4 =	ssub.s32 $0x0, s20;
	[sflag:s22] =	ssyncset.done $0x0  }
0xa0: {  	[sflag:s22] =	ssyncadd.s32 s4;
	_ =	sdelay $0x1  }
0xa1: {  	s23 =	simm.s32 $0x1B8B  }
0xa2: {  	_ =	swait.ge [sflag:s23], $0x1  }
0xa3: {  	[sflag:s23] =	ssyncset.done $0x0  }
0xa4: {  	s25 =	simm.s32 $0x1B8E;
	s24 =	sld [smem:$0x3FFE];
	[sflag:s23] =	ssyncadd.s32 $0xFFFFFFFF  }
0xa5: {  	s26 =	simm.s32 $execute0_lowered;
	[smem:$0x3FD2] =	sst s25  }
0xa6: {  	s5 =	sshll.u32 s26, $0x1;
	_ =	strace $0x80000046;
	[dreg:$0x1] =	wrdreg $0xFFFFFFFF  }
0xa7: {  	s28 =	simm.s32 $_size_execute0_lowered;
	s3 =	sadd.s32 s3, s5;
	[dreg:$0x0] =	wrdreg $0x0  }
0xa8: {  	s5 =	sshll.u32 s28, $0x1;
	[dreg:$0x2] =	wrdreg s3  }
0xa9: {  	[dreg:$0x3] =	wrdreg s5  }
0xaa: {  	[dreg:$0x4] =	wrdreg $0xC0  }
0xab: {  	_ =	task [dreg:s7], $0x5FFFF  }
0xac: {  	[dreg:$0x1] =	wrdreg $0xFFFFFFFF  }
0xad: {  	[dreg:$0x0] =	wrdreg $0x60  }
0xae: {  	[dreg:$0x2] =	wrdreg s2  }
0xaf: {  	[dreg:$0x3] =	wrdreg s24  }
0xb0: {  	[dreg:$0x4] =	wrdreg $0x106000  }
0xb1: {  	[dreg:$0x5] =	wrdreg $0x68000  }
0xb2: {  	[dreg:$0x6] =	wrdreg $0x9  }
0xb3: {  	_ =	task.clear_ibuf [dreg:s7], $0x7FFFF;
	_ =	strace $0x90000046  }
0xb4: {  	s29 =	simm.s32 $0x9;
	_ =	strace $0x80000048  }
0xb5: {  	_ =	swait.ge [sflag:s29], $0x1  }
0xb6: {  	[sflag:s29] =	ssyncadd.s32 $0xFFFFFFFF  }
0xb7: {  	_ =	strace $0x90000048  }
0xb8: {  	_ =	sfence  }
0xb9: {  	s30 =	sld [smem:$0x0];
	_ =	sdelay $0x2  }
0xba: {  	s31 =	sshll.u32 s1, $0xD;
	s1 =	sshrl.u32 s1, $0x2  }
0xbb: {  	s3 =	sand.u32 $0x4000, s31;
	s1 =	sadd.s32 s1, s30  }
0xbc: {  	s0 =	sor.u32 s3, s0;
	s1 =	sshll.u32 s1, $0x11  }
0xbd: {  	s0 =	sor.u32 s1, s0  }
0xbe: {  	s0 =	sadd.s32 $0x8F2B, s0  }
0xbf: {  	[sflag:s0] =	ssyncadd.remote.s32 $0x1  }
0xc0: {  	_ =	sfence.sel $0xFFFF  }
0xc1: {  	[dreg:$0x0] =	wrdreg $0xFFFFFFFF;
	(pc) =	sbr.abs _section_cstart, $3  }
0xc2: {  	[dreg:$0x1] =	wrdreg $0xFFFFFFFF  }
0xc3: {  	_ =	task.clear_ibuf [dreg:s7], $0x2FFFF;
	_ =	strace $0x9FFFFFFF  }
0xc4: {  	(tm) =	ssettm $0x7FFFFFFF  }
0xc5: {  	_ =	shalt  }
tec
execute0_lowered:
.L_overlay_start_1:
0x0: {  	(tag) =	ssettag $0x1  }
0x1: {  	s0 =	rddreg [dreg:$0x0]  }
0x2: {  	s1 =	rddreg [dreg:$0x1]  }
0x3: {  	s2 =	rddreg [dreg:$0x2]  }
0x4: {  	s4 =	srdreg.scid;
	s8 =	stileid.u32  }
0x5: {  	s3 =	rddreg [dreg:$0x3];
	s6 =	simm.s32 $0x0;
	s28 =	simm.s32 $0x4  }
0x6: {  	s29 =	simm.s32 $0x2700;
	s30 =	simm.s32 $0x2780;
	s31 =	simm.s32 $0x0  }
0x7: {  	s4 =	sand.u32 $0x1, s4;
	s7 =	smul.u32 $0x9E00, s8;
	[smem:$0x7FF] =	sst s6  }
0x8: {  	s14 =	sadd.s32 $0xCE00, s1;
	s15 =	sadd.s32 $0x2E00, s1;
	s21 =	smul.u32 $0x27800, s8  }
0x9: {  	s23 =	sshll.u32 s8, $0x6;
	s5 =	smul.u32 $0x9E000, s4;
	_ =	strace $0x80000047  }
0xa: {  	s19 =	ssub.s32 $0x2, s4;
	s4 =	sshll.u32 s4, $0x4;
	s6 =	sor.u32 $0x1C05, s23  }
0xb: {  	s23 =	simm.s32 $0x4800;
	s20 =	sshrl.u32 s19, $0x1;
	s4 =	sor.u32 s8, s4  }
0xc: {  	s18 =	sadd.s32 s7, s2;
	s22 =	sshrl.u32 s7, $0x3;
	s24 =	sshrl.u32 s21, $0x2  }
0xd: {  	s21 =	simm.s32 $0x1400;
	s5 =	sadd.s32 s7, s5;
	s17 =	ssub.s32 s19, s20  }
0xe: {  	s0 =	sadd.s32 s0, s22;
	s25 =	sadd.s32 s24, s3;
	s11 =	smul.u32 $0x2800, s4  }
0xf: {  	s7 =	sadd.s32 s7, s3;
	s4 =	smul.u32 $0x500, s4;
	s18 =	sshrl.u32 s18, $0x3  }
0x10: {  	s19 =	simm.s32 $0x5;
	s20 =	simm.s32 $0x2800;
	s22 =	simm.s32 $0x80  }
0x11: {  	s24 =	simm.s32 $0x1;
	s5 =	sshrl.u32 s5, $0x3;
	[dreg:$0x5] =	wrdreg s0  }
0x12: {  	s8 =	sadd.s32 $0x2000, s25;
	s9 =	sadd.s32 $0x4000, s25;
	s10 =	sadd.s32 $0x6000, s25  }
0x13: {  	s17 =	smax.u32 s17, $0x1;
	s1 =	sadd.s32 s5, s1;
	s13 =	sshrl.u32 s11, $0x3  }
0x14: {  	s11 =	sadd.s32 $0x8000, s25;
	s12 =	sadd.s32 s14, s4;
	s25 =	simm.s32 $0x2  }
0x15: {  	s26 =	sadd.s32 $0x280, s13;
	s13 =	sadd.s32 s15, s4;
	s16 =	sadd.s32 $0x16E00, s1  }
0x16: {  	v0 =	vimm.f32 $0.0e+00;
	s14 =	sadd.s32 s14, s26;
	s15 =	sadd.s32 s15, s26;
	s26 =	simm.s32 $0x3  }
.LBB2_1:
0x17: {  	s0 =	rddreg [dreg:$0x5];
	s1 =	simm.s32 $0x0  }
0x18: {  	[spmem:s18], [sflag:s6] =	dma.local [hbm:s0], $0x13C0  }
0x19: {  	s5 =	sand.u32 $0x7F00, s1;
	s4 =	sand.u32 $0x30, s1;
	_ =	swait.ge [sflag:s19], $0x13C0  }
0x1a: {  	s1 =	simm.s32 $0x40;
	s0 =	sshrl.u32 s5, $0x2;
	[sflag:s19] =	ssyncset.done $0x0  }
0x1b: {  	s4 =	sor.u32 s4, s0;
	s0 =	simm.s32 $0x0;
	[sflag:s19] =	ssyncadd.s32 $0xFFFFEC40  }
.LBB2_2:
0x1c: {  	p0 =	sne.s32 s1, $0x7FC0  }
0x1d: {  	[tilespmem:s4+$0x2800] =	vst v0;
	s0 =	sadd.s32 $0x10, s0;
	s4 =	smov.u32 s1;
	s1 =	sadd.s32 $0x40, s1  }
.Ltmp0:
0x1e: {  	(pc) =	sbr.rel @p0 .LBB2_2-.Ltmp0, $4  }
0x1f: {  	_ = 	snop  }
0x20: {  	s4 =	sand.u32 $0x7F00, s4  }
0x21: {  	s5 =	sand.u32 $0x30, s0;
	s4 =	sshrl.u32 s4, $0x2  }
0x22: {  	s4 =	sor.u32 s5, s4  }
0x23: {  	[tilespmem:s4+$0x2800] =	vst v0  }
0x24: {  	[spmem:s7] =	stream.linear.scatter [tilespmem:s20], [sflag:$0x5], $0x2000, $0x38;
	[tilespmem:$0x1A400] =	vst v63  }
0x25: {  	_ =	swait.ge [sflag:s19], $0x2000  }
0x26: {  	[sflag:s19] =	ssyncset.done $0x0  }
0x27: {  	[sflag:s19] =	ssyncadd.s32 $0xFFFFE000  }
0x28: {  	[spmem:s8] =	stream.linear.scatter [tilespmem:s20], [sflag:$0x5], $0x2000, $0x38;
	[tilespmem:$0x1A400] =	vst v63  }
0x29: {  	_ =	swait.ge [sflag:s19], $0x2000  }
0x2a: {  	[sflag:s19] =	ssyncset.done $0x0  }
0x2b: {  	[sflag:s19] =	ssyncadd.s32 $0xFFFFE000  }
0x2c: {  	[spmem:s9] =	stream.linear.scatter [tilespmem:s20], [sflag:$0x5], $0x2000, $0x38;
	[tilespmem:$0x1A400] =	vst v63  }
0x2d: {  	_ =	swait.ge [sflag:s19], $0x2000  }
0x2e: {  	[sflag:s19] =	ssyncset.done $0x0  }
0x2f: {  	[sflag:s19] =	ssyncadd.s32 $0xFFFFE000  }
0x30: {  	[spmem:s10] =	stream.linear.scatter [tilespmem:s20], [sflag:$0x5], $0x2000, $0x38;
	[tilespmem:$0x1A400] =	vst v63  }
0x31: {  	_ =	swait.ge [sflag:s19], $0x2000  }
0x32: {  	[sflag:s19] =	ssyncset.done $0x0  }
0x33: {  	[sflag:s19] =	ssyncadd.s32 $0xFFFFE000  }
0x34: {  	[spmem:s11] =	stream.linear.scatter [tilespmem:s20], [sflag:$0x5], $0x1E00, $0x38;
	[tilespmem:$0x1A400] =	vst v63  }
0x35: {  	_ =	swait.ge [sflag:s19], $0x1E00  }
0x36: {  	[sflag:s19] =	ssyncset.done $0x0  }
0x37: {  	[sflag:s19] =	ssyncadd.s32 $0xFFFFE200  }
0x38: {  	s0 =	simm.s32 $0x0;
	[bflag:$0x0] =	sbarrier.arrive $0xFFFF  }
0x39: {  	[tilespmem:s0], [sflag:$0x5] =	stream.linear.gather [hbm4b:s12+s0], $0x1400, $0x38;
	[tilespmem:$0x1A400] =	vst v63  }
0x3a: {  	_ =	swait.ge [sflag:s19], $0x1400  }
0x3b: {  	[sflag:s19] =	ssyncset.done $0x0  }
0x3c: {  	[sflag:s19] =	ssyncadd.s32 $0xFFFFEC00  }
0x3d: {  	[tilespmem:s21], [sflag:$0x5] =	stream.linear.gather [hbm4b:s13+s0], $0x1400, $0x38;
	[tilespmem:$0x1A400] =	vst v63  }
0x3e: {  	_ =	swait.ge [sflag:s19], $0x1400  }
0x3f: {  	[sflag:s19] =	ssyncset.done $0x0  }
0x40: {  	[sflag:s19] =	ssyncadd.s32 $0xFFFFEC00  }
0x41: {  	[tilespmem:s20], [sflag:$0x1] =	stream.indirect.gather [spmem:s2], $0x40, s0, s22, $0xb8;
	[tilespmem:$0x1A400] =	vst v63  }
0x42: {  	_ = 	snop  }
0x43: {  	[tilespmem:s23], [sflag:$0x2] =	stream.indirect.gather [spmem:s2], $0x40, s22, s22, $0xb8;
	[tilespmem:$0x1A400] =	vst v63  }
0x44: {  	_ =	swait.ge [sflag:s24], $0x2000  }
0x45: {  	[sflag:s24] =	ssyncset.done $0x0  }
0x46: {  	s1 =	simm.s32 $0x1400;
	[sflag:s24] =	ssyncadd.s32 $0xFFFFE000  }
0x47: {  	[spmem:s3] =	stream.indirect.scatter.add.f32 [tilespmem:s20], [sflag:$0x3], $0x40, s1, s22, $0xb8;
	[tilespmem:$0x1A400] =	vst v63  }
0x48: {  	_ =	swait.ge [sflag:s25], $0x2000  }
0x49: {  	[sflag:s25] =	ssyncset.done $0x0  }
0x4a: {  	s4 =	simm.s32 $0x1480;
	[sflag:s25] =	ssyncadd.s32 $0xFFFFE000  }
0x4b: {  	[spmem:s3] =	stream.indirect.scatter.add.f32 [tilespmem:s23], [sflag:$0x4], $0x40, s4, s22, $0xb8;
	[tilespmem:$0x1A400] =	vst v63  }
0x4c: {  	_ =	swait.ge [sflag:s26], $0x2000  }
0x4d: {  	[sflag:s26] =	ssyncset.done $0x0  }
0x4e: {  	s5 =	simm.s32 $0x100;
	[sflag:s26] =	ssyncadd.s32 $0xFFFFE000  }
0x4f: {  	[tilespmem:s20], [sflag:$0x1] =	stream.indirect.gather [spmem:s2], $0x40, s5, s22, $0xb8;
	[tilespmem:$0x1A400] =	vst v63  }
0x50: {  	_ =	swait.ge [sflag:s28], $0x2000  }
0x51: {  	[sflag:s28] =	ssyncset.done $0x0  }
0x52: {  	s0 =	simm.s32 $0x180;
	s1 =	simm.s32 $0x400;
	[sflag:s28] =	ssyncadd.s32 $0xFFFFE000  }
.LBB2_4:
0x53: {  	[tilespmem:s23], [sflag:$0x2] =	stream.indirect.gather [spmem:s2], $0x40, s0, s22, $0xb8;
	[tilespmem:$0x1A400] =	vst v63  }
0x54: {  	s0 =	smov.u32 s1  }
0x55: {  	p0 =	sne.s32 s1, $0x4800;
	s1 =	sadd.s32 $0x400, s1;
	_ =	swait.ge [sflag:s24], $0x2000  }
0x56: {  	s0 =	sshra.s32 s0, $0x2;
	[sflag:s24] =	ssyncset.done $0x0  }
0x57: {  	s4 =	sadd.s32 $0x1400, s0;
	[sflag:s24] =	ssyncadd.s32 $0xFFFFE000  }
0x58: {  	[spmem:s3] =	stream.indirect.scatter.add.f32 [tilespmem:s20], [sflag:$0x3], $0x40, s4, s22, $0xb8;
	[tilespmem:$0x1A400] =	vst v63  }
0x59: {  	_ =	swait.ge [sflag:s25], $0x2000  }
0x5a: {  	[sflag:s25] =	ssyncset.done $0x0  }
0x5b: {  	s4 =	sadd.s32 $0x1480, s0;
	[sflag:s25] =	ssyncadd.s32 $0xFFFFE000  }
0x5c: {  	[spmem:s3] =	stream.indirect.scatter.add.f32 [tilespmem:s23], [sflag:$0x4], $0x40, s4, s22, $0xb8;
	[tilespmem:$0x1A400] =	vst v63  }
0x5d: {  	_ =	swait.ge [sflag:s26], $0x2000  }
0x5e: {  	[sflag:s26] =	ssyncset.done $0x0  }
.Ltmp1:
0x5f: {  	s4 =	sadd.s32 $0x100, s0;
	[sflag:s26] =	ssyncadd.s32 $0xFFFFE000;
	(pc) =	sbr.rel @p0 .LBB2_4-.Ltmp1, $4  }
0x60: {  	[tilespmem:s20], [sflag:$0x1] =	stream.indirect.gather [spmem:s2], $0x40, s4, s22, $0xb8;
	[tilespmem:$0x1A400] =	vst v63  }
0x61: {  	_ =	swait.ge [sflag:s28], $0x2000  }
0x62: {  	[sflag:s28] =	ssyncset.done $0x0  }
0x63: {  	s0 =	sadd.s32 $0x180, s0;
	[sflag:s28] =	ssyncadd.s32 $0xFFFFE000  }
0x64: {  	[tilespmem:s23], [sflag:$0x2] =	stream.indirect.gather [spmem:s2], $0x40, s0, s22, $0xb8;
	[tilespmem:$0x1A400] =	vst v63  }
0x65: {  	_ =	swait.ge [sflag:s24], $0x2000  }
0x66: {  	[sflag:s24] =	ssyncset.done $0x0  }
0x67: {  	[sflag:s24] =	ssyncadd.s32 $0xFFFFE000  }
0x68: {  	[spmem:s3] =	stream.indirect.scatter.add.f32 [tilespmem:s20], [sflag:$0x3], $0x40, s29, s22, $0xb8;
	[tilespmem:$0x1A400] =	vst v63  }
0x69: {  	_ =	swait.ge [sflag:s25], $0x2000  }
0x6a: {  	[sflag:s25] =	ssyncset.done $0x0  }
0x6b: {  	[sflag:s25] =	ssyncadd.s32 $0xFFFFE000  }
0x6c: {  	[spmem:s3] =	stream.indirect.scatter.add.f32 [tilespmem:s23], [sflag:$0x4], $0x40, s30, s22, $0xb8;
	[tilespmem:$0x1A400] =	vst v63  }
0x6d: {  	_ =	swait.ge [sflag:s26], $0x2000  }
0x6e: {  	[sflag:s26] =	ssyncset.done $0x0  }
0x6f: {  	[sflag:s26] =	ssyncadd.s32 $0xFFFFE000  }
0x70: {  	_ =	swait.ge [sflag:s28], $0x2000  }
0x71: {  	[sflag:s28] =	ssyncset.done $0x0  }
0x72: {  	s5 =	simm.s32 $0x0;
	[sflag:s28] =	ssyncadd.s32 $0xFFFFE000  }
0x73: {  	[tilespmem:s5], [sflag:$0x5] =	stream.linear.gather [hbm4b:s14+s5], $0x1400, $0x38;
	[tilespmem:$0x1A400] =	vst v63  }
0x74: {  	_ =	swait.ge [sflag:s19], $0x1400  }
0x75: {  	[sflag:s19] =	ssyncset.done $0x0  }
0x76: {  	[sflag:s19] =	ssyncadd.s32 $0xFFFFEC00  }
0x77: {  	[tilespmem:s21], [sflag:$0x5] =	stream.linear.gather [hbm4b:s15+s5], $0x1400, $0x38;
	[tilespmem:$0x1A400] =	vst v63  }
0x78: {  	_ =	swait.ge [sflag:s19], $0x1400  }
0x79: {  	[sflag:s19] =	ssyncset.done $0x0  }
0x7a: {  	[sflag:s19] =	ssyncadd.s32 $0xFFFFEC00  }
0x7b: {  	[tilespmem:s20], [sflag:$0x1] =	stream.indirect.gather [spmem:s2], $0x40, s5, s22, $0xb8;
	[tilespmem:$0x1A400] =	vst v63  }
0x7c: {  	_ = 	snop  }
0x7d: {  	[tilespmem:s23], [sflag:$0x2] =	stream.indirect.gather [spmem:s2], $0x40, s22, s22, $0xb8;
	[tilespmem:$0x1A400] =	vst v63  }
0x7e: {  	_ =	swait.ge [sflag:s24], $0x2000  }
0x7f: {  	[sflag:s24] =	ssyncset.done $0x0  }
0x80: {  	s1 =	simm.s32 $0x1400;
	[sflag:s24] =	ssyncadd.s32 $0xFFFFE000  }
0x81: {  	[spmem:s3] =	stream.indirect.scatter.add.f32 [tilespmem:s20], [sflag:$0x3], $0x40, s1, s22, $0xb8;
	[tilespmem:$0x1A400] =	vst v63  }
0x82: {  	_ =	swait.ge [sflag:s25], $0x2000  }
0x83: {  	[sflag:s25] =	ssyncset.done $0x0  }
0x84: {  	s4 =	simm.s32 $0x1480;
	[sflag:s25] =	ssyncadd.s32 $0xFFFFE000  }
0x85: {  	[spmem:s3] =	stream.indirect.scatter.add.f32 [tilespmem:s23], [sflag:$0x4], $0x40, s4, s22, $0xb8;
	[tilespmem:$0x1A400] =	vst v63  }
0x86: {  	_ =	swait.ge [sflag:s26], $0x2000  }
0x87: {  	[sflag:s26] =	ssyncset.done $0x0  }
0x88: {  	s5 =	simm.s32 $0x100;
	[sflag:s26] =	ssyncadd.s32 $0xFFFFE000  }
0x89: {  	[tilespmem:s20], [sflag:$0x1] =	stream.indirect.gather [spmem:s2], $0x40, s5, s22, $0xb8;
	[tilespmem:$0x1A400] =	vst v63  }
0x8a: {  	_ =	swait.ge [sflag:s28], $0x2000  }
0x8b: {  	[sflag:s28] =	ssyncset.done $0x0  }
0x8c: {  	s0 =	simm.s32 $0x180;
	s1 =	simm.s32 $0x400;
	[sflag:s28] =	ssyncadd.s32 $0xFFFFE000  }
.LBB2_6:
0x8d: {  	[tilespmem:s23], [sflag:$0x2] =	stream.indirect.gather [spmem:s2], $0x40, s0, s22, $0xb8;
	[tilespmem:$0x1A400] =	vst v63  }
0x8e: {  	s0 =	smov.u32 s1  }
0x8f: {  	p0 =	sne.s32 s1, $0x4800;
	s1 =	sadd.s32 $0x400, s1;
	_ =	swait.ge [sflag:s24], $0x2000  }
0x90: {  	s0 =	sshra.s32 s0, $0x2;
	[sflag:s24] =	ssyncset.done $0x0  }
0x91: {  	s4 =	sadd.s32 $0x1400, s0;
	[sflag:s24] =	ssyncadd.s32 $0xFFFFE000  }
0x92: {  	[spmem:s3] =	stream.indirect.scatter.add.f32 [tilespmem:s20], [sflag:$0x3], $0x40, s4, s22, $0xb8;
	[tilespmem:$0x1A400] =	vst v63  }
0x93: {  	_ =	swait.ge [sflag:s25], $0x2000  }
0x94: {  	[sflag:s25] =	ssyncset.done $0x0  }
0x95: {  	s4 =	sadd.s32 $0x1480, s0;
	[sflag:s25] =	ssyncadd.s32 $0xFFFFE000  }
0x96: {  	[spmem:s3] =	stream.indirect.scatter.add.f32 [tilespmem:s23], [sflag:$0x4], $0x40, s4, s22, $0xb8;
	[tilespmem:$0x1A400] =	vst v63  }
0x97: {  	_ =	swait.ge [sflag:s26], $0x2000  }
0x98: {  	[sflag:s26] =	ssyncset.done $0x0  }
.Ltmp2:
0x99: {  	s4 =	sadd.s32 $0x100, s0;
	[sflag:s26] =	ssyncadd.s32 $0xFFFFE000;
	(pc) =	sbr.rel @p0 .LBB2_6-.Ltmp2, $4  }
0x9a: {  	[tilespmem:s20], [sflag:$0x1] =	stream.indirect.gather [spmem:s2], $0x40, s4, s22, $0xb8;
	[tilespmem:$0x1A400] =	vst v63  }
0x9b: {  	_ =	swait.ge [sflag:s28], $0x2000  }
0x9c: {  	[sflag:s28] =	ssyncset.done $0x0  }
0x9d: {  	s0 =	sadd.s32 $0x180, s0;
	[sflag:s28] =	ssyncadd.s32 $0xFFFFE000  }
0x9e: {  	[tilespmem:s23], [sflag:$0x2] =	stream.indirect.gather [spmem:s2], $0x40, s0, s22, $0xb8;
	[tilespmem:$0x1A400] =	vst v63  }
0x9f: {  	_ =	swait.ge [sflag:s24], $0x2000  }
0xa0: {  	[sflag:s24] =	ssyncset.done $0x0  }
0xa1: {  	[sflag:s24] =	ssyncadd.s32 $0xFFFFE000  }
0xa2: {  	[spmem:s3] =	stream.indirect.scatter.add.f32 [tilespmem:s20], [sflag:$0x3], $0x40, s29, s22, $0xb8;
	[tilespmem:$0x1A400] =	vst v63  }
0xa3: {  	_ =	swait.ge [sflag:s25], $0x2000  }
0xa4: {  	[sflag:s25] =	ssyncset.done $0x0  }
0xa5: {  	[sflag:s25] =	ssyncadd.s32 $0xFFFFE000  }
0xa6: {  	[spmem:s3] =	stream.indirect.scatter.add.f32 [tilespmem:s23], [sflag:$0x4], $0x40, s30, s22, $0xb8;
	[tilespmem:$0x1A400] =	vst v63  }
0xa7: {  	_ =	swait.ge [sflag:s26], $0x2000  }
0xa8: {  	[sflag:s26] =	ssyncset.done $0x0  }
0xa9: {  	[sflag:s26] =	ssyncadd.s32 $0xFFFFE000  }
0xaa: {  	_ =	swait.ge [sflag:s28], $0x2000  }
0xab: {  	s31 =	sadd.s32 $0x1, s31;
	[sflag:s28] =	ssyncset.done $0x0  }
0xac: {  	p0 =	sne.s32 s31, s17;
	[sflag:s28] =	ssyncadd.s32 $0xFFFFE000  }
.Ltmp3:
0xad: {  	s5 =	sshrl.u32 s7, $0x3;
	[bflag:$0x0] =	sbarrier.arrive $0xFFFF;
	(pc) =	sbr.rel @p0 .LBB2_1-.Ltmp3, $4  }
0xae: {  	[hbm:s16], [sflag:s6] =	dma.local [spmem:s5], $0x13C0  }
0xaf: {  	_ =	swait.ge [sflag:s19], $0x13C0  }
0xb0: {  	[sflag:s19] =	ssyncset.done $0x0  }
0xb1: {  	[sflag:s19] =	ssyncadd.s32 $0xFFFFEC40  }
0xb2: {  	_ =	sfence.sel $0x180000  }
0xb3: {  	[bflag:$0x0] =	sbarrier.arrive $0xFFFF  }
0xb4: {  	_ =	strace $0x90000047  }
0xb5: {  	s0 =	stileid.u32;
	[bflag:$0x2] =	sbarrier.arrive $0xFFFF  }
0xb6: {  	p0 =	sne.s32 s0, $0x0;
	s0 =	rddreg [dreg:$0x4]  }
0xb7: {  	s0 =	sadd.s32 @!p0 $0x100000, s0  }
0xb8: {  	[sflag:s0] =	ssyncadd.tile.s32 @!p0 $0x1;
	_ =	shalt  }
.Lfunc_end2:
_tile_overlayer_lowered:
.L_overlay_start_2:
0xb9: {  	(tag) =	ssettag $0x2  }
0xba: {  	s0 =	rddreg [dreg:$0x0];
	s2 =	stileid.u32  }
0xbb: {  	s1 =	rddreg [dreg:$0x1];
	p0 =	sne.s32 s2, $0x0  }
0xbc: {  	s3 =	rddreg [dreg:$0x2];
	[bflag:$0x3] =	sbarrier.arrive $0xFFFF;
	s2 =	simm.s32 @!p0 $0x1C05  }
0xbd: {  	[timem:s3], [sflag:s2] =	dma.local @!p0 [hbm:s0], s1  }
0xbe: {  	s0 =	simm.s32 @!p0 $0x5  }
0xbf: {  	_ =	swait.ge @!p0 [sflag:s0], s1  }
0xc0: {  	s1 =	ssub.s32 @!p0 $0x0, s1;
	[sflag:s0] =	ssyncset.done @!p0 $0x0  }
0xc1: {  	[sflag:s0] =	ssyncadd.s32 @!p0 s1  }
0xc2: {  	[bflag:$0x3] =	sbarrier.arrive $0xFFFF  }
0xc3: {  	_ =	shalt  }

</sc_bundles>
